<compile_context>
chip_gen: v7x
topology: tpu7x:2x2x1
jax: 0.10.2.dev20260603
libtpu: 0.0.44.dev20260713+nightly
codegen_flags: <defaults>
</compile_context>

<pallas_src>
import functools

import jax
import jax.numpy as jnp
from jax import lax
from jax.experimental import pallas as pl
from jax.experimental.pallas import tpu as pltpu
from jax.experimental.pallas import tpu_sc as plsc

N_TOTAL = 50000
N_SUB = 10000
N_EDGES = 320000
D = 128
HIDDEN = 128
NREG = 10000

NPAD = 10240
NTILE = 16
ROWS_W = NPAD // NTILE
GCH = ROWS_W // 128
SBCH = 8
CHW = 128
NBLK = 20
EPAD = NTILE * NBLK * SBCH * CHW

_sc_mesh = plsc.VectorSubcoreMesh(core_axis_name="c", subcore_axis_name="s")


def _gather_body(table, idx, out, idx_v, buf0, buf1, sem0, sem1):
    c = lax.axis_index("c")
    s = lax.axis_index("s")
    bufs = (buf0, buf1)
    sems = (sem0, sem1)
    pltpu.sync_copy(idx.at[c, s], idx_v)
    pltpu.async_copy(table.at[idx_v.at[0]], buf0, sem0)
    for j in range(GCH):
        pltpu.make_async_copy(table.at[idx_v.at[j]], bufs[j % 2],
                              sems[j % 2]).wait()
        if j + 1 < GCH:
            pltpu.async_copy(table.at[idx_v.at[j + 1]], bufs[(j + 1) % 2],
                             sems[(j + 1) % 2])
        pltpu.sync_copy(bufs[j % 2],
                        out.at[c, pl.ds(s * ROWS_W + j * 128, 128)])


_gather_call = functools.partial(
    pl.kernel,
    _gather_body,
    out_type=jax.ShapeDtypeStruct((2, NPAD, D), jnp.float32),
    mesh=_sc_mesh,
    scratch_types=[
        pltpu.VMEM((GCH, 128), jnp.int32),
        pltpu.VMEM((128, D), jnp.float32),
        pltpu.VMEM((128, D), jnp.float32),
        pltpu.SemaphoreType.DMA,
        pltpu.SemaphoreType.DMA,
    ],
)


def _mm_body(x_ref, wrel_ref, wroot_ref, b_ref, xw_ref, xr_ref):
    x = x_ref[0]
    xw_ref[0] = jnp.dot(x, wrel_ref[0], preferred_element_type=jnp.float32)
    xr_ref[0] = (
        jnp.dot(x, wroot_ref[0], preferred_element_type=jnp.float32)
        + b_ref[0]
    )


def _mm_call(x, wrel, wroot, bstack):
    bm = 2048
    return pl.pallas_call(
        _mm_body,
        grid=(2, NPAD // bm),
        in_specs=[
            pl.BlockSpec((1, bm, D), lambda p, i: (p, i, 0)),
            pl.BlockSpec((1, D, D), lambda p, i: (p, 0, 0)),
            pl.BlockSpec((1, D, D), lambda p, i: (p, 0, 0)),
            pl.BlockSpec((1, 1, D), lambda p, i: (p, 0, 0)),
        ],
        out_specs=[
            pl.BlockSpec((1, bm, D), lambda p, i: (p, i, 0)),
            pl.BlockSpec((1, bm, D), lambda p, i: (p, i, 0)),
        ],
        out_shape=[
            jax.ShapeDtypeStruct((2, NPAD, D), jnp.float32),
            jax.ShapeDtypeStruct((2, NPAD, D), jnp.float32),
        ],
    )(x, wrel, wroot, bstack.reshape(2, 1, D))


def _edge_body(xw, srcp, dstp, agg_out, deg_out,
               agg_sh, deg_sh, src_a, dst_a, src_b, dst_b,
               rows0, rows1, zvec, ones_v,
               semg0, semg1, semi_s, semi_d, semsc0, semsc1):
    c = lax.axis_index("c")
    s = lax.axis_index("s")

    def _zr(i, _):
        for k in range(8):
            rows0[i, pl.ds(k * 16, 16)] = jnp.zeros((16,), jnp.float32)
        return _
    lax.fori_loop(0, CHW, _zr, None)

    def _zv(i, _):
        zvec[pl.ds(i * 16, 16)] = jnp.zeros((16,), jnp.float32)
        return _
    lax.fori_loop(0, ROWS_W // 16, _zv, None)

    def _ov(i, _):
        ones_v[pl.ds(i * 16, 16)] = jnp.ones((16,), jnp.float32)
        return _
    lax.fori_loop(0, CHW // 16, _ov, None)

    for t in range(ROWS_W // CHW):
        pltpu.sync_copy(rows0, agg_sh.at[pl.ds(s * ROWS_W + t * CHW, CHW)])
    pltpu.sync_copy(zvec, deg_sh.at[pl.ds(s * ROWS_W, ROWS_W)])
    plsc.subcore_barrier()

    rows = (rows0, rows1)
    semg = (semg0, semg1)
    semsc = (semsc0, semsc1)

    pltpu.sync_copy(srcp.at[c, s, 0], src_a)
    pltpu.sync_copy(dstp.at[c, s, 0], dst_a)
    pltpu.async_copy(xw.at[src_a.at[0]], rows0, semg0)
    pltpu.async_copy(srcp.at[c, s, 1], src_b, semi_s)
    pltpu.async_copy(dstp.at[c, s, 1], dst_b, semi_d)

    def _pair(bb, _):
        for half in range(2):
            b = 2 * bb + half
            sv, dv = (src_a, dst_a) if half == 0 else (src_b, dst_b)
            nsv, ndv = (src_b, dst_b) if half == 0 else (src_a, dst_a)
            for j in range(SBCH):
                pltpu.make_async_copy(
                    xw.at[sv.at[j]], rows[j % 2], semg[j % 2]).wait()
                if j >= 1:
                    pltpu.make_async_copy(
                        rows[(j - 1) % 2], agg_sh.at[dv.at[j - 1]],
                        semsc[(j - 1) % 2]).wait()
                    pltpu.make_async_copy(
                        ones_v, deg_sh.at[dv.at[j - 1]],
                        semsc[(j - 1) % 2]).wait()
                if j + 1 < SBCH:
                    pltpu.async_copy(
                        xw.at[sv.at[j + 1]], rows[(j + 1) % 2],
                        semg[(j + 1) % 2])
                else:
                    @pl.when(b < NBLK - 1)
                    def _():
                        pltpu.make_async_copy(
                            srcp.at[c, s, b + 1], nsv, semi_s).wait()
                        pltpu.make_async_copy(
                            dstp.at[c, s, b + 1], ndv, semi_d).wait()
                        pltpu.async_copy(xw.at[nsv.at[0]], rows0, semg0)
                pltpu.async_copy(rows[j % 2], agg_sh.at[dv.at[j]],
                                 semsc[j % 2], add=True)
                pltpu.async_copy(ones_v, deg_sh.at[dv.at[j]],
                                 semsc[j % 2], add=True)

            pltpu.make_async_copy(
                rows[(SBCH - 1) % 2], agg_sh.at[dv.at[SBCH - 1]],
                semsc[(SBCH - 1) % 2]).wait()
            pltpu.make_async_copy(
                ones_v, deg_sh.at[dv.at[SBCH - 1]],
                semsc[(SBCH - 1) % 2]).wait()

            @pl.when(b < NBLK - 2)
            def _():
                pltpu.async_copy(srcp.at[c, s, b + 2], sv, semi_s)
                pltpu.async_copy(dstp.at[c, s, b + 2], dv, semi_d)
        return _
    lax.fori_loop(0, NBLK // 2, _pair, None)

    plsc.subcore_barrier()

    for t in range(ROWS_W // CHW):
        pltpu.sync_copy(agg_sh.at[pl.ds(s * ROWS_W + t * CHW, CHW)], rows0)
        pltpu.sync_copy(rows0, agg_out.at[c, pl.ds(s * ROWS_W + t * CHW, CHW)])
    pltpu.sync_copy(deg_sh.at[pl.ds(s * ROWS_W, ROWS_W)], zvec)
    pltpu.sync_copy(zvec, deg_out.at[c, pl.ds(s * ROWS_W, ROWS_W)])


_edge_call = functools.partial(
    pl.kernel,
    _edge_body,
    out_type=(
        jax.ShapeDtypeStruct((2, NPAD, D), jnp.float32),
        jax.ShapeDtypeStruct((2, NPAD), jnp.float32),
    ),
    mesh=_sc_mesh,
    scratch_types=[
        pltpu.VMEM_SHARED((NPAD, D), jnp.float32),
        pltpu.VMEM_SHARED((NPAD,), jnp.float32),
        pltpu.VMEM((SBCH, CHW), jnp.int32),
        pltpu.VMEM((SBCH, CHW), jnp.int32),
        pltpu.VMEM((SBCH, CHW), jnp.int32),
        pltpu.VMEM((SBCH, CHW), jnp.int32),
        pltpu.VMEM((CHW, D), jnp.float32),
        pltpu.VMEM((CHW, D), jnp.float32),
        pltpu.VMEM((ROWS_W,), jnp.float32),
        pltpu.VMEM((CHW,), jnp.float32),
        pltpu.SemaphoreType.DMA,
        pltpu.SemaphoreType.DMA,
        pltpu.SemaphoreType.DMA,
        pltpu.SemaphoreType.DMA,
        pltpu.SemaphoreType.DMA,
        pltpu.SemaphoreType.DMA,
    ],
)


def _post_body(agg_ref, deg_ref, xr_ref, w1_ref, bs1_ref, w2_ref,
               o_ref, h_sc, s_sc):
    t = pl.program_id(0)

    @pl.when(t < 20)
    def _pass1():
        i = t % 10
        deg = jnp.maximum(jnp.transpose(deg_ref[0], (1, 0)), 1.0)
        h = jnp.maximum(agg_ref[0] / deg + xr_ref[0], 0.0)
        tt = jnp.tanh(
            lax.dot_general(h, w1_ref[...], (((1,), (1,)), ((), ())),
                            preferred_element_type=jnp.float32)
            + bs1_ref[...][None, :]
        )
        rows = i * 1024 + lax.broadcasted_iota(jnp.int32, (1024, 1), 0)
        maskf = (rows < NREG).astype(jnp.float32)
        contrib = jnp.sum(tt * w2_ref[...][0][None, :] * maskf)
        base = pl.multiple_of(i * 1024, 1024)

        @pl.when(t < 10)
        def _():
            h_sc[0, pl.ds(base, 1024)] = h
            s_sc[0] = jnp.where(i == 0, 0.0, s_sc[0]) + contrib

        @pl.when(t >= 10)
        def _():
            h_sc[1, pl.ds(base, 1024)] = h
            s_sc[1] = jnp.where(i == 0, 0.0, s_sc[1]) + contrib

    @pl.when(t >= 20)
    def _pass2():
        i = t - 20
        base = pl.multiple_of(i * 1000, 1000)
        s0 = s_sc[0] / float(NREG)
        s1 = s_sc[1] / float(NREG)
        m = jnp.maximum(s0, s1)
        e0 = jnp.exp(s0 - m)
        e1 = jnp.exp(s1 - m)
        b0 = e0 / (e0 + e1)
        o_ref[...] = (b0 * h_sc[0, pl.ds(base, 1000)]
                      + (1.0 - b0) * h_sc[1, pl.ds(base, 1000)])


def _post_call(agg, deg, xr, w1, bs1, w2):
    return pl.pallas_call(
        _post_body,
        grid=(30,),
        in_specs=[
            pl.BlockSpec((1, 1024, D),
                         lambda t: (jnp.where(t < 20, t // 10, 0),
                                    jnp.where(t < 20, t % 10, 0), 0)),
            pl.BlockSpec((1, 1, 1024),
                         lambda t: (jnp.where(t < 20, t, 0), 0, 0)),
            pl.BlockSpec((1, 1024, D),
                         lambda t: (jnp.where(t < 20, t // 10, 0),
                                    jnp.where(t < 20, t % 10, 0), 0)),
            pl.BlockSpec((HIDDEN, D), lambda t: (0, 0)),
            pl.BlockSpec((HIDDEN,), lambda t: (0,)),
            pl.BlockSpec((1, HIDDEN), lambda t: (0, 0)),
        ],
        out_specs=pl.BlockSpec(
            (1000, D), lambda t: (jnp.where(t >= 20, t - 20, 0), 0)),
        out_shape=jax.ShapeDtypeStruct((NREG, D), jnp.float32),
        scratch_shapes=[pltpu.VMEM((2, NPAD, D), jnp.float32),
                        pltpu.SMEM((2,), jnp.float32)],
    )(agg, deg.reshape(2 * NPAD // 1024, 1, 1024), xr, w1, bs1, w2)


def kernel(E, edge_index0, eids0, edge_index1, eids1, Wrel0, Wroot0, b0,
           Wrel1, Wroot1, b1, W1, bs1, W2, ifdropout):
    del ifdropout
    pad_rows = (jnp.arange(NPAD - N_SUB, dtype=jnp.int32) * 199) % N_TOTAL
    eids = jnp.stack([eids0, eids1])
    eids_pad = jnp.concatenate(
        [eids, jnp.broadcast_to(pad_rows, (2, NPAD - N_SUB))], axis=1
    ).reshape(2, NTILE, GCH, 128)

    padn = EPAD - N_EDGES
    ar = jnp.arange(padn, dtype=jnp.int32)
    pad_dst = N_SUB + (ar % (NPAD - N_SUB))
    src_idx = jnp.concatenate(
        [edge_index0[0], pad_dst, edge_index1[0] + NPAD, NPAD + pad_dst]
    ).reshape(2, NTILE, NBLK, SBCH, CHW)
    dst_idx = jnp.concatenate(
        [edge_index0[1], pad_dst, edge_index1[1], pad_dst]
    ).reshape(2, NTILE, NBLK, SBCH, CHW)

    wrel = jnp.stack([Wrel0[0], Wrel1[0]])
    wroot = jnp.stack([Wroot0, Wroot1])
    bstack = jnp.stack([b0, b1])

    x = _gather_call()(E, eids_pad)
    xw, xr = _mm_call(x, wrel, wroot, bstack)
    agg, deg = _edge_call()(xw.reshape(2 * NPAD, D), src_idx, dst_idx)
    return _post_call(agg, deg, xr, W1, bs1, W2)

# --- scband reference (transcript-rebuilt; emitter-appended) ---
"""Pipeline reference for scband-hanlayer-47321949667633 (READ-ONLY COPY).

The authoritative reference and input builder live on the scoring server;
editing this copy changes nothing except your own understanding.
"""

import jax, jax.numpy as jnp
import numpy as np

N_TOTAL, N_SUB, N_EDGES, D, HIDDEN, NREG = 50000, 10000, 320000, 128, 128, 10000


def setup_inputs(seed: int = 0):
    key = jax.random.key(seed)
    ks = jax.random.split(key, 16)
    s = 1.0 / np.sqrt(D)
    inp = {}
    inp["E"] = jax.random.normal(ks[0], (N_TOTAL, D), jnp.float32)
    inp["edge_index0"] = jax.random.randint(ks[1], (2, N_EDGES), 0, N_SUB, dtype=jnp.int32)
    inp["eids0"] = jax.random.randint(ks[2], (N_SUB,), 0, N_TOTAL, dtype=jnp.int32)
    inp["edge_index1"] = jax.random.randint(ks[3], (2, N_EDGES), 0, N_SUB, dtype=jnp.int32)
    inp["eids1"] = jax.random.randint(ks[4], (N_SUB,), 0, N_TOTAL, dtype=jnp.int32)
    inp["Wrel0"] = jax.random.normal(ks[5], (1, D, D), jnp.float32) * s
    inp["Wroot0"] = jax.random.normal(ks[6], (D, D), jnp.float32) * s
    inp["b0"] = jnp.zeros((D,), jnp.float32)
    inp["Wrel1"] = jax.random.normal(ks[7], (1, D, D), jnp.float32) * s
    inp["Wroot1"] = jax.random.normal(ks[8], (D, D), jnp.float32) * s
    inp["b1"] = jnp.zeros((D,), jnp.float32)
    inp["W1"] = jax.random.normal(ks[9], (HIDDEN, D), jnp.float32) * s
    inp["bs1"] = jnp.zeros((HIDDEN,), jnp.float32)
    inp["W2"] = jax.random.normal(ks[10], (1, HIDDEN), jnp.float32) * (1.0 / np.sqrt(HIDDEN))
    inp["ifdropout"] = False
    return inp


def _rgcn(x, edge_index, Wrel, Wroot, b):
    # RGCNConv with num_relations=1 (all edges relation 0), aggr='mean', root weight + bias
    src = edge_index[0]
    dst = edge_index[1]
    msg = x[src] @ Wrel[0]
    n = x.shape[0]
    agg = jax.ops.segment_sum(msg, dst, num_segments=n)
    deg = jax.ops.segment_sum(jnp.ones((dst.shape[0],), jnp.float32), dst, num_segments=n)
    agg = agg / jnp.clip(deg, 1.0, None)[:, None]
    return agg + x @ Wroot + b


def reference(E, edge_index0, eids0, edge_index1, eids1, Wrel0, Wroot0, b0, Wrel1, Wroot1, b1, W1, bs1, W2, ifdropout):
    # metapath 0
    h0 = jax.nn.relu(_rgcn(E[eids0], edge_index0, Wrel0, Wroot0, b0))[:NREG]
    # metapath 1
    h1 = jax.nn.relu(_rgcn(E[eids1], edge_index1, Wrel1, Wroot1, b1))[:NREG]
    # (ifdropout is False -> dropout is identity; F.dropout is a no-op deterministically here)
    z = jnp.stack([h0, h1], axis=1)  # [NREG, P, D]
    # SemanticAttention: w = project(z).mean(0); beta = softmax(w, 0); (beta*z).sum(1)
    w = (jnp.tanh(z @ W1.T + bs1) @ W2.T).mean(0)  # [P, 1]
    beta = jax.nn.softmax(w, axis=0)  # [P, 1]
    return (beta[None, :, :] * z).sum(1)  # [NREG, D]

if __name__ == "__main__":
    import jax
    _d = setup_inputs()
    print(jax.jit(kernel)(*tuple(_d.values())))

</pallas_src>

<mosaic_0001>
#map = affine_map<(d0, d1) -> (0, 0)>
#map1 = affine_map<(d0, d1) -> (0, 0, 0, 0)>
#map2 = affine_map<(d0, d1) -> (0, 0, 0)>
module attributes {stable_mosaic.version = 14 : i64} {
  func.func @_gather_body(%arg0: i32, %arg1: i32, %arg2: memref<50000x128xf32, #tpu.memory_space<hbm>>, %arg3: memref<2x16x5x128xi32, #tpu.memory_space<hbm>>, %arg4: memref<2x10240x128xf32, #tpu.memory_space<hbm>>, %arg5: memref<5x128xi32, #tpu.memory_space<vmem>>, %arg6: memref<128x128xf32, #tpu.memory_space<vmem>>, %arg7: memref<128x128xf32, #tpu.memory_space<vmem>>, %arg8: memref<!tpu.dma_semaphore, #tpu.memory_space<semaphore_mem>>, %arg9: memref<!tpu.dma_semaphore, #tpu.memory_space<semaphore_mem>>) attributes {dimension_semantics = [#tpu.dimension_semantics<core_parallel>, #tpu.dimension_semantics<subcore_parallel>], iteration_bounds = array<i64: 2, 16>, scalar_prefetch = 0 : i64, scratch_operands = 5 : i64, tpu.core_type = #tpu.core_type<sc_vector_subcore>, window_params = [{transform_indices = #map}, {transform_indices = #map1}, {transform_indices = #map2}]} {
    "tpu.region"() ({
      %run_scoped3A = tpu.sem_alloc : memref<!tpu.dma_semaphore, #tpu.memory_space<semaphore_mem>>
      %dma_start3A_86 = arith.constant 0 : i32
      %dma_start3A_87 = arith.constant 0 : i32
      %dma_start3A_88 = tpu.memref_slice %arg3[%arg0, %arg1, %dma_start3A_86, %dma_start3A_87] : memref<2x16x5x128xi32, #tpu.memory_space<hbm>> -> memref<1x1x5x128xi32, #tpu.memory_space<hbm>>
      %dma_start3A_89 = tpu.memref_squeeze %dma_start3A_88 : memref<1x1x5x128xi32, #tpu.memory_space<hbm>> -> memref<5x128xi32, #tpu.memory_space<hbm>>
      %dma_start3A_90 = arith.constant 0 : i32
      %dma_start3A_91 = arith.constant 0 : i32
      %dma_start3A_92 = tpu.memref_slice %arg3[%arg0, %arg1, %dma_start3A_90, %dma_start3A_91] : memref<2x16x5x128xi32, #tpu.memory_space<hbm>> -> memref<1x1x5x128xi32, #tpu.memory_space<hbm>>
      %dma_start3A_93 = tpu.memref_squeeze %dma_start3A_92 : memref<1x1x5x128xi32, #tpu.memory_space<hbm>> -> memref<5x128xi32, #tpu.memory_space<hbm>>
      tpu.enqueue_dma source(%dma_start3A_93 : memref<5x128xi32, #tpu.memory_space<hbm>>) target(%arg5 : memref<5x128xi32, #tpu.memory_space<vmem>>) target_semaphore(%run_scoped3A : memref<!tpu.dma_semaphore, #tpu.memory_space<semaphore_mem>>)
      %dma_wait3A_94 = arith.constant 0 : i32
      %dma_wait3A_95 = arith.constant 0 : i32
      %dma_wait3A_96 = tpu.memref_slice %arg3[%arg0, %arg1, %dma_wait3A_94, %dma_wait3A_95] : memref<2x16x5x128xi32, #tpu.memory_space<hbm>> -> memref<1x1x5x128xi32, #tpu.memory_space<hbm>>
      %dma_wait3A_97 = tpu.memref_squeeze %dma_wait3A_96 : memref<1x1x5x128xi32, #tpu.memory_space<hbm>> -> memref<5x128xi32, #tpu.memory_space<hbm>>
      %dma_wait3A_98 = arith.constant 0 : i32
      %dma_wait3A_99 = arith.constant 0 : i32
      %dma_wait3A_100 = tpu.memref_slice %arg3[%arg0, %arg1, %dma_wait3A_98, %dma_wait3A_99] : memref<2x16x5x128xi32, #tpu.memory_space<hbm>> -> memref<1x1x5x128xi32, #tpu.memory_space<hbm>>
      %dma_wait3A_101 = tpu.memref_squeeze %dma_wait3A_100 : memref<1x1x5x128xi32, #tpu.memory_space<hbm>> -> memref<5x128xi32, #tpu.memory_space<hbm>>
      tpu.wait_dma2 semaphore(%run_scoped3A : memref<!tpu.dma_semaphore, #tpu.memory_space<semaphore_mem>>) src(%dma_wait3A_101 : memref<5x128xi32, #tpu.memory_space<hbm>>) dst(%arg5 : memref<5x128xi32, #tpu.memory_space<vmem>>)
      tpu.yield
    }) : () -> ()
    %dma_start3A = arith.constant 0 : i32
    %dma_start3A_0 = arith.constant 0 : i32
    %dma_start3A_1 = tpu.memref_slice %arg5[%dma_start3A, %dma_start3A_0] : memref<5x128xi32, #tpu.memory_space<vmem>> -> memref<1x128xi32, #tpu.memory_space<vmem>>
    %dma_start3A_2 = tpu.memref_squeeze %dma_start3A_1 : memref<1x128xi32, #tpu.memory_space<vmem>> -> memref<128xi32, #tpu.memory_space<vmem>>
    %dma_start3A_3 = arith.constant 0 : i32
    %dma_start3A_4 = arith.constant 0 : i32
    %dma_start3A_5 = tpu.memref_slice %arg2[%dma_start3A_3, %dma_start3A_4] : memref<50000x128xf32, #tpu.memory_space<hbm>> -> memref<50000x128xf32, #tpu.memory_space<hbm>>
    tpu.enqueue_indirect_dma source(%dma_start3A_5 : memref<50000x128xf32, #tpu.memory_space<hbm>>) target(%arg6 : memref<128x128xf32, #tpu.memory_space<vmem>>) offsets(%dma_start3A_2 : memref<128xi32, #tpu.memory_space<vmem>>) semaphore(%arg8 : memref<!tpu.dma_semaphore, #tpu.memory_space<semaphore_mem>>)
    %dma_wait3A = arith.constant 0 : i32
    %dma_wait3A_6 = arith.constant 0 : i32
    %dma_wait3A_7 = tpu.memref_slice %arg5[%dma_wait3A, %dma_wait3A_6] : memref<5x128xi32, #tpu.memory_space<vmem>> -> memref<1x128xi32, #tpu.memory_space<vmem>>
    %dma_wait3A_8 = tpu.memref_squeeze %dma_wait3A_7 : memref<1x128xi32, #tpu.memory_space<vmem>> -> memref<128xi32, #tpu.memory_space<vmem>>
    %dma_wait3A_9 = arith.constant 0 : i32
    %dma_wait3A_10 = arith.constant 0 : i32
    %dma_wait3A_11 = tpu.memref_slice %arg2[%dma_wait3A_9, %dma_wait3A_10] : memref<50000x128xf32, #tpu.memory_space<hbm>> -> memref<50000x128xf32, #tpu.memory_space<hbm>>
    tpu.wait_indirect_dma semaphore(%arg8 : memref<!tpu.dma_semaphore, #tpu.memory_space<semaphore_mem>>) src(%dma_wait3A_11 : memref<50000x128xf32, #tpu.memory_space<hbm>>) dst(%arg6 : memref<128x128xf32, #tpu.memory_space<vmem>>)
    %dma_start3A_12 = arith.constant 1 : i32
    %dma_start3A_13 = arith.constant 0 : i32
    %dma_start3A_14 = tpu.memref_slice %arg5[%dma_start3A_12, %dma_start3A_13] : memref<5x128xi32, #tpu.memory_space<vmem>> -> memref<1x128xi32, #tpu.memory_space<vmem>>
    %dma_start3A_15 = tpu.memref_squeeze %dma_start3A_14 : memref<1x128xi32, #tpu.memory_space<vmem>> -> memref<128xi32, #tpu.memory_space<vmem>>
    %dma_start3A_16 = arith.constant 0 : i32
    %dma_start3A_17 = arith.constant 0 : i32
    %dma_start3A_18 = tpu.memref_slice %arg2[%dma_start3A_16, %dma_start3A_17] : memref<50000x128xf32, #tpu.memory_space<hbm>> -> memref<50000x128xf32, #tpu.memory_space<hbm>>
    tpu.enqueue_indirect_dma source(%dma_start3A_18 : memref<50000x128xf32, #tpu.memory_space<hbm>>) target(%arg7 : memref<128x128xf32, #tpu.memory_space<vmem>>) offsets(%dma_start3A_15 : memref<128xi32, #tpu.memory_space<vmem>>) semaphore(%arg9 : memref<!tpu.dma_semaphore, #tpu.memory_space<semaphore_mem>>)
    %mul3A = arith.constant 640 : i32
    %mul3A_19 = arith.muli %arg1, %mul3A : i32
    %add3A = arith.constant 0 : i32
    %add3A_20 = arith.addi %mul3A_19, %add3A : i32
    "tpu.region"() ({
      %run_scoped3A = tpu.sem_alloc : memref<!tpu.dma_semaphore, #tpu.memory_space<semaphore_mem>>
      %dma_start3A_86 = arith.constant 0 : i32
      %dma_start3A_87 = tpu.memref_slice %arg4[%arg0, %add3A_20, %dma_start3A_86] : memref<2x10240x128xf32, #tpu.memory_space<hbm>> -> memref<1x128x128xf32, #tpu.memory_space<hbm>>
      %dma_start3A_88 = tpu.memref_squeeze %dma_start3A_87 : memref<1x128x128xf32, #tpu.memory_space<hbm>> -> memref<128x128xf32, #tpu.memory_space<hbm>>
      %dma_start3A_89 = arith.constant 0 : i32
      %dma_start3A_90 = tpu.memref_slice %arg4[%arg0, %add3A_20, %dma_start3A_89] : memref<2x10240x128xf32, #tpu.memory_space<hbm>> -> memref<1x128x128xf32, #tpu.memory_space<hbm>>
      %dma_start3A_91 = tpu.memref_squeeze %dma_start3A_90 : memref<1x128x128xf32, #tpu.memory_space<hbm>> -> memref<128x128xf32, #tpu.memory_space<hbm>>
      tpu.enqueue_dma source(%arg6 : memref<128x128xf32, #tpu.memory_space<vmem>>) target(%dma_start3A_91 : memref<128x128xf32, #tpu.memory_space<hbm>>) target_semaphore(%run_scoped3A : memref<!tpu.dma_semaphore, #tpu.memory_space<semaphore_mem>>)
      %dma_wait3A_92 = arith.constant 0 : i32
      %dma_wait3A_93 = tpu.memref_slice %arg4[%arg0, %add3A_20, %dma_wait3A_92] : memref<2x10240x128xf32, #tpu.memory_space<hbm>> -> memref<1x128x128xf32, #tpu.memory_space<hbm>>
      %dma_wait3A_94 = tpu.memref_squeeze %dma_wait3A_93 : memref<1x128x128xf32, #tpu.memory_space<hbm>> -> memref<128x128xf32, #tpu.memory_space<hbm>>
      %dma_wait3A_95 = arith.constant 0 : i32
      %dma_wait3A_96 = tpu.memref_slice %arg4[%arg0, %add3A_20, %dma_wait3A_95] : memref<2x10240x128xf32, #tpu.memory_space<hbm>> -> memref<1x128x128xf32, #tpu.memory_space<hbm>>
      %dma_wait3A_97 = tpu.memref_squeeze %dma_wait3A_96 : memref<1x128x128xf32, #tpu.memory_space<hbm>> -> memref<128x128xf32, #tpu.memory_space<hbm>>
      tpu.wait_dma2 semaphore(%run_scoped3A : memref<!tpu.dma_semaphore, #tpu.memory_space<semaphore_mem>>) src(%arg6 : memref<128x128xf32, #tpu.memory_space<vmem>>) dst(%dma_wait3A_97 : memref<128x128xf32, #tpu.memory_space<hbm>>)
      tpu.yield
    }) : () -> ()
    %dma_wait3A_21 = arith.constant 1 : i32
    %dma_wait3A_22 = arith.constant 0 : i32
    %dma_wait3A_23 = tpu.memref_slice %arg5[%dma_wait3A_21, %dma_wait3A_22] : memref<5x128xi32, #tpu.memory_space<vmem>> -> memref<1x128xi32, #tpu.memory_space<vmem>>
    %dma_wait3A_24 = tpu.memref_squeeze %dma_wait3A_23 : memref<1x128xi32, #tpu.memory_space<vmem>> -> memref<128xi32, #tpu.memory_space<vmem>>
    %dma_wait3A_25 = arith.constant 0 : i32
    %dma_wait3A_26 = arith.constant 0 : i32
    %dma_wait3A_27 = tpu.memref_slice %arg2[%dma_wait3A_25, %dma_wait3A_26] : memref<50000x128xf32, #tpu.memory_space<hbm>> -> memref<50000x128xf32, #tpu.memory_space<hbm>>
    tpu.wait_indirect_dma semaphore(%arg9 : memref<!tpu.dma_semaphore, #tpu.memory_space<semaphore_mem>>) src(%dma_wait3A_27 : memref<50000x128xf32, #tpu.memory_space<hbm>>) dst(%arg7 : memref<128x128xf32, #tpu.memory_space<vmem>>)
    %dma_start3A_28 = arith.constant 2 : i32
    %dma_start3A_29 = arith.constant 0 : i32
    %dma_start3A_30 = tpu.memref_slice %arg5[%dma_start3A_28, %dma_start3A_29] : memref<5x128xi32, #tpu.memory_space<vmem>> -> memref<1x128xi32, #tpu.memory_space<vmem>>
    %dma_start3A_31 = tpu.memref_squeeze %dma_start3A_30 : memref<1x128xi32, #tpu.memory_space<vmem>> -> memref<128xi32, #tpu.memory_space<vmem>>
    %dma_start3A_32 = arith.constant 0 : i32
    %dma_start3A_33 = arith.constant 0 : i32
    %dma_start3A_34 = tpu.memref_slice %arg2[%dma_start3A_32, %dma_start3A_33] : memref<50000x128xf32, #tpu.memory_space<hbm>> -> memref<50000x128xf32, #tpu.memory_space<hbm>>
    tpu.enqueue_indirect_dma source(%dma_start3A_34 : memref<50000x128xf32, #tpu.memory_space<hbm>>) target(%arg6 : memref<128x128xf32, #tpu.memory_space<vmem>>) offsets(%dma_start3A_31 : memref<128xi32, #tpu.memory_space<vmem>>) semaphore(%arg8 : memref<!tpu.dma_semaphore, #tpu.memory_space<semaphore_mem>>)
    %mul3A_35 = arith.constant 640 : i32
    %mul3A_36 = arith.muli %arg1, %mul3A_35 : i32
    %add3A_37 = arith.constant 128 : i32
    %add3A_38 = arith.addi %mul3A_36, %add3A_37 : i32
    "tpu.region"() ({
      %run_scoped3A = tpu.sem_alloc : memref<!tpu.dma_semaphore, #tpu.memory_space<semaphore_mem>>
      %dma_start3A_86 = arith.constant 0 : i32
      %dma_start3A_87 = tpu.memref_slice %arg4[%arg0, %add3A_38, %dma_start3A_86] : memref<2x10240x128xf32, #tpu.memory_space<hbm>> -> memref<1x128x128xf32, #tpu.memory_space<hbm>>
      %dma_start3A_88 = tpu.memref_squeeze %dma_start3A_87 : memref<1x128x128xf32, #tpu.memory_space<hbm>> -> memref<128x128xf32, #tpu.memory_space<hbm>>
      %dma_start3A_89 = arith.constant 0 : i32
      %dma_start3A_90 = tpu.memref_slice %arg4[%arg0, %add3A_38, %dma_start3A_89] : memref<2x10240x128xf32, #tpu.memory_space<hbm>> -> memref<1x128x128xf32, #tpu.memory_space<hbm>>
      %dma_start3A_91 = tpu.memref_squeeze %dma_start3A_90 : memref<1x128x128xf32, #tpu.memory_space<hbm>> -> memref<128x128xf32, #tpu.memory_space<hbm>>
      tpu.enqueue_dma source(%arg7 : memref<128x128xf32, #tpu.memory_space<vmem>>) target(%dma_start3A_91 : memref<128x128xf32, #tpu.memory_space<hbm>>) target_semaphore(%run_scoped3A : memref<!tpu.dma_semaphore, #tpu.memory_space<semaphore_mem>>)
      %dma_wait3A_92 = arith.constant 0 : i32
      %dma_wait3A_93 = tpu.memref_slice %arg4[%arg0, %add3A_38, %dma_wait3A_92] : memref<2x10240x128xf32, #tpu.memory_space<hbm>> -> memref<1x128x128xf32, #tpu.memory_space<hbm>>
      %dma_wait3A_94 = tpu.memref_squeeze %dma_wait3A_93 : memref<1x128x128xf32, #tpu.memory_space<hbm>> -> memref<128x128xf32, #tpu.memory_space<hbm>>
      %dma_wait3A_95 = arith.constant 0 : i32
      %dma_wait3A_96 = tpu.memref_slice %arg4[%arg0, %add3A_38, %dma_wait3A_95] : memref<2x10240x128xf32, #tpu.memory_space<hbm>> -> memref<1x128x128xf32, #tpu.memory_space<hbm>>
      %dma_wait3A_97 = tpu.memref_squeeze %dma_wait3A_96 : memref<1x128x128xf32, #tpu.memory_space<hbm>> -> memref<128x128xf32, #tpu.memory_space<hbm>>
      tpu.wait_dma2 semaphore(%run_scoped3A : memref<!tpu.dma_semaphore, #tpu.memory_space<semaphore_mem>>) src(%arg7 : memref<128x128xf32, #tpu.memory_space<vmem>>) dst(%dma_wait3A_97 : memref<128x128xf32, #tpu.memory_space<hbm>>)
      tpu.yield
    }) : () -> ()
    %dma_wait3A_39 = arith.constant 2 : i32
    %dma_wait3A_40 = arith.constant 0 : i32
    %dma_wait3A_41 = tpu.memref_slice %arg5[%dma_wait3A_39, %dma_wait3A_40] : memref<5x128xi32, #tpu.memory_space<vmem>> -> memref<1x128xi32, #tpu.memory_space<vmem>>
    %dma_wait3A_42 = tpu.memref_squeeze %dma_wait3A_41 : memref<1x128xi32, #tpu.memory_space<vmem>> -> memref<128xi32, #tpu.memory_space<vmem>>
    %dma_wait3A_43 = arith.constant 0 : i32
    %dma_wait3A_44 = arith.constant 0 : i32
    %dma_wait3A_45 = tpu.memref_slice %arg2[%dma_wait3A_43, %dma_wait3A_44] : memref<50000x128xf32, #tpu.memory_space<hbm>> -> memref<50000x128xf32, #tpu.memory_space<hbm>>
    tpu.wait_indirect_dma semaphore(%arg8 : memref<!tpu.dma_semaphore, #tpu.memory_space<semaphore_mem>>) src(%dma_wait3A_45 : memref<50000x128xf32, #tpu.memory_space<hbm>>) dst(%arg6 : memref<128x128xf32, #tpu.memory_space<vmem>>)
    %dma_start3A_46 = arith.constant 3 : i32
    %dma_start3A_47 = arith.constant 0 : i32
    %dma_start3A_48 = tpu.memref_slice %arg5[%dma_start3A_46, %dma_start3A_47] : memref<5x128xi32, #tpu.memory_space<vmem>> -> memref<1x128xi32, #tpu.memory_space<vmem>>
    %dma_start3A_49 = tpu.memref_squeeze %dma_start3A_48 : memref<1x128xi32, #tpu.memory_space<vmem>> -> memref<128xi32, #tpu.memory_space<vmem>>
    %dma_start3A_50 = arith.constant 0 : i32
    %dma_start3A_51 = arith.constant 0 : i32
    %dma_start3A_52 = tpu.memref_slice %arg2[%dma_start3A_50, %dma_start3A_51] : memref<50000x128xf32, #tpu.memory_space<hbm>> -> memref<50000x128xf32, #tpu.memory_space<hbm>>
    tpu.enqueue_indirect_dma source(%dma_start3A_52 : memref<50000x128xf32, #tpu.memory_space<hbm>>) target(%arg7 : memref<128x128xf32, #tpu.memory_space<vmem>>) offsets(%dma_start3A_49 : memref<128xi32, #tpu.memory_space<vmem>>) semaphore(%arg9 : memref<!tpu.dma_semaphore, #tpu.memory_space<semaphore_mem>>)
    %mul3A_53 = arith.constant 640 : i32
    %mul3A_54 = arith.muli %arg1, %mul3A_53 : i32
    %add3A_55 = arith.constant 256 : i32
    %add3A_56 = arith.addi %mul3A_54, %add3A_55 : i32
    "tpu.region"() ({
      %run_scoped3A = tpu.sem_alloc : memref<!tpu.dma_semaphore, #tpu.memory_space<semaphore_mem>>
      %dma_start3A_86 = arith.constant 0 : i32
      %dma_start3A_87 = tpu.memref_slice %arg4[%arg0, %add3A_56, %dma_start3A_86] : memref<2x10240x128xf32, #tpu.memory_space<hbm>> -> memref<1x128x128xf32, #tpu.memory_space<hbm>>
      %dma_start3A_88 = tpu.memref_squeeze %dma_start3A_87 : memref<1x128x128xf32, #tpu.memory_space<hbm>> -> memref<128x128xf32, #tpu.memory_space<hbm>>
      %dma_start3A_89 = arith.constant 0 : i32
      %dma_start3A_90 = tpu.memref_slice %arg4[%arg0, %add3A_56, %dma_start3A_89] : memref<2x10240x128xf32, #tpu.memory_space<hbm>> -> memref<1x128x128xf32, #tpu.memory_space<hbm>>
      %dma_start3A_91 = tpu.memref_squeeze %dma_start3A_90 : memref<1x128x128xf32, #tpu.memory_space<hbm>> -> memref<128x128xf32, #tpu.memory_space<hbm>>
      tpu.enqueue_dma source(%arg6 : memref<128x128xf32, #tpu.memory_space<vmem>>) target(%dma_start3A_91 : memref<128x128xf32, #tpu.memory_space<hbm>>) target_semaphore(%run_scoped3A : memref<!tpu.dma_semaphore, #tpu.memory_space<semaphore_mem>>)
      %dma_wait3A_92 = arith.constant 0 : i32
      %dma_wait3A_93 = tpu.memref_slice %arg4[%arg0, %add3A_56, %dma_wait3A_92] : memref<2x10240x128xf32, #tpu.memory_space<hbm>> -> memref<1x128x128xf32, #tpu.memory_space<hbm>>
      %dma_wait3A_94 = tpu.memref_squeeze %dma_wait3A_93 : memref<1x128x128xf32, #tpu.memory_space<hbm>> -> memref<128x128xf32, #tpu.memory_space<hbm>>
      %dma_wait3A_95 = arith.constant 0 : i32
      %dma_wait3A_96 = tpu.memref_slice %arg4[%arg0, %add3A_56, %dma_wait3A_95] : memref<2x10240x128xf32, #tpu.memory_space<hbm>> -> memref<1x128x128xf32, #tpu.memory_space<hbm>>
      %dma_wait3A_97 = tpu.memref_squeeze %dma_wait3A_96 : memref<1x128x128xf32, #tpu.memory_space<hbm>> -> memref<128x128xf32, #tpu.memory_space<hbm>>
      tpu.wait_dma2 semaphore(%run_scoped3A : memref<!tpu.dma_semaphore, #tpu.memory_space<semaphore_mem>>) src(%arg6 : memref<128x128xf32, #tpu.memory_space<vmem>>) dst(%dma_wait3A_97 : memref<128x128xf32, #tpu.memory_space<hbm>>)
      tpu.yield
    }) : () -> ()
    %dma_wait3A_57 = arith.constant 3 : i32
    %dma_wait3A_58 = arith.constant 0 : i32
    %dma_wait3A_59 = tpu.memref_slice %arg5[%dma_wait3A_57, %dma_wait3A_58] : memref<5x128xi32, #tpu.memory_space<vmem>> -> memref<1x128xi32, #tpu.memory_space<vmem>>
    %dma_wait3A_60 = tpu.memref_squeeze %dma_wait3A_59 : memref<1x128xi32, #tpu.memory_space<vmem>> -> memref<128xi32, #tpu.memory_space<vmem>>
    %dma_wait3A_61 = arith.constant 0 : i32
    %dma_wait3A_62 = arith.constant 0 : i32
    %dma_wait3A_63 = tpu.memref_slice %arg2[%dma_wait3A_61, %dma_wait3A_62] : memref<50000x128xf32, #tpu.memory_space<hbm>> -> memref<50000x128xf32, #tpu.memory_space<hbm>>
    tpu.wait_indirect_dma semaphore(%arg9 : memref<!tpu.dma_semaphore, #tpu.memory_space<semaphore_mem>>) src(%dma_wait3A_63 : memref<50000x128xf32, #tpu.memory_space<hbm>>) dst(%arg7 : memref<128x128xf32, #tpu.memory_space<vmem>>)
    %dma_start3A_64 = arith.constant 4 : i32
    %dma_start3A_65 = arith.constant 0 : i32
    %dma_start3A_66 = tpu.memref_slice %arg5[%dma_start3A_64, %dma_start3A_65] : memref<5x128xi32, #tpu.memory_space<vmem>> -> memref<1x128xi32, #tpu.memory_space<vmem>>
    %dma_start3A_67 = tpu.memref_squeeze %dma_start3A_66 : memref<1x128xi32, #tpu.memory_space<vmem>> -> memref<128xi32, #tpu.memory_space<vmem>>
    %dma_start3A_68 = arith.constant 0 : i32
    %dma_start3A_69 = arith.constant 0 : i32
    %dma_start3A_70 = tpu.memref_slice %arg2[%dma_start3A_68, %dma_start3A_69] : memref<50000x128xf32, #tpu.memory_space<hbm>> -> memref<50000x128xf32, #tpu.memory_space<hbm>>
    tpu.enqueue_indirect_dma source(%dma_start3A_70 : memref<50000x128xf32, #tpu.memory_space<hbm>>) target(%arg6 : memref<128x128xf32, #tpu.memory_space<vmem>>) offsets(%dma_start3A_67 : memref<128xi32, #tpu.memory_space<vmem>>) semaphore(%arg8 : memref<!tpu.dma_semaphore, #tpu.memory_space<semaphore_mem>>)
    %mul3A_71 = arith.constant 640 : i32
    %mul3A_72 = arith.muli %arg1, %mul3A_71 : i32
    %add3A_73 = arith.constant 384 : i32
    %add3A_74 = arith.addi %mul3A_72, %add3A_73 : i32
    "tpu.region"() ({
      %run_scoped3A = tpu.sem_alloc : memref<!tpu.dma_semaphore, #tpu.memory_space<semaphore_mem>>
      %dma_start3A_86 = arith.constant 0 : i32
      %dma_start3A_87 = tpu.memref_slice %arg4[%arg0, %add3A_74, %dma_start3A_86] : memref<2x10240x128xf32, #tpu.memory_space<hbm>> -> memref<1x128x128xf32, #tpu.memory_space<hbm>>
      %dma_start3A_88 = tpu.memref_squeeze %dma_start3A_87 : memref<1x128x128xf32, #tpu.memory_space<hbm>> -> memref<128x128xf32, #tpu.memory_space<hbm>>
      %dma_start3A_89 = arith.constant 0 : i32
      %dma_start3A_90 = tpu.memref_slice %arg4[%arg0, %add3A_74, %dma_start3A_89] : memref<2x10240x128xf32, #tpu.memory_space<hbm>> -> memref<1x128x128xf32, #tpu.memory_space<hbm>>
      %dma_start3A_91 = tpu.memref_squeeze %dma_start3A_90 : memref<1x128x128xf32, #tpu.memory_space<hbm>> -> memref<128x128xf32, #tpu.memory_space<hbm>>
      tpu.enqueue_dma source(%arg7 : memref<128x128xf32, #tpu.memory_space<vmem>>) target(%dma_start3A_91 : memref<128x128xf32, #tpu.memory_space<hbm>>) target_semaphore(%run_scoped3A : memref<!tpu.dma_semaphore, #tpu.memory_space<semaphore_mem>>)
      %dma_wait3A_92 = arith.constant 0 : i32
      %dma_wait3A_93 = tpu.memref_slice %arg4[%arg0, %add3A_74, %dma_wait3A_92] : memref<2x10240x128xf32, #tpu.memory_space<hbm>> -> memref<1x128x128xf32, #tpu.memory_space<hbm>>
      %dma_wait3A_94 = tpu.memref_squeeze %dma_wait3A_93 : memref<1x128x128xf32, #tpu.memory_space<hbm>> -> memref<128x128xf32, #tpu.memory_space<hbm>>
      %dma_wait3A_95 = arith.constant 0 : i32
      %dma_wait3A_96 = tpu.memref_slice %arg4[%arg0, %add3A_74, %dma_wait3A_95] : memref<2x10240x128xf32, #tpu.memory_space<hbm>> -> memref<1x128x128xf32, #tpu.memory_space<hbm>>
      %dma_wait3A_97 = tpu.memref_squeeze %dma_wait3A_96 : memref<1x128x128xf32, #tpu.memory_space<hbm>> -> memref<128x128xf32, #tpu.memory_space<hbm>>
      tpu.wait_dma2 semaphore(%run_scoped3A : memref<!tpu.dma_semaphore, #tpu.memory_space<semaphore_mem>>) src(%arg7 : memref<128x128xf32, #tpu.memory_space<vmem>>) dst(%dma_wait3A_97 : memref<128x128xf32, #tpu.memory_space<hbm>>)
      tpu.yield
    }) : () -> ()
    %dma_wait3A_75 = arith.constant 4 : i32
    %dma_wait3A_76 = arith.constant 0 : i32
    %dma_wait3A_77 = tpu.memref_slice %arg5[%dma_wait3A_75, %dma_wait3A_76] : memref<5x128xi32, #tpu.memory_space<vmem>> -> memref<1x128xi32, #tpu.memory_space<vmem>>
    %dma_wait3A_78 = tpu.memref_squeeze %dma_wait3A_77 : memref<1x128xi32, #tpu.memory_space<vmem>> -> memref<128xi32, #tpu.memory_space<vmem>>
    %dma_wait3A_79 = arith.constant 0 : i32
    %dma_wait3A_80 = arith.constant 0 : i32
    %dma_wait3A_81 = tpu.memref_slice %arg2[%dma_wait3A_79, %dma_wait3A_80] : memref<50000x128xf32, #tpu.memory_space<hbm>> -> memref<50000x128xf32, #tpu.memory_space<hbm>>
    tpu.wait_indirect_dma semaphore(%arg8 : memref<!tpu.dma_semaphore, #tpu.memory_space<semaphore_mem>>) src(%dma_wait3A_81 : memref<50000x128xf32, #tpu.memory_space<hbm>>) dst(%arg6 : memref<128x128xf32, #tpu.memory_space<vmem>>)
    %mul3A_82 = arith.constant 640 : i32
    %mul3A_83 = arith.muli %arg1, %mul3A_82 : i32
    %add3A_84 = arith.constant 512 : i32
    %add3A_85 = arith.addi %mul3A_83, %add3A_84 : i32
    "tpu.region"() ({
      %run_scoped3A = tpu.sem_alloc : memref<!tpu.dma_semaphore, #tpu.memory_space<semaphore_mem>>
      %dma_start3A_86 = arith.constant 0 : i32
      %dma_start3A_87 = tpu.memref_slice %arg4[%arg0, %add3A_85, %dma_start3A_86] : memref<2x10240x128xf32, #tpu.memory_space<hbm>> -> memref<1x128x128xf32, #tpu.memory_space<hbm>>
      %dma_start3A_88 = tpu.memref_squeeze %dma_start3A_87 : memref<1x128x128xf32, #tpu.memory_space<hbm>> -> memref<128x128xf32, #tpu.memory_space<hbm>>
      %dma_start3A_89 = arith.constant 0 : i32
      %dma_start3A_90 = tpu.memref_slice %arg4[%arg0, %add3A_85, %dma_start3A_89] : memref<2x10240x128xf32, #tpu.memory_space<hbm>> -> memref<1x128x128xf32, #tpu.memory_space<hbm>>
      %dma_start3A_91 = tpu.memref_squeeze %dma_start3A_90 : memref<1x128x128xf32, #tpu.memory_space<hbm>> -> memref<128x128xf32, #tpu.memory_space<hbm>>
      tpu.enqueue_dma source(%arg6 : memref<128x128xf32, #tpu.memory_space<vmem>>) target(%dma_start3A_91 : memref<128x128xf32, #tpu.memory_space<hbm>>) target_semaphore(%run_scoped3A : memref<!tpu.dma_semaphore, #tpu.memory_space<semaphore_mem>>)
      %dma_wait3A_92 = arith.constant 0 : i32
      %dma_wait3A_93 = tpu.memref_slice %arg4[%arg0, %add3A_85, %dma_wait3A_92] : memref<2x10240x128xf32, #tpu.memory_space<hbm>> -> memref<1x128x128xf32, #tpu.memory_space<hbm>>
      %dma_wait3A_94 = tpu.memref_squeeze %dma_wait3A_93 : memref<1x128x128xf32, #tpu.memory_space<hbm>> -> memref<128x128xf32, #tpu.memory_space<hbm>>
      %dma_wait3A_95 = arith.constant 0 : i32
      %dma_wait3A_96 = tpu.memref_slice %arg4[%arg0, %add3A_85, %dma_wait3A_95] : memref<2x10240x128xf32, #tpu.memory_space<hbm>> -> memref<1x128x128xf32, #tpu.memory_space<hbm>>
      %dma_wait3A_97 = tpu.memref_squeeze %dma_wait3A_96 : memref<1x128x128xf32, #tpu.memory_space<hbm>> -> memref<128x128xf32, #tpu.memory_space<hbm>>
      tpu.wait_dma2 semaphore(%run_scoped3A : memref<!tpu.dma_semaphore, #tpu.memory_space<semaphore_mem>>) src(%arg6 : memref<128x128xf32, #tpu.memory_space<vmem>>) dst(%dma_wait3A_97 : memref<128x128xf32, #tpu.memory_space<hbm>>)
      tpu.yield
    }) : () -> ()
    return
  }
}

#map = affine_map<(d0, d1) -> (0, 0)>
#map1 = affine_map<(d0, d1) -> (0, 0, 0, 0, 0)>
#map2 = affine_map<(d0, d1) -> (0, 0, 0)>
module attributes {stable_mosaic.version = 14 : i64} {
  func.func @_edge_body(%arg0: i32, %arg1: i32, %arg2: memref<20480x128xf32, #tpu.memory_space<hbm>>, %arg3: memref<2x16x20x8x128xi32, #tpu.memory_space<hbm>>, %arg4: memref<2x16x20x8x128xi32, #tpu.memory_space<hbm>>, %arg5: memref<2x10240x128xf32, #tpu.memory_space<hbm>>, %arg6: memref<2x10240xf32, #tpu.memory_space<hbm>>, %arg7: memref<10240x128xf32, #tpu.memory_space<vmem_shared>>, %arg8: memref<10240xf32, #tpu.memory_space<vmem_shared>>, %arg9: memref<8x128xi32, #tpu.memory_space<vmem>>, %arg10: memref<8x128xi32, #tpu.memory_space<vmem>>, %arg11: memref<8x128xi32, #tpu.memory_space<vmem>>, %arg12: memref<8x128xi32, #tpu.memory_space<vmem>>, %arg13: memref<128x128xf32, #tpu.memory_space<vmem>>, %arg14: memref<128x128xf32, #tpu.memory_space<vmem>>, %arg15: memref<640xf32, #tpu.memory_space<vmem>>, %arg16: memref<128xf32, #tpu.memory_space<vmem>>, %arg17: memref<!tpu.dma_semaphore, #tpu.memory_space<semaphore_mem>>, %arg18: memref<!tpu.dma_semaphore, #tpu.memory_space<semaphore_mem>>, %arg19: memref<!tpu.dma_semaphore, #tpu.memory_space<semaphore_mem>>, %arg20: memref<!tpu.dma_semaphore, #tpu.memory_space<semaphore_mem>>, %arg21: memref<!tpu.dma_semaphore, #tpu.memory_space<semaphore_mem>>, %arg22: memref<!tpu.dma_semaphore, #tpu.memory_space<semaphore_mem>>) attributes {dimension_semantics = [#tpu.dimension_semantics<core_parallel>, #tpu.dimension_semantics<subcore_parallel>], iteration_bounds = array<i64: 2, 16>, scalar_prefetch = 0 : i64, scratch_operands = 16 : i64, tpu.core_type = #tpu.core_type<sc_vector_subcore>, window_params = [{transform_indices = #map}, {transform_indices = #map1}, {transform_indices = #map1}, {transform_indices = #map2}, {transform_indices = #map}]} {
    %scan3A = arith.constant 0 : i32
    %scan3A_0 = arith.constant 128 : i32
    %scan3A_1 = arith.addi %scan3A, %scan3A_0 : i32
    %scan3A_2 = arith.constant 1 : i32
    scf.for %scan3A_109 = %scan3A to %scan3A_1 step %scan3A_2  : i32 {
      %broadcast_in_dim3A = arith.constant 0.000000e+00 : f32
      %broadcast_in_dim3A_110 = vector.broadcast %broadcast_in_dim3A : f32 to vector<16xf32>
      %swap3A = arith.index_cast %scan3A_109 : i32 to index
      %swap3A_111 = arith.constant 0 : index
      %swap3A_112 = tpu.vector_load %arg13[%swap3A, %swap3A_111] {strides = array<i32>} : memref<128x128xf32, #tpu.memory_space<vmem>>, vector<1x16xf32>,
      %swap3A_113 = vector.shape_cast %swap3A_112 : vector<1x16xf32> to vector<16xf32>
      %swap3A_114 = vector.shape_cast %broadcast_in_dim3A_110 : vector<16xf32> to vector<1x16xf32>
      tpu.vector_store %arg13[%swap3A, %swap3A_111], %swap3A_114 {strides = array<i32>} : memref<128x128xf32, #tpu.memory_space<vmem>>, vector<1x16xf32>,
      %broadcast_in_dim3A_115 = arith.constant 0.000000e+00 : f32
      %broadcast_in_dim3A_116 = vector.broadcast %broadcast_in_dim3A_115 : f32 to vector<16xf32>
      %swap3A_117 = arith.index_cast %scan3A_109 : i32 to index
      %swap3A_118 = arith.constant 16 : index
      %swap3A_119 = tpu.vector_load %arg13[%swap3A_117, %swap3A_118] {strides = array<i32>} : memref<128x128xf32, #tpu.memory_space<vmem>>, vector<1x16xf32>,
      %swap3A_120 = vector.shape_cast %swap3A_119 : vector<1x16xf32> to vector<16xf32>
      %swap3A_121 = vector.shape_cast %broadcast_in_dim3A_116 : vector<16xf32> to vector<1x16xf32>
      tpu.vector_store %arg13[%swap3A_117, %swap3A_118], %swap3A_121 {strides = array<i32>} : memref<128x128xf32, #tpu.memory_space<vmem>>, vector<1x16xf32>,
      %broadcast_in_dim3A_122 = arith.constant 0.000000e+00 : f32
      %broadcast_in_dim3A_123 = vector.broadcast %broadcast_in_dim3A_122 : f32 to vector<16xf32>
      %swap3A_124 = arith.index_cast %scan3A_109 : i32 to index
      %swap3A_125 = arith.constant 32 : index
      %swap3A_126 = tpu.vector_load %arg13[%swap3A_124, %swap3A_125] {strides = array<i32>} : memref<128x128xf32, #tpu.memory_space<vmem>>, vector<1x16xf32>,
      %swap3A_127 = vector.shape_cast %swap3A_126 : vector<1x16xf32> to vector<16xf32>
      %swap3A_128 = vector.shape_cast %broadcast_in_dim3A_123 : vector<16xf32> to vector<1x16xf32>
      tpu.vector_store %arg13[%swap3A_124, %swap3A_125], %swap3A_128 {strides = array<i32>} : memref<128x128xf32, #tpu.memory_space<vmem>>, vector<1x16xf32>,
      %broadcast_in_dim3A_129 = arith.constant 0.000000e+00 : f32
      %broadcast_in_dim3A_130 = vector.broadcast %broadcast_in_dim3A_129 : f32 to vector<16xf32>
      %swap3A_131 = arith.index_cast %scan3A_109 : i32 to index
      %swap3A_132 = arith.constant 48 : index
      %swap3A_133 = tpu.vector_load %arg13[%swap3A_131, %swap3A_132] {strides = array<i32>} : memref<128x128xf32, #tpu.memory_space<vmem>>, vector<1x16xf32>,
      %swap3A_134 = vector.shape_cast %swap3A_133 : vector<1x16xf32> to vector<16xf32>
      %swap3A_135 = vector.shape_cast %broadcast_in_dim3A_130 : vector<16xf32> to vector<1x16xf32>
      tpu.vector_store %arg13[%swap3A_131, %swap3A_132], %swap3A_135 {strides = array<i32>} : memref<128x128xf32, #tpu.memory_space<vmem>>, vector<1x16xf32>,
      %broadcast_in_dim3A_136 = arith.constant 0.000000e+00 : f32
      %broadcast_in_dim3A_137 = vector.broadcast %broadcast_in_dim3A_136 : f32 to vector<16xf32>
      %swap3A_138 = arith.index_cast %scan3A_109 : i32 to index
      %swap3A_139 = arith.constant 64 : index
      %swap3A_140 = tpu.vector_load %arg13[%swap3A_138, %swap3A_139] {strides = array<i32>} : memref<128x128xf32, #tpu.memory_space<vmem>>, vector<1x16xf32>,
      %swap3A_141 = vector.shape_cast %swap3A_140 : vector<1x16xf32> to vector<16xf32>
      %swap3A_142 = vector.shape_cast %broadcast_in_dim3A_137 : vector<16xf32> to vector<1x16xf32>
      tpu.vector_store %arg13[%swap3A_138, %swap3A_139], %swap3A_142 {strides = array<i32>} : memref<128x128xf32, #tpu.memory_space<vmem>>, vector<1x16xf32>,
      %broadcast_in_dim3A_143 = arith.constant 0.000000e+00 : f32
      %broadcast_in_dim3A_144 = vector.broadcast %broadcast_in_dim3A_143 : f32 to vector<16xf32>
      %swap3A_145 = arith.index_cast %scan3A_109 : i32 to index
      %swap3A_146 = arith.constant 80 : index
      %swap3A_147 = tpu.vector_load %arg13[%swap3A_145, %swap3A_146] {strides = array<i32>} : memref<128x128xf32, #tpu.memory_space<vmem>>, vector<1x16xf32>,
      %swap3A_148 = vector.shape_cast %swap3A_147 : vector<1x16xf32> to vector<16xf32>
      %swap3A_149 = vector.shape_cast %broadcast_in_dim3A_144 : vector<16xf32> to vector<1x16xf32>
      tpu.vector_store %arg13[%swap3A_145, %swap3A_146], %swap3A_149 {strides = array<i32>} : memref<128x128xf32, #tpu.memory_space<vmem>>, vector<1x16xf32>,
      %broadcast_in_dim3A_150 = arith.constant 0.000000e+00 : f32
      %broadcast_in_dim3A_151 = vector.broadcast %broadcast_in_dim3A_150 : f32 to vector<16xf32>
      %swap3A_152 = arith.index_cast %scan3A_109 : i32 to index
      %swap3A_153 = arith.constant 96 : index
      %swap3A_154 = tpu.vector_load %arg13[%swap3A_152, %swap3A_153] {strides = array<i32>} : memref<128x128xf32, #tpu.memory_space<vmem>>, vector<1x16xf32>,
      %swap3A_155 = vector.shape_cast %swap3A_154 : vector<1x16xf32> to vector<16xf32>
      %swap3A_156 = vector.shape_cast %broadcast_in_dim3A_151 : vector<16xf32> to vector<1x16xf32>
      tpu.vector_store %arg13[%swap3A_152, %swap3A_153], %swap3A_156 {strides = array<i32>} : memref<128x128xf32, #tpu.memory_space<vmem>>, vector<1x16xf32>,
      %broadcast_in_dim3A_157 = arith.constant 0.000000e+00 : f32
      %broadcast_in_dim3A_158 = vector.broadcast %broadcast_in_dim3A_157 : f32 to vector<16xf32>
      %swap3A_159 = arith.index_cast %scan3A_109 : i32 to index
      %swap3A_160 = arith.constant 112 : index
      %swap3A_161 = tpu.vector_load %arg13[%swap3A_159, %swap3A_160] {strides = array<i32>} : memref<128x128xf32, #tpu.memory_space<vmem>>, vector<1x16xf32>,
      %swap3A_162 = vector.shape_cast %swap3A_161 : vector<1x16xf32> to vector<16xf32>
      %swap3A_163 = vector.shape_cast %broadcast_in_dim3A_158 : vector<16xf32> to vector<1x16xf32>
      tpu.vector_store %arg13[%swap3A_159, %swap3A_160], %swap3A_163 {strides = array<i32>} : memref<128x128xf32, #tpu.memory_space<vmem>>, vector<1x16xf32>,
    }
    %scan3A_3 = arith.constant 128 : i32
    %scan3A_4 = arith.constant 0 : i32
    %scan3A_5 = arith.constant 40 : i32
    %scan3A_6 = arith.addi %scan3A_4, %scan3A_5 : i32
    %scan3A_7 = arith.constant 1 : i32
    scf.for %scan3A_109 = %scan3A_4 to %scan3A_6 step %scan3A_7  : i32 {
      %broadcast_in_dim3A = arith.constant 0.000000e+00 : f32
      %broadcast_in_dim3A_110 = vector.broadcast %broadcast_in_dim3A : f32 to vector<16xf32>
      %mul3A_111 = arith.constant 16 : i32
      %mul3A_112 = arith.muli %scan3A_109, %mul3A_111 : i32
      %swap3A = arith.index_cast %mul3A_112 : i32 to index
      %swap3A_113 = tpu.vector_load %arg15[%swap3A] {strides = array<i32>} : memref<640xf32, #tpu.memory_space<vmem>>, vector<16xf32>,
      %swap3A_114 = vector.shape_cast %swap3A_113 : vector<16xf32> to vector<16xf32>
      %swap3A_115 = vector.shape_cast %broadcast_in_dim3A_110 : vector<16xf32> to vector<16xf32>
      tpu.vector_store %arg15[%swap3A], %swap3A_115 {strides = array<i32>} : memref<640xf32, #tpu.memory_space<vmem>>, vector<16xf32>,
    }
    %scan3A_8 = arith.constant 40 : i32
    %scan3A_9 = arith.constant 0 : i32
    %scan3A_10 = arith.constant 8 : i32
    %scan3A_11 = arith.addi %scan3A_9, %scan3A_10 : i32
    %scan3A_12 = arith.constant 1 : i32
    scf.for %scan3A_109 = %scan3A_9 to %scan3A_11 step %scan3A_12  : i32 {
      %broadcast_in_dim3A = arith.constant 1.000000e+00 : f32
      %broadcast_in_dim3A_110 = vector.broadcast %broadcast_in_dim3A : f32 to vector<16xf32>
      %mul3A_111 = arith.constant 16 : i32
      %mul3A_112 = arith.muli %scan3A_109, %mul3A_111 : i32
      %swap3A = arith.index_cast %mul3A_112 : i32 to index
      %swap3A_113 = tpu.vector_load %arg16[%swap3A] {strides = array<i32>} : memref<128xf32, #tpu.memory_space<vmem>>, vector<16xf32>,
      %swap3A_114 = vector.shape_cast %swap3A_113 : vector<16xf32> to vector<16xf32>
      %swap3A_115 = vector.shape_cast %broadcast_in_dim3A_110 : vector<16xf32> to vector<16xf32>
      tpu.vector_store %arg16[%swap3A], %swap3A_115 {strides = array<i32>} : memref<128xf32, #tpu.memory_space<vmem>>, vector<16xf32>,
    }
    %scan3A_13 = arith.constant 8 : i32
    %mul3A = arith.constant 640 : i32
    %mul3A_14 = arith.muli %arg1, %mul3A : i32
    %add3A = arith.constant 0 : i32
    %add3A_15 = arith.addi %mul3A_14, %add3A : i32
    "tpu.region"() ({
      %run_scoped3A_109 = tpu.sem_alloc : memref<!tpu.dma_semaphore, #tpu.memory_space<semaphore_mem>>
      %dma_start3A_110 = arith.constant 0 : i32
      %dma_start3A_111 = tpu.memref_slice %arg7[%add3A_15, %dma_start3A_110] : memref<10240x128xf32, #tpu.memory_space<vmem_shared>> -> memref<128x128xf32, #tpu.memory_space<vmem_shared>>
      %dma_start3A_112 = arith.constant 0 : i32
      %dma_start3A_113 = tpu.memref_slice %arg7[%add3A_15, %dma_start3A_112] : memref<10240x128xf32, #tpu.memory_space<vmem_shared>> -> memref<128x128xf32, #tpu.memory_space<vmem_shared>>
      tpu.enqueue_dma source(%arg13 : memref<128x128xf32, #tpu.memory_space<vmem>>) target(%dma_start3A_113 : memref<128x128xf32, #tpu.memory_space<vmem_shared>>) target_semaphore(%run_scoped3A_109 : memref<!tpu.dma_semaphore, #tpu.memory_space<semaphore_mem>>)
      %dma_wait3A = arith.constant 0 : i32
      %dma_wait3A_114 = tpu.memref_slice %arg7[%add3A_15, %dma_wait3A] : memref<10240x128xf32, #tpu.memory_space<vmem_shared>> -> memref<128x128xf32, #tpu.memory_space<vmem_shared>>
      %dma_wait3A_115 = arith.constant 0 : i32
      %dma_wait3A_116 = tpu.memref_slice %arg7[%add3A_15, %dma_wait3A_115] : memref<10240x128xf32, #tpu.memory_space<vmem_shared>> -> memref<128x128xf32, #tpu.memory_space<vmem_shared>>
      tpu.wait_dma2 semaphore(%run_scoped3A_109 : memref<!tpu.dma_semaphore, #tpu.memory_space<semaphore_mem>>) src(%arg13 : memref<128x128xf32, #tpu.memory_space<vmem>>) dst(%dma_wait3A_116 : memref<128x128xf32, #tpu.memory_space<vmem_shared>>)
      tpu.yield
    }) : () -> ()
    %mul3A_16 = arith.constant 640 : i32
    %mul3A_17 = arith.muli %arg1, %mul3A_16 : i32
    %add3A_18 = arith.constant 128 : i32
    %add3A_19 = arith.addi %mul3A_17, %add3A_18 : i32
    "tpu.region"() ({
      %run_scoped3A_109 = tpu.sem_alloc : memref<!tpu.dma_semaphore, #tpu.memory_space<semaphore_mem>>
      %dma_start3A_110 = arith.constant 0 : i32
      %dma_start3A_111 = tpu.memref_slice %arg7[%add3A_19, %dma_start3A_110] : memref<10240x128xf32, #tpu.memory_space<vmem_shared>> -> memref<128x128xf32, #tpu.memory_space<vmem_shared>>
      %dma_start3A_112 = arith.constant 0 : i32
      %dma_start3A_113 = tpu.memref_slice %arg7[%add3A_19, %dma_start3A_112] : memref<10240x128xf32, #tpu.memory_space<vmem_shared>> -> memref<128x128xf32, #tpu.memory_space<vmem_shared>>
      tpu.enqueue_dma source(%arg13 : memref<128x128xf32, #tpu.memory_space<vmem>>) target(%dma_start3A_113 : memref<128x128xf32, #tpu.memory_space<vmem_shared>>) target_semaphore(%run_scoped3A_109 : memref<!tpu.dma_semaphore, #tpu.memory_space<semaphore_mem>>)
      %dma_wait3A = arith.constant 0 : i32
      %dma_wait3A_114 = tpu.memref_slice %arg7[%add3A_19, %dma_wait3A] : memref<10240x128xf32, #tpu.memory_space<vmem_shared>> -> memref<128x128xf32, #tpu.memory_space<vmem_shared>>
      %dma_wait3A_115 = arith.constant 0 : i32
      %dma_wait3A_116 = tpu.memref_slice %arg7[%add3A_19, %dma_wait3A_115] : memref<10240x128xf32, #tpu.memory_space<vmem_shared>> -> memref<128x128xf32, #tpu.memory_space<vmem_shared>>
      tpu.wait_dma2 semaphore(%run_scoped3A_109 : memref<!tpu.dma_semaphore, #tpu.memory_space<semaphore_mem>>) src(%arg13 : memref<128x128xf32, #tpu.memory_space<vmem>>) dst(%dma_wait3A_116 : memref<128x128xf32, #tpu.memory_space<vmem_shared>>)
      tpu.yield
    }) : () -> ()
    %mul3A_20 = arith.constant 640 : i32
    %mul3A_21 = arith.muli %arg1, %mul3A_20 : i32
    %add3A_22 = arith.constant 256 : i32
    %add3A_23 = arith.addi %mul3A_21, %add3A_22 : i32
    "tpu.region"() ({
      %run_scoped3A_109 = tpu.sem_alloc : memref<!tpu.dma_semaphore, #tpu.memory_space<semaphore_mem>>
      %dma_start3A_110 = arith.constant 0 : i32
      %dma_start3A_111 = tpu.memref_slice %arg7[%add3A_23, %dma_start3A_110] : memref<10240x128xf32, #tpu.memory_space<vmem_shared>> -> memref<128x128xf32, #tpu.memory_space<vmem_shared>>
      %dma_start3A_112 = arith.constant 0 : i32
      %dma_start3A_113 = tpu.memref_slice %arg7[%add3A_23, %dma_start3A_112] : memref<10240x128xf32, #tpu.memory_space<vmem_shared>> -> memref<128x128xf32, #tpu.memory_space<vmem_shared>>
      tpu.enqueue_dma source(%arg13 : memref<128x128xf32, #tpu.memory_space<vmem>>) target(%dma_start3A_113 : memref<128x128xf32, #tpu.memory_space<vmem_shared>>) target_semaphore(%run_scoped3A_109 : memref<!tpu.dma_semaphore, #tpu.memory_space<semaphore_mem>>)
      %dma_wait3A = arith.constant 0 : i32
      %dma_wait3A_114 = tpu.memref_slice %arg7[%add3A_23, %dma_wait3A] : memref<10240x128xf32, #tpu.memory_space<vmem_shared>> -> memref<128x128xf32, #tpu.memory_space<vmem_shared>>
      %dma_wait3A_115 = arith.constant 0 : i32
      %dma_wait3A_116 = tpu.memref_slice %arg7[%add3A_23, %dma_wait3A_115] : memref<10240x128xf32, #tpu.memory_space<vmem_shared>> -> memref<128x128xf32, #tpu.memory_space<vmem_shared>>
      tpu.wait_dma2 semaphore(%run_scoped3A_109 : memref<!tpu.dma_semaphore, #tpu.memory_space<semaphore_mem>>) src(%arg13 : memref<128x128xf32, #tpu.memory_space<vmem>>) dst(%dma_wait3A_116 : memref<128x128xf32, #tpu.memory_space<vmem_shared>>)
      tpu.yield
    }) : () -> ()
    %mul3A_24 = arith.constant 640 : i32
    %mul3A_25 = arith.muli %arg1, %mul3A_24 : i32
    %add3A_26 = arith.constant 384 : i32
    %add3A_27 = arith.addi %mul3A_25, %add3A_26 : i32
    "tpu.region"() ({
      %run_scoped3A_109 = tpu.sem_alloc : memref<!tpu.dma_semaphore, #tpu.memory_space<semaphore_mem>>
      %dma_start3A_110 = arith.constant 0 : i32
      %dma_start3A_111 = tpu.memref_slice %arg7[%add3A_27, %dma_start3A_110] : memref<10240x128xf32, #tpu.memory_space<vmem_shared>> -> memref<128x128xf32, #tpu.memory_space<vmem_shared>>
      %dma_start3A_112 = arith.constant 0 : i32
      %dma_start3A_113 = tpu.memref_slice %arg7[%add3A_27, %dma_start3A_112] : memref<10240x128xf32, #tpu.memory_space<vmem_shared>> -> memref<128x128xf32, #tpu.memory_space<vmem_shared>>
      tpu.enqueue_dma source(%arg13 : memref<128x128xf32, #tpu.memory_space<vmem>>) target(%dma_start3A_113 : memref<128x128xf32, #tpu.memory_space<vmem_shared>>) target_semaphore(%run_scoped3A_109 : memref<!tpu.dma_semaphore, #tpu.memory_space<semaphore_mem>>)
      %dma_wait3A = arith.constant 0 : i32
      %dma_wait3A_114 = tpu.memref_slice %arg7[%add3A_27, %dma_wait3A] : memref<10240x128xf32, #tpu.memory_space<vmem_shared>> -> memref<128x128xf32, #tpu.memory_space<vmem_shared>>
      %dma_wait3A_115 = arith.constant 0 : i32
      %dma_wait3A_116 = tpu.memref_slice %arg7[%add3A_27, %dma_wait3A_115] : memref<10240x128xf32, #tpu.memory_space<vmem_shared>> -> memref<128x128xf32, #tpu.memory_space<vmem_shared>>
      tpu.wait_dma2 semaphore(%run_scoped3A_109 : memref<!tpu.dma_semaphore, #tpu.memory_space<semaphore_mem>>) src(%arg13 : memref<128x128xf32, #tpu.memory_space<vmem>>) dst(%dma_wait3A_116 : memref<128x128xf32, #tpu.memory_space<vmem_shared>>)
      tpu.yield
    }) : () -> ()
    %mul3A_28 = arith.constant 640 : i32
    %mul3A_29 = arith.muli %arg1, %mul3A_28 : i32
    %add3A_30 = arith.constant 512 : i32
    %add3A_31 = arith.addi %mul3A_29, %add3A_30 : i32
    "tpu.region"() ({
      %run_scoped3A_109 = tpu.sem_alloc : memref<!tpu.dma_semaphore, #tpu.memory_space<semaphore_mem>>
      %dma_start3A_110 = arith.constant 0 : i32
      %dma_start3A_111 = tpu.memref_slice %arg7[%add3A_31, %dma_start3A_110] : memref<10240x128xf32, #tpu.memory_space<vmem_shared>> -> memref<128x128xf32, #tpu.memory_space<vmem_shared>>
      %dma_start3A_112 = arith.constant 0 : i32
      %dma_start3A_113 = tpu.memref_slice %arg7[%add3A_31, %dma_start3A_112] : memref<10240x128xf32, #tpu.memory_space<vmem_shared>> -> memref<128x128xf32, #tpu.memory_space<vmem_shared>>
      tpu.enqueue_dma source(%arg13 : memref<128x128xf32, #tpu.memory_space<vmem>>) target(%dma_start3A_113 : memref<128x128xf32, #tpu.memory_space<vmem_shared>>) target_semaphore(%run_scoped3A_109 : memref<!tpu.dma_semaphore, #tpu.memory_space<semaphore_mem>>)
      %dma_wait3A = arith.constant 0 : i32
      %dma_wait3A_114 = tpu.memref_slice %arg7[%add3A_31, %dma_wait3A] : memref<10240x128xf32, #tpu.memory_space<vmem_shared>> -> memref<128x128xf32, #tpu.memory_space<vmem_shared>>
      %dma_wait3A_115 = arith.constant 0 : i32
      %dma_wait3A_116 = tpu.memref_slice %arg7[%add3A_31, %dma_wait3A_115] : memref<10240x128xf32, #tpu.memory_space<vmem_shared>> -> memref<128x128xf32, #tpu.memory_space<vmem_shared>>
      tpu.wait_dma2 semaphore(%run_scoped3A_109 : memref<!tpu.dma_semaphore, #tpu.memory_space<semaphore_mem>>) src(%arg13 : memref<128x128xf32, #tpu.memory_space<vmem>>) dst(%dma_wait3A_116 : memref<128x128xf32, #tpu.memory_space<vmem_shared>>)
      tpu.yield
    }) : () -> ()
    %mul3A_32 = arith.constant 640 : i32
    %mul3A_33 = arith.muli %arg1, %mul3A_32 : i32
    "tpu.region"() ({
      %run_scoped3A_109 = tpu.sem_alloc : memref<!tpu.dma_semaphore, #tpu.memory_space<semaphore_mem>>
      %dma_start3A_110 = tpu.memref_slice %arg8[%mul3A_33] : memref<10240xf32, #tpu.memory_space<vmem_shared>> -> memref<640xf32, #tpu.memory_space<vmem_shared>>
      %dma_start3A_111 = tpu.memref_slice %arg8[%mul3A_33] : memref<10240xf32, #tpu.memory_space<vmem_shared>> -> memref<640xf32, #tpu.memory_space<vmem_shared>>
      tpu.enqueue_dma source(%arg15 : memref<640xf32, #tpu.memory_space<vmem>>) target(%dma_start3A_111 : memref<640xf32, #tpu.memory_space<vmem_shared>>) target_semaphore(%run_scoped3A_109 : memref<!tpu.dma_semaphore, #tpu.memory_space<semaphore_mem>>)
      %dma_wait3A = tpu.memref_slice %arg8[%mul3A_33] : memref<10240xf32, #tpu.memory_space<vmem_shared>> -> memref<640xf32, #tpu.memory_space<vmem_shared>>
      %dma_wait3A_112 = tpu.memref_slice %arg8[%mul3A_33] : memref<10240xf32, #tpu.memory_space<vmem_shared>> -> memref<640xf32, #tpu.memory_space<vmem_shared>>
      tpu.wait_dma2 semaphore(%run_scoped3A_109 : memref<!tpu.dma_semaphore, #tpu.memory_space<semaphore_mem>>) src(%arg15 : memref<640xf32, #tpu.memory_space<vmem>>) dst(%dma_wait3A_112 : memref<640xf32, #tpu.memory_space<vmem_shared>>)
      tpu.yield
    }) : () -> ()
    %barrier3A = arith.constant 0 : index
    tpu.barrier barrier_id(%barrier3A)
    %run_scoped3A = arith.constant 0 : i32
    "tpu.region"() ({
      %run_scoped3A_109 = tpu.sem_alloc : memref<!tpu.dma_semaphore, #tpu.memory_space<semaphore_mem>>
      %dma_start3A_110 = arith.constant 0 : i32
      %dma_start3A_111 = arith.constant 0 : i32
      %dma_start3A_112 = tpu.memref_slice %arg3[%arg0, %arg1, %run_scoped3A, %dma_start3A_110, %dma_start3A_111] : memref<2x16x20x8x128xi32, #tpu.memory_space<hbm>> -> memref<1x1x1x8x128xi32, #tpu.memory_space<hbm>>
      %dma_start3A_113 = tpu.memref_squeeze %dma_start3A_112 : memref<1x1x1x8x128xi32, #tpu.memory_space<hbm>> -> memref<8x128xi32, #tpu.memory_space<hbm>>
      %dma_start3A_114 = arith.constant 0 : i32
      %dma_start3A_115 = arith.constant 0 : i32
      %dma_start3A_116 = tpu.memref_slice %arg3[%arg0, %arg1, %run_scoped3A, %dma_start3A_114, %dma_start3A_115] : memref<2x16x20x8x128xi32, #tpu.memory_space<hbm>> -> memref<1x1x1x8x128xi32, #tpu.memory_space<hbm>>
      %dma_start3A_117 = tpu.memref_squeeze %dma_start3A_116 : memref<1x1x1x8x128xi32, #tpu.memory_space<hbm>> -> memref<8x128xi32, #tpu.memory_space<hbm>>
      tpu.enqueue_dma source(%dma_start3A_117 : memref<8x128xi32, #tpu.memory_space<hbm>>) target(%arg9 : memref<8x128xi32, #tpu.memory_space<vmem>>) target_semaphore(%run_scoped3A_109 : memref<!tpu.dma_semaphore, #tpu.memory_space<semaphore_mem>>)
      %dma_wait3A = arith.constant 0 : i32
      %dma_wait3A_118 = arith.constant 0 : i32
      %dma_wait3A_119 = tpu.memref_slice %arg3[%arg0, %arg1, %run_scoped3A, %dma_wait3A, %dma_wait3A_118] : memref<2x16x20x8x128xi32, #tpu.memory_space<hbm>> -> memref<1x1x1x8x128xi32, #tpu.memory_space<hbm>>
      %dma_wait3A_120 = tpu.memref_squeeze %dma_wait3A_119 : memref<1x1x1x8x128xi32, #tpu.memory_space<hbm>> -> memref<8x128xi32, #tpu.memory_space<hbm>>
      %dma_wait3A_121 = arith.constant 0 : i32
      %dma_wait3A_122 = arith.constant 0 : i32
      %dma_wait3A_123 = tpu.memref_slice %arg3[%arg0, %arg1, %run_scoped3A, %dma_wait3A_121, %dma_wait3A_122] : memref<2x16x20x8x128xi32, #tpu.memory_space<hbm>> -> memref<1x1x1x8x128xi32, #tpu.memory_space<hbm>>
      %dma_wait3A_124 = tpu.memref_squeeze %dma_wait3A_123 : memref<1x1x1x8x128xi32, #tpu.memory_space<hbm>> -> memref<8x128xi32, #tpu.memory_space<hbm>>
      tpu.wait_dma2 semaphore(%run_scoped3A_109 : memref<!tpu.dma_semaphore, #tpu.memory_space<semaphore_mem>>) src(%dma_wait3A_124 : memref<8x128xi32, #tpu.memory_space<hbm>>) dst(%arg9 : memref<8x128xi32, #tpu.memory_space<vmem>>)
      tpu.yield
    }) : () -> ()
    %run_scoped3A_34 = arith.constant 0 : i32
    "tpu.region"() ({
      %run_scoped3A_109 = tpu.sem_alloc : memref<!tpu.dma_semaphore, #tpu.memory_space<semaphore_mem>>
      %dma_start3A_110 = arith.constant 0 : i32
      %dma_start3A_111 = arith.constant 0 : i32
      %dma_start3A_112 = tpu.memref_slice %arg4[%arg0, %arg1, %run_scoped3A_34, %dma_start3A_110, %dma_start3A_111] : memref<2x16x20x8x128xi32, #tpu.memory_space<hbm>> -> memref<1x1x1x8x128xi32, #tpu.memory_space<hbm>>
      %dma_start3A_113 = tpu.memref_squeeze %dma_start3A_112 : memref<1x1x1x8x128xi32, #tpu.memory_space<hbm>> -> memref<8x128xi32, #tpu.memory_space<hbm>>
      %dma_start3A_114 = arith.constant 0 : i32
      %dma_start3A_115 = arith.constant 0 : i32
      %dma_start3A_116 = tpu.memref_slice %arg4[%arg0, %arg1, %run_scoped3A_34, %dma_start3A_114, %dma_start3A_115] : memref<2x16x20x8x128xi32, #tpu.memory_space<hbm>> -> memref<1x1x1x8x128xi32, #tpu.memory_space<hbm>>
      %dma_start3A_117 = tpu.memref_squeeze %dma_start3A_116 : memref<1x1x1x8x128xi32, #tpu.memory_space<hbm>> -> memref<8x128xi32, #tpu.memory_space<hbm>>
      tpu.enqueue_dma source(%dma_start3A_117 : memref<8x128xi32, #tpu.memory_space<hbm>>) target(%arg10 : memref<8x128xi32, #tpu.memory_space<vmem>>) target_semaphore(%run_scoped3A_109 : memref<!tpu.dma_semaphore, #tpu.memory_space<semaphore_mem>>)
      %dma_wait3A = arith.constant 0 : i32
      %dma_wait3A_118 = arith.constant 0 : i32
      %dma_wait3A_119 = tpu.memref_slice %arg4[%arg0, %arg1, %run_scoped3A_34, %dma_wait3A, %dma_wait3A_118] : memref<2x16x20x8x128xi32, #tpu.memory_space<hbm>> -> memref<1x1x1x8x128xi32, #tpu.memory_space<hbm>>
      %dma_wait3A_120 = tpu.memref_squeeze %dma_wait3A_119 : memref<1x1x1x8x128xi32, #tpu.memory_space<hbm>> -> memref<8x128xi32, #tpu.memory_space<hbm>>
      %dma_wait3A_121 = arith.constant 0 : i32
      %dma_wait3A_122 = arith.constant 0 : i32
      %dma_wait3A_123 = tpu.memref_slice %arg4[%arg0, %arg1, %run_scoped3A_34, %dma_wait3A_121, %dma_wait3A_122] : memref<2x16x20x8x128xi32, #tpu.memory_space<hbm>> -> memref<1x1x1x8x128xi32, #tpu.memory_space<hbm>>
      %dma_wait3A_124 = tpu.memref_squeeze %dma_wait3A_123 : memref<1x1x1x8x128xi32, #tpu.memory_space<hbm>> -> memref<8x128xi32, #tpu.memory_space<hbm>>
      tpu.wait_dma2 semaphore(%run_scoped3A_109 : memref<!tpu.dma_semaphore, #tpu.memory_space<semaphore_mem>>) src(%dma_wait3A_124 : memref<8x128xi32, #tpu.memory_space<hbm>>) dst(%arg10 : memref<8x128xi32, #tpu.memory_space<vmem>>)
      tpu.yield
    }) : () -> ()
    %dma_start3A = arith.constant 0 : i32
    %dma_start3A_35 = arith.constant 0 : i32
    %dma_start3A_36 = tpu.memref_slice %arg9[%dma_start3A, %dma_start3A_35] : memref<8x128xi32, #tpu.memory_space<vmem>> -> memref<1x128xi32, #tpu.memory_space<vmem>>
    %dma_start3A_37 = tpu.memref_squeeze %dma_start3A_36 : memref<1x128xi32, #tpu.memory_space<vmem>> -> memref<128xi32, #tpu.memory_space<vmem>>
    %dma_start3A_38 = arith.constant 0 : i32
    %dma_start3A_39 = arith.constant 0 : i32
    %dma_start3A_40 = tpu.memref_slice %arg2[%dma_start3A_38, %dma_start3A_39] : memref<20480x128xf32, #tpu.memory_space<hbm>> -> memref<20480x128xf32, #tpu.memory_space<hbm>>
    tpu.enqueue_indirect_dma source(%dma_start3A_40 : memref<20480x128xf32, #tpu.memory_space<hbm>>) target(%arg13 : memref<128x128xf32, #tpu.memory_space<vmem>>) offsets(%dma_start3A_37 : memref<128xi32, #tpu.memory_space<vmem>>) semaphore(%arg17 : memref<!tpu.dma_semaphore, #tpu.memory_space<semaphore_mem>>)
    %dma_start3A_41 = arith.constant 1 : i32
    %dma_start3A_42 = arith.constant 0 : i32
    %dma_start3A_43 = arith.constant 0 : i32
    %dma_start3A_44 = tpu.memref_slice %arg3[%arg0, %arg1, %dma_start3A_41, %dma_start3A_42, %dma_start3A_43] : memref<2x16x20x8x128xi32, #tpu.memory_space<hbm>> -> memref<1x1x1x8x128xi32, #tpu.memory_space<hbm>>
    %dma_start3A_45 = tpu.memref_squeeze %dma_start3A_44 : memref<1x1x1x8x128xi32, #tpu.memory_space<hbm>> -> memref<8x128xi32, #tpu.memory_space<hbm>>
    %dma_start3A_46 = arith.constant 0 : i32
    %dma_start3A_47 = arith.constant 0 : i32
    %dma_start3A_48 = tpu.memref_slice %arg3[%arg0, %arg1, %dma_start3A_41, %dma_start3A_46, %dma_start3A_47] : memref<2x16x20x8x128xi32, #tpu.memory_space<hbm>> -> memref<1x1x1x8x128xi32, #tpu.memory_space<hbm>>
    %dma_start3A_49 = tpu.memref_squeeze %dma_start3A_48 : memref<1x1x1x8x128xi32, #tpu.memory_space<hbm>> -> memref<8x128xi32, #tpu.memory_space<hbm>>
    tpu.enqueue_dma source(%dma_start3A_49 : memref<8x128xi32, #tpu.memory_space<hbm>>) target(%arg11 : memref<8x128xi32, #tpu.memory_space<vmem>>) target_semaphore(%arg19 : memref<!tpu.dma_semaphore, #tpu.memory_space<semaphore_mem>>)
    %dma_start3A_50 = arith.constant 1 : i32
    %dma_start3A_51 = arith.constant 0 : i32
    %dma_start3A_52 = arith.constant 0 : i32
    %dma_start3A_53 = tpu.memref_slice %arg4[%arg0, %arg1, %dma_start3A_50, %dma_start3A_51, %dma_start3A_52] : memref<2x16x20x8x128xi32, #tpu.memory_space<hbm>> -> memref<1x1x1x8x128xi32, #tpu.memory_space<hbm>>
    %dma_start3A_54 = tpu.memref_squeeze %dma_start3A_53 : memref<1x1x1x8x128xi32, #tpu.memory_space<hbm>> -> memref<8x128xi32, #tpu.memory_space<hbm>>
    %dma_start3A_55 = arith.constant 0 : i32
    %dma_start3A_56 = arith.constant 0 : i32
    %dma_start3A_57 = tpu.memref_slice %arg4[%arg0, %arg1, %dma_start3A_50, %dma_start3A_55, %dma_start3A_56] : memref<2x16x20x8x128xi32, #tpu.memory_space<hbm>> -> memref<1x1x1x8x128xi32, #tpu.memory_space<hbm>>
    %dma_start3A_58 = tpu.memref_squeeze %dma_start3A_57 : memref<1x1x1x8x128xi32, #tpu.memory_space<hbm>> -> memref<8x128xi32, #tpu.memory_space<hbm>>
    tpu.enqueue_dma source(%dma_start3A_58 : memref<8x128xi32, #tpu.memory_space<hbm>>) target(%arg12 : memref<8x128xi32, #tpu.memory_space<vmem>>) target_semaphore(%arg20 : memref<!tpu.dma_semaphore, #tpu.memory_space<semaphore_mem>>)
    %scan3A_59 = arith.constant 0 : i32
    %scan3A_60 = arith.constant 10 : i32
    %scan3A_61 = arith.addi %scan3A_59, %scan3A_60 : i32
    %scan3A_62 = arith.constant 1 : i32
    scf.for %scan3A_109 = %scan3A_59 to %scan3A_61 step %scan3A_62  : i32 {
      %mul3A_110 = arith.constant 2 : i32
      %mul3A_111 = arith.muli %mul3A_110, %scan3A_109 : i32
      %add3A_112 = arith.constant 0 : i32
      %add3A_113 = arith.addi %mul3A_111, %add3A_112 : i32
      %dma_wait3A = arith.constant 0 : i32
      %dma_wait3A_114 = arith.constant 0 : i32
      %dma_wait3A_115 = tpu.memref_slice %arg9[%dma_wait3A, %dma_wait3A_114] : memref<8x128xi32, #tpu.memory_space<vmem>> -> memref<1x128xi32, #tpu.memory_space<vmem>>
      %dma_wait3A_116 = tpu.memref_squeeze %dma_wait3A_115 : memref<1x128xi32, #tpu.memory_space<vmem>> -> memref<128xi32, #tpu.memory_space<vmem>>
      %dma_wait3A_117 = arith.constant 0 : i32
      %dma_wait3A_118 = arith.constant 0 : i32
      %dma_wait3A_119 = tpu.memref_slice %arg2[%dma_wait3A_117, %dma_wait3A_118] : memref<20480x128xf32, #tpu.memory_space<hbm>> -> memref<20480x128xf32, #tpu.memory_space<hbm>>
      tpu.wait_indirect_dma semaphore(%arg17 : memref<!tpu.dma_semaphore, #tpu.memory_space<semaphore_mem>>) src(%dma_wait3A_119 : memref<20480x128xf32, #tpu.memory_space<hbm>>) dst(%arg13 : memref<128x128xf32, #tpu.memory_space<vmem>>)
      %dma_start3A_120 = arith.constant 1 : i32
      %dma_start3A_121 = arith.constant 0 : i32
      %dma_start3A_122 = tpu.memref_slice %arg9[%dma_start3A_120, %dma_start3A_121] : memref<8x128xi32, #tpu.memory_space<vmem>> -> memref<1x128xi32, #tpu.memory_space<vmem>>
      %dma_start3A_123 = tpu.memref_squeeze %dma_start3A_122 : memref<1x128xi32, #tpu.memory_space<vmem>> -> memref<128xi32, #tpu.memory_space<vmem>>
      %dma_start3A_124 = arith.constant 0 : i32
      %dma_start3A_125 = arith.constant 0 : i32
      %dma_start3A_126 = tpu.memref_slice %arg2[%dma_start3A_124, %dma_start3A_125] : memref<20480x128xf32, #tpu.memory_space<hbm>> -> memref<20480x128xf32, #tpu.memory_space<hbm>>
      tpu.enqueue_indirect_dma source(%dma_start3A_126 : memref<20480x128xf32, #tpu.memory_space<hbm>>) target(%arg14 : memref<128x128xf32, #tpu.memory_space<vmem>>) offsets(%dma_start3A_123 : memref<128xi32, #tpu.memory_space<vmem>>) semaphore(%arg18 : memref<!tpu.dma_semaphore, #tpu.memory_space<semaphore_mem>>)
      %dma_start3A_127 = arith.constant 0 : i32
      %dma_start3A_128 = arith.constant 0 : i32
      %dma_start3A_129 = tpu.memref_slice %arg10[%dma_start3A_127, %dma_start3A_128] : memref<8x128xi32, #tpu.memory_space<vmem>> -> memref<1x128xi32, #tpu.memory_space<vmem>>
      %dma_start3A_130 = tpu.memref_squeeze %dma_start3A_129 : memref<1x128xi32, #tpu.memory_space<vmem>> -> memref<128xi32, #tpu.memory_space<vmem>>
      %dma_start3A_131 = arith.constant 0 : i32
      %dma_start3A_132 = arith.constant 0 : i32
      %dma_start3A_133 = tpu.memref_slice %arg7[%dma_start3A_131, %dma_start3A_132] : memref<10240x128xf32, #tpu.memory_space<vmem_shared>> -> memref<10240x128xf32, #tpu.memory_space<vmem_shared>>
      tpu.enqueue_indirect_dma source(%arg13 : memref<128x128xf32, #tpu.memory_space<vmem>>) target(%dma_start3A_133 : memref<10240x128xf32, #tpu.memory_space<vmem_shared>>) offsets(%dma_start3A_130 : memref<128xi32, #tpu.memory_space<vmem>>) semaphore(%arg21 : memref<!tpu.dma_semaphore, #tpu.memory_space<semaphore_mem>>) {add = true}
      %dma_start3A_134 = arith.constant 0 : i32
      %dma_start3A_135 = arith.constant 0 : i32
      %dma_start3A_136 = tpu.memref_slice %arg10[%dma_start3A_134, %dma_start3A_135] : memref<8x128xi32, #tpu.memory_space<vmem>> -> memref<1x128xi32, #tpu.memory_space<vmem>>
      %dma_start3A_137 = tpu.memref_squeeze %dma_start3A_136 : memref<1x128xi32, #tpu.memory_space<vmem>> -> memref<128xi32, #tpu.memory_space<vmem>>
      %dma_start3A_138 = arith.constant 0 : i32
      %dma_start3A_139 = tpu.memref_slice %arg8[%dma_start3A_138] : memref<10240xf32, #tpu.memory_space<vmem_shared>> -> memref<10240xf32, #tpu.memory_space<vmem_shared>>
      tpu.enqueue_indirect_dma source(%arg16 : memref<128xf32, #tpu.memory_space<vmem>>) target(%dma_start3A_139 : memref<10240xf32, #tpu.memory_space<vmem_shared>>) offsets(%dma_start3A_137 : memref<128xi32, #tpu.memory_space<vmem>>) semaphore(%arg21 : memref<!tpu.dma_semaphore, #tpu.memory_space<semaphore_mem>>) {add = true}
      %dma_wait3A_140 = arith.constant 1 : i32
      %dma_wait3A_141 = arith.constant 0 : i32
      %dma_wait3A_142 = tpu.memref_slice %arg9[%dma_wait3A_140, %dma_wait3A_141] : memref<8x128xi32, #tpu.memory_space<vmem>> -> memref<1x128xi32, #tpu.memory_space<vmem>>
      %dma_wait3A_143 = tpu.memref_squeeze %dma_wait3A_142 : memref<1x128xi32, #tpu.memory_space<vmem>> -> memref<128xi32, #tpu.memory_space<vmem>>
      %dma_wait3A_144 = arith.constant 0 : i32
      %dma_wait3A_145 = arith.constant 0 : i32
      %dma_wait3A_146 = tpu.memref_slice %arg2[%dma_wait3A_144, %dma_wait3A_145] : memref<20480x128xf32, #tpu.memory_space<hbm>> -> memref<20480x128xf32, #tpu.memory_space<hbm>>
      tpu.wait_indirect_dma semaphore(%arg18 : memref<!tpu.dma_semaphore, #tpu.memory_space<semaphore_mem>>) src(%dma_wait3A_146 : memref<20480x128xf32, #tpu.memory_space<hbm>>) dst(%arg14 : memref<128x128xf32, #tpu.memory_space<vmem>>)
      %dma_wait3A_147 = arith.constant 0 : i32
      %dma_wait3A_148 = arith.constant 0 : i32
      %dma_wait3A_149 = tpu.memref_slice %arg10[%dma_wait3A_147, %dma_wait3A_148] : memref<8x128xi32, #tpu.memory_space<vmem>> -> memref<1x128xi32, #tpu.memory_space<vmem>>
      %dma_wait3A_150 = tpu.memref_squeeze %dma_wait3A_149 : memref<1x128xi32, #tpu.memory_space<vmem>> -> memref<128xi32, #tpu.memory_space<vmem>>
      %dma_wait3A_151 = arith.constant 0 : i32
      %dma_wait3A_152 = arith.constant 0 : i32
      %dma_wait3A_153 = tpu.memref_slice %arg7[%dma_wait3A_151, %dma_wait3A_152] : memref<10240x128xf32, #tpu.memory_space<vmem_shared>> -> memref<10240x128xf32, #tpu.memory_space<vmem_shared>>
      tpu.wait_indirect_dma semaphore(%arg21 : memref<!tpu.dma_semaphore, #tpu.memory_space<semaphore_mem>>) src(%arg13 : memref<128x128xf32, #tpu.memory_space<vmem>>) dst(%dma_wait3A_153 : memref<10240x128xf32, #tpu.memory_space<vmem_shared>>)
      %dma_wait3A_154 = arith.constant 0 : i32
      %dma_wait3A_155 = arith.constant 0 : i32
      %dma_wait3A_156 = tpu.memref_slice %arg10[%dma_wait3A_154, %dma_wait3A_155] : memref<8x128xi32, #tpu.memory_space<vmem>> -> memref<1x128xi32, #tpu.memory_space<vmem>>
      %dma_wait3A_157 = tpu.memref_squeeze %dma_wait3A_156 : memref<1x128xi32, #tpu.memory_space<vmem>> -> memref<128xi32, #tpu.memory_space<vmem>>
      %dma_wait3A_158 = arith.constant 0 : i32
      %dma_wait3A_159 = tpu.memref_slice %arg8[%dma_wait3A_158] : memref<10240xf32, #tpu.memory_space<vmem_shared>> -> memref<10240xf32, #tpu.memory_space<vmem_shared>>
      tpu.wait_indirect_dma semaphore(%arg21 : memref<!tpu.dma_semaphore, #tpu.memory_space<semaphore_mem>>) src(%arg16 : memref<128xf32, #tpu.memory_space<vmem>>) dst(%dma_wait3A_159 : memref<10240xf32, #tpu.memory_space<vmem_shared>>)
      %dma_start3A_160 = arith.constant 2 : i32
      %dma_start3A_161 = arith.constant 0 : i32
      %dma_start3A_162 = tpu.memref_slice %arg9[%dma_start3A_160, %dma_start3A_161] : memref<8x128xi32, #tpu.memory_space<vmem>> -> memref<1x128xi32, #tpu.memory_space<vmem>>
      %dma_start3A_163 = tpu.memref_squeeze %dma_start3A_162 : memref<1x128xi32, #tpu.memory_space<vmem>> -> memref<128xi32, #tpu.memory_space<vmem>>
      %dma_start3A_164 = arith.constant 0 : i32
      %dma_start3A_165 = arith.constant 0 : i32
      %dma_start3A_166 = tpu.memref_slice %arg2[%dma_start3A_164, %dma_start3A_165] : memref<20480x128xf32, #tpu.memory_space<hbm>> -> memref<20480x128xf32, #tpu.memory_space<hbm>>
      tpu.enqueue_indirect_dma source(%dma_start3A_166 : memref<20480x128xf32, #tpu.memory_space<hbm>>) target(%arg13 : memref<128x128xf32, #tpu.memory_space<vmem>>) offsets(%dma_start3A_163 : memref<128xi32, #tpu.memory_space<vmem>>) semaphore(%arg17 : memref<!tpu.dma_semaphore, #tpu.memory_space<semaphore_mem>>)
      %dma_start3A_167 = arith.constant 1 : i32
      %dma_start3A_168 = arith.constant 0 : i32
      %dma_start3A_169 = tpu.memref_slice %arg10[%dma_start3A_167, %dma_start3A_168] : memref<8x128xi32, #tpu.memory_space<vmem>> -> memref<1x128xi32, #tpu.memory_space<vmem>>
      %dma_start3A_170 = tpu.memref_squeeze %dma_start3A_169 : memref<1x128xi32, #tpu.memory_space<vmem>> -> memref<128xi32, #tpu.memory_space<vmem>>
      %dma_start3A_171 = arith.constant 0 : i32
      %dma_start3A_172 = arith.constant 0 : i32
      %dma_start3A_173 = tpu.memref_slice %arg7[%dma_start3A_171, %dma_start3A_172] : memref<10240x128xf32, #tpu.memory_space<vmem_shared>> -> memref<10240x128xf32, #tpu.memory_space<vmem_shared>>
      tpu.enqueue_indirect_dma source(%arg14 : memref<128x128xf32, #tpu.memory_space<vmem>>) target(%dma_start3A_173 : memref<10240x128xf32, #tpu.memory_space<vmem_shared>>) offsets(%dma_start3A_170 : memref<128xi32, #tpu.memory_space<vmem>>) semaphore(%arg22 : memref<!tpu.dma_semaphore, #tpu.memory_space<semaphore_mem>>) {add = true}
      %dma_start3A_174 = arith.constant 1 : i32
      %dma_start3A_175 = arith.constant 0 : i32
      %dma_start3A_176 = tpu.memref_slice %arg10[%dma_start3A_174, %dma_start3A_175] : memref<8x128xi32, #tpu.memory_space<vmem>> -> memref<1x128xi32, #tpu.memory_space<vmem>>
      %dma_start3A_177 = tpu.memref_squeeze %dma_start3A_176 : memref<1x128xi32, #tpu.memory_space<vmem>> -> memref<128xi32, #tpu.memory_space<vmem>>
      %dma_start3A_178 = arith.constant 0 : i32
      %dma_start3A_179 = tpu.memref_slice %arg8[%dma_start3A_178] : memref<10240xf32, #tpu.memory_space<vmem_shared>> -> memref<10240xf32, #tpu.memory_space<vmem_shared>>
      tpu.enqueue_indirect_dma source(%arg16 : memref<128xf32, #tpu.memory_space<vmem>>) target(%dma_start3A_179 : memref<10240xf32, #tpu.memory_space<vmem_shared>>) offsets(%dma_start3A_177 : memref<128xi32, #tpu.memory_space<vmem>>) semaphore(%arg22 : memref<!tpu.dma_semaphore, #tpu.memory_space<semaphore_mem>>) {add = true}
      %dma_wait3A_180 = arith.constant 2 : i32
      %dma_wait3A_181 = arith.constant 0 : i32
      %dma_wait3A_182 = tpu.memref_slice %arg9[%dma_wait3A_180, %dma_wait3A_181] : memref<8x128xi32, #tpu.memory_space<vmem>> -> memref<1x128xi32, #tpu.memory_space<vmem>>
      %dma_wait3A_183 = tpu.memref_squeeze %dma_wait3A_182 : memref<1x128xi32, #tpu.memory_space<vmem>> -> memref<128xi32, #tpu.memory_space<vmem>>
      %dma_wait3A_184 = arith.constant 0 : i32
      %dma_wait3A_185 = arith.constant 0 : i32
      %dma_wait3A_186 = tpu.memref_slice %arg2[%dma_wait3A_184, %dma_wait3A_185] : memref<20480x128xf32, #tpu.memory_space<hbm>> -> memref<20480x128xf32, #tpu.memory_space<hbm>>
      tpu.wait_indirect_dma semaphore(%arg17 : memref<!tpu.dma_semaphore, #tpu.memory_space<semaphore_mem>>) src(%dma_wait3A_186 : memref<20480x128xf32, #tpu.memory_space<hbm>>) dst(%arg13 : memref<128x128xf32, #tpu.memory_space<vmem>>)
      %dma_wait3A_187 = arith.constant 1 : i32
      %dma_wait3A_188 = arith.constant 0 : i32
      %dma_wait3A_189 = tpu.memref_slice %arg10[%dma_wait3A_187, %dma_wait3A_188] : memref<8x128xi32, #tpu.memory_space<vmem>> -> memref<1x128xi32, #tpu.memory_space<vmem>>
      %dma_wait3A_190 = tpu.memref_squeeze %dma_wait3A_189 : memref<1x128xi32, #tpu.memory_space<vmem>> -> memref<128xi32, #tpu.memory_space<vmem>>
      %dma_wait3A_191 = arith.constant 0 : i32
      %dma_wait3A_192 = arith.constant 0 : i32
      %dma_wait3A_193 = tpu.memref_slice %arg7[%dma_wait3A_191, %dma_wait3A_192] : memref<10240x128xf32, #tpu.memory_space<vmem_shared>> -> memref<10240x128xf32, #tpu.memory_space<vmem_shared>>
      tpu.wait_indirect_dma semaphore(%arg22 : memref<!tpu.dma_semaphore, #tpu.memory_space<semaphore_mem>>) src(%arg14 : memref<128x128xf32, #tpu.memory_space<vmem>>) dst(%dma_wait3A_193 : memref<10240x128xf32, #tpu.memory_space<vmem_shared>>)
      %dma_wait3A_194 = arith.constant 1 : i32
      %dma_wait3A_195 = arith.constant 0 : i32
      %dma_wait3A_196 = tpu.memref_slice %arg10[%dma_wait3A_194, %dma_wait3A_195] : memref<8x128xi32, #tpu.memory_space<vmem>> -> memref<1x128xi32, #tpu.memory_space<vmem>>
      %dma_wait3A_197 = tpu.memref_squeeze %dma_wait3A_196 : memref<1x128xi32, #tpu.memory_space<vmem>> -> memref<128xi32, #tpu.memory_space<vmem>>
      %dma_wait3A_198 = arith.constant 0 : i32
      %dma_wait3A_199 = tpu.memref_slice %arg8[%dma_wait3A_198] : memref<10240xf32, #tpu.memory_space<vmem_shared>> -> memref<10240xf32, #tpu.memory_space<vmem_shared>>
      tpu.wait_indirect_dma semaphore(%arg22 : memref<!tpu.dma_semaphore, #tpu.memory_space<semaphore_mem>>) src(%arg16 : memref<128xf32, #tpu.memory_space<vmem>>) dst(%dma_wait3A_199 : memref<10240xf32, #tpu.memory_space<vmem_shared>>)
      %dma_start3A_200 = arith.constant 3 : i32
      %dma_start3A_201 = arith.constant 0 : i32
      %dma_start3A_202 = tpu.memref_slice %arg9[%dma_start3A_200, %dma_start3A_201] : memref<8x128xi32, #tpu.memory_space<vmem>> -> memref<1x128xi32, #tpu.memory_space<vmem>>
      %dma_start3A_203 = tpu.memref_squeeze %dma_start3A_202 : memref<1x128xi32, #tpu.memory_space<vmem>> -> memref<128xi32, #tpu.memory_space<vmem>>
      %dma_start3A_204 = arith.constant 0 : i32
      %dma_start3A_205 = arith.constant 0 : i32
      %dma_start3A_206 = tpu.memref_slice %arg2[%dma_start3A_204, %dma_start3A_205] : memref<20480x128xf32, #tpu.memory_space<hbm>> -> memref<20480x128xf32, #tpu.memory_space<hbm>>
      tpu.enqueue_indirect_dma source(%dma_start3A_206 : memref<20480x128xf32, #tpu.memory_space<hbm>>) target(%arg14 : memref<128x128xf32, #tpu.memory_space<vmem>>) offsets(%dma_start3A_203 : memref<128xi32, #tpu.memory_space<vmem>>) semaphore(%arg18 : memref<!tpu.dma_semaphore, #tpu.memory_space<semaphore_mem>>)
      %dma_start3A_207 = arith.constant 2 : i32
      %dma_start3A_208 = arith.constant 0 : i32
      %dma_start3A_209 = tpu.memref_slice %arg10[%dma_start3A_207, %dma_start3A_208] : memref<8x128xi32, #tpu.memory_space<vmem>> -> memref<1x128xi32, #tpu.memory_space<vmem>>
      %dma_start3A_210 = tpu.memref_squeeze %dma_start3A_209 : memref<1x128xi32, #tpu.memory_space<vmem>> -> memref<128xi32, #tpu.memory_space<vmem>>
      %dma_start3A_211 = arith.constant 0 : i32
      %dma_start3A_212 = arith.constant 0 : i32
      %dma_start3A_213 = tpu.memref_slice %arg7[%dma_start3A_211, %dma_start3A_212] : memref<10240x128xf32, #tpu.memory_space<vmem_shared>> -> memref<10240x128xf32, #tpu.memory_space<vmem_shared>>
      tpu.enqueue_indirect_dma source(%arg13 : memref<128x128xf32, #tpu.memory_space<vmem>>) target(%dma_start3A_213 : memref<10240x128xf32, #tpu.memory_space<vmem_shared>>) offsets(%dma_start3A_210 : memref<128xi32, #tpu.memory_space<vmem>>) semaphore(%arg21 : memref<!tpu.dma_semaphore, #tpu.memory_space<semaphore_mem>>) {add = true}
      %dma_start3A_214 = arith.constant 2 : i32
      %dma_start3A_215 = arith.constant 0 : i32
      %dma_start3A_216 = tpu.memref_slice %arg10[%dma_start3A_214, %dma_start3A_215] : memref<8x128xi32, #tpu.memory_space<vmem>> -> memref<1x128xi32, #tpu.memory_space<vmem>>
      %dma_start3A_217 = tpu.memref_squeeze %dma_start3A_216 : memref<1x128xi32, #tpu.memory_space<vmem>> -> memref<128xi32, #tpu.memory_space<vmem>>
      %dma_start3A_218 = arith.constant 0 : i32
      %dma_start3A_219 = tpu.memref_slice %arg8[%dma_start3A_218] : memref<10240xf32, #tpu.memory_space<vmem_shared>> -> memref<10240xf32, #tpu.memory_space<vmem_shared>>
      tpu.enqueue_indirect_dma source(%arg16 : memref<128xf32, #tpu.memory_space<vmem>>) target(%dma_start3A_219 : memref<10240xf32, #tpu.memory_space<vmem_shared>>) offsets(%dma_start3A_217 : memref<128xi32, #tpu.memory_space<vmem>>) semaphore(%arg21 : memref<!tpu.dma_semaphore, #tpu.memory_space<semaphore_mem>>) {add = true}
      %dma_wait3A_220 = arith.constant 3 : i32
      %dma_wait3A_221 = arith.constant 0 : i32
      %dma_wait3A_222 = tpu.memref_slice %arg9[%dma_wait3A_220, %dma_wait3A_221] : memref<8x128xi32, #tpu.memory_space<vmem>> -> memref<1x128xi32, #tpu.memory_space<vmem>>
      %dma_wait3A_223 = tpu.memref_squeeze %dma_wait3A_222 : memref<1x128xi32, #tpu.memory_space<vmem>> -> memref<128xi32, #tpu.memory_space<vmem>>
      %dma_wait3A_224 = arith.constant 0 : i32
      %dma_wait3A_225 = arith.constant 0 : i32
      %dma_wait3A_226 = tpu.memref_slice %arg2[%dma_wait3A_224, %dma_wait3A_225] : memref<20480x128xf32, #tpu.memory_space<hbm>> -> memref<20480x128xf32, #tpu.memory_space<hbm>>
      tpu.wait_indirect_dma semaphore(%arg18 : memref<!tpu.dma_semaphore, #tpu.memory_space<semaphore_mem>>) src(%dma_wait3A_226 : memref<20480x128xf32, #tpu.memory_space<hbm>>) dst(%arg14 : memref<128x128xf32, #tpu.memory_space<vmem>>)
      %dma_wait3A_227 = arith.constant 2 : i32
      %dma_wait3A_228 = arith.constant 0 : i32
      %dma_wait3A_229 = tpu.memref_slice %arg10[%dma_wait3A_227, %dma_wait3A_228] : memref<8x128xi32, #tpu.memory_space<vmem>> -> memref<1x128xi32, #tpu.memory_space<vmem>>
      %dma_wait3A_230 = tpu.memref_squeeze %dma_wait3A_229 : memref<1x128xi32, #tpu.memory_space<vmem>> -> memref<128xi32, #tpu.memory_space<vmem>>
      %dma_wait3A_231 = arith.constant 0 : i32
      %dma_wait3A_232 = arith.constant 0 : i32
      %dma_wait3A_233 = tpu.memref_slice %arg7[%dma_wait3A_231, %dma_wait3A_232] : memref<10240x128xf32, #tpu.memory_space<vmem_shared>> -> memref<10240x128xf32, #tpu.memory_space<vmem_shared>>
      tpu.wait_indirect_dma semaphore(%arg21 : memref<!tpu.dma_semaphore, #tpu.memory_space<semaphore_mem>>) src(%arg13 : memref<128x128xf32, #tpu.memory_space<vmem>>) dst(%dma_wait3A_233 : memref<10240x128xf32, #tpu.memory_space<vmem_shared>>)
      %dma_wait3A_234 = arith.constant 2 : i32
      %dma_wait3A_235 = arith.constant 0 : i32
      %dma_wait3A_236 = tpu.memref_slice %arg10[%dma_wait3A_234, %dma_wait3A_235] : memref<8x128xi32, #tpu.memory_space<vmem>> -> memref<1x128xi32, #tpu.memory_space<vmem>>
      %dma_wait3A_237 = tpu.memref_squeeze %dma_wait3A_236 : memref<1x128xi32, #tpu.memory_space<vmem>> -> memref<128xi32, #tpu.memory_space<vmem>>
      %dma_wait3A_238 = arith.constant 0 : i32
      %dma_wait3A_239 = tpu.memref_slice %arg8[%dma_wait3A_238] : memref<10240xf32, #tpu.memory_space<vmem_shared>> -> memref<10240xf32, #tpu.memory_space<vmem_shared>>
      tpu.wait_indirect_dma semaphore(%arg21 : memref<!tpu.dma_semaphore, #tpu.memory_space<semaphore_mem>>) src(%arg16 : memref<128xf32, #tpu.memory_space<vmem>>) dst(%dma_wait3A_239 : memref<10240xf32, #tpu.memory_space<vmem_shared>>)
      %dma_start3A_240 = arith.constant 4 : i32
      %dma_start3A_241 = arith.constant 0 : i32
      %dma_start3A_242 = tpu.memref_slice %arg9[%dma_start3A_240, %dma_start3A_241] : memref<8x128xi32, #tpu.memory_space<vmem>> -> memref<1x128xi32, #tpu.memory_space<vmem>>
      %dma_start3A_243 = tpu.memref_squeeze %dma_start3A_242 : memref<1x128xi32, #tpu.memory_space<vmem>> -> memref<128xi32, #tpu.memory_space<vmem>>
      %dma_start3A_244 = arith.constant 0 : i32
      %dma_start3A_245 = arith.constant 0 : i32
      %dma_start3A_246 = tpu.memref_slice %arg2[%dma_start3A_244, %dma_start3A_245] : memref<20480x128xf32, #tpu.memory_space<hbm>> -> memref<20480x128xf32, #tpu.memory_space<hbm>>
      tpu.enqueue_indirect_dma source(%dma_start3A_246 : memref<20480x128xf32, #tpu.memory_space<hbm>>) target(%arg13 : memref<128x128xf32, #tpu.memory_space<vmem>>) offsets(%dma_start3A_243 : memref<128xi32, #tpu.memory_space<vmem>>) semaphore(%arg17 : memref<!tpu.dma_semaphore, #tpu.memory_space<semaphore_mem>>)
      %dma_start3A_247 = arith.constant 3 : i32
      %dma_start3A_248 = arith.constant 0 : i32
      %dma_start3A_249 = tpu.memref_slice %arg10[%dma_start3A_247, %dma_start3A_248] : memref<8x128xi32, #tpu.memory_space<vmem>> -> memref<1x128xi32, #tpu.memory_space<vmem>>
      %dma_start3A_250 = tpu.memref_squeeze %dma_start3A_249 : memref<1x128xi32, #tpu.memory_space<vmem>> -> memref<128xi32, #tpu.memory_space<vmem>>
      %dma_start3A_251 = arith.constant 0 : i32
      %dma_start3A_252 = arith.constant 0 : i32
      %dma_start3A_253 = tpu.memref_slice %arg7[%dma_start3A_251, %dma_start3A_252] : memref<10240x128xf32, #tpu.memory_space<vmem_shared>> -> memref<10240x128xf32, #tpu.memory_space<vmem_shared>>
      tpu.enqueue_indirect_dma source(%arg14 : memref<128x128xf32, #tpu.memory_space<vmem>>) target(%dma_start3A_253 : memref<10240x128xf32, #tpu.memory_space<vmem_shared>>) offsets(%dma_start3A_250 : memref<128xi32, #tpu.memory_space<vmem>>) semaphore(%arg22 : memref<!tpu.dma_semaphore, #tpu.memory_space<semaphore_mem>>) {add = true}
      %dma_start3A_254 = arith.constant 3 : i32
      %dma_start3A_255 = arith.constant 0 : i32
      %dma_start3A_256 = tpu.memref_slice %arg10[%dma_start3A_254, %dma_start3A_255] : memref<8x128xi32, #tpu.memory_space<vmem>> -> memref<1x128xi32, #tpu.memory_space<vmem>>
      %dma_start3A_257 = tpu.memref_squeeze %dma_start3A_256 : memref<1x128xi32, #tpu.memory_space<vmem>> -> memref<128xi32, #tpu.memory_space<vmem>>
      %dma_start3A_258 = arith.constant 0 : i32
      %dma_start3A_259 = tpu.memref_slice %arg8[%dma_start3A_258] : memref<10240xf32, #tpu.memory_space<vmem_shared>> -> memref<10240xf32, #tpu.memory_space<vmem_shared>>
      tpu.enqueue_indirect_dma source(%arg16 : memref<128xf32, #tpu.memory_space<vmem>>) target(%dma_start3A_259 : memref<10240xf32, #tpu.memory_space<vmem_shared>>) offsets(%dma_start3A_257 : memref<128xi32, #tpu.memory_space<vmem>>) semaphore(%arg22 : memref<!tpu.dma_semaphore, #tpu.memory_space<semaphore_mem>>) {add = true}
      %dma_wait3A_260 = arith.constant 4 : i32
      %dma_wait3A_261 = arith.constant 0 : i32
      %dma_wait3A_262 = tpu.memref_slice %arg9[%dma_wait3A_260, %dma_wait3A_261] : memref<8x128xi32, #tpu.memory_space<vmem>> -> memref<1x128xi32, #tpu.memory_space<vmem>>
      %dma_wait3A_263 = tpu.memref_squeeze %dma_wait3A_262 : memref<1x128xi32, #tpu.memory_space<vmem>> -> memref<128xi32, #tpu.memory_space<vmem>>
      %dma_wait3A_264 = arith.constant 0 : i32
      %dma_wait3A_265 = arith.constant 0 : i32
      %dma_wait3A_266 = tpu.memref_slice %arg2[%dma_wait3A_264, %dma_wait3A_265] : memref<20480x128xf32, #tpu.memory_space<hbm>> -> memref<20480x128xf32, #tpu.memory_space<hbm>>
      tpu.wait_indirect_dma semaphore(%arg17 : memref<!tpu.dma_semaphore, #tpu.memory_space<semaphore_mem>>) src(%dma_wait3A_266 : memref<20480x128xf32, #tpu.memory_space<hbm>>) dst(%arg13 : memref<128x128xf32, #tpu.memory_space<vmem>>)
      %dma_wait3A_267 = arith.constant 3 : i32
      %dma_wait3A_268 = arith.constant 0 : i32
      %dma_wait3A_269 = tpu.memref_slice %arg10[%dma_wait3A_267, %dma_wait3A_268] : memref<8x128xi32, #tpu.memory_space<vmem>> -> memref<1x128xi32, #tpu.memory_space<vmem>>
      %dma_wait3A_270 = tpu.memref_squeeze %dma_wait3A_269 : memref<1x128xi32, #tpu.memory_space<vmem>> -> memref<128xi32, #tpu.memory_space<vmem>>
      %dma_wait3A_271 = arith.constant 0 : i32
      %dma_wait3A_272 = arith.constant 0 : i32
      %dma_wait3A_273 = tpu.memref_slice %arg7[%dma_wait3A_271, %dma_wait3A_272] : memref<10240x128xf32, #tpu.memory_space<vmem_shared>> -> memref<10240x128xf32, #tpu.memory_space<vmem_shared>>
      tpu.wait_indirect_dma semaphore(%arg22 : memref<!tpu.dma_semaphore, #tpu.memory_space<semaphore_mem>>) src(%arg14 : memref<128x128xf32, #tpu.memory_space<vmem>>) dst(%dma_wait3A_273 : memref<10240x128xf32, #tpu.memory_space<vmem_shared>>)
      %dma_wait3A_274 = arith.constant 3 : i32
      %dma_wait3A_275 = arith.constant 0 : i32
      %dma_wait3A_276 = tpu.memref_slice %arg10[%dma_wait3A_274, %dma_wait3A_275] : memref<8x128xi32, #tpu.memory_space<vmem>> -> memref<1x128xi32, #tpu.memory_space<vmem>>
      %dma_wait3A_277 = tpu.memref_squeeze %dma_wait3A_276 : memref<1x128xi32, #tpu.memory_space<vmem>> -> memref<128xi32, #tpu.memory_space<vmem>>
      %dma_wait3A_278 = arith.constant 0 : i32
      %dma_wait3A_279 = tpu.memref_slice %arg8[%dma_wait3A_278] : memref<10240xf32, #tpu.memory_space<vmem_shared>> -> memref<10240xf32, #tpu.memory_space<vmem_shared>>
      tpu.wait_indirect_dma semaphore(%arg22 : memref<!tpu.dma_semaphore, #tpu.memory_space<semaphore_mem>>) src(%arg16 : memref<128xf32, #tpu.memory_space<vmem>>) dst(%dma_wait3A_279 : memref<10240xf32, #tpu.memory_space<vmem_shared>>)
      %dma_start3A_280 = arith.constant 5 : i32
      %dma_start3A_281 = arith.constant 0 : i32
      %dma_start3A_282 = tpu.memref_slice %arg9[%dma_start3A_280, %dma_start3A_281] : memref<8x128xi32, #tpu.memory_space<vmem>> -> memref<1x128xi32, #tpu.memory_space<vmem>>
      %dma_start3A_283 = tpu.memref_squeeze %dma_start3A_282 : memref<1x128xi32, #tpu.memory_space<vmem>> -> memref<128xi32, #tpu.memory_space<vmem>>
      %dma_start3A_284 = arith.constant 0 : i32
      %dma_start3A_285 = arith.constant 0 : i32
      %dma_start3A_286 = tpu.memref_slice %arg2[%dma_start3A_284, %dma_start3A_285] : memref<20480x128xf32, #tpu.memory_space<hbm>> -> memref<20480x128xf32, #tpu.memory_space<hbm>>
      tpu.enqueue_indirect_dma source(%dma_start3A_286 : memref<20480x128xf32, #tpu.memory_space<hbm>>) target(%arg14 : memref<128x128xf32, #tpu.memory_space<vmem>>) offsets(%dma_start3A_283 : memref<128xi32, #tpu.memory_space<vmem>>) semaphore(%arg18 : memref<!tpu.dma_semaphore, #tpu.memory_space<semaphore_mem>>)
      %dma_start3A_287 = arith.constant 4 : i32
      %dma_start3A_288 = arith.constant 0 : i32
      %dma_start3A_289 = tpu.memref_slice %arg10[%dma_start3A_287, %dma_start3A_288] : memref<8x128xi32, #tpu.memory_space<vmem>> -> memref<1x128xi32, #tpu.memory_space<vmem>>
      %dma_start3A_290 = tpu.memref_squeeze %dma_start3A_289 : memref<1x128xi32, #tpu.memory_space<vmem>> -> memref<128xi32, #tpu.memory_space<vmem>>
      %dma_start3A_291 = arith.constant 0 : i32
      %dma_start3A_292 = arith.constant 0 : i32
      %dma_start3A_293 = tpu.memref_slice %arg7[%dma_start3A_291, %dma_start3A_292] : memref<10240x128xf32, #tpu.memory_space<vmem_shared>> -> memref<10240x128xf32, #tpu.memory_space<vmem_shared>>
      tpu.enqueue_indirect_dma source(%arg13 : memref<128x128xf32, #tpu.memory_space<vmem>>) target(%dma_start3A_293 : memref<10240x128xf32, #tpu.memory_space<vmem_shared>>) offsets(%dma_start3A_290 : memref<128xi32, #tpu.memory_space<vmem>>) semaphore(%arg21 : memref<!tpu.dma_semaphore, #tpu.memory_space<semaphore_mem>>) {add = true}
      %dma_start3A_294 = arith.constant 4 : i32
      %dma_start3A_295 = arith.constant 0 : i32
      %dma_start3A_296 = tpu.memref_slice %arg10[%dma_start3A_294, %dma_start3A_295] : memref<8x128xi32, #tpu.memory_space<vmem>> -> memref<1x128xi32, #tpu.memory_space<vmem>>
      %dma_start3A_297 = tpu.memref_squeeze %dma_start3A_296 : memref<1x128xi32, #tpu.memory_space<vmem>> -> memref<128xi32, #tpu.memory_space<vmem>>
      %dma_start3A_298 = arith.constant 0 : i32
      %dma_start3A_299 = tpu.memref_slice %arg8[%dma_start3A_298] : memref<10240xf32, #tpu.memory_space<vmem_shared>> -> memref<10240xf32, #tpu.memory_space<vmem_shared>>
      tpu.enqueue_indirect_dma source(%arg16 : memref<128xf32, #tpu.memory_space<vmem>>) target(%dma_start3A_299 : memref<10240xf32, #tpu.memory_space<vmem_shared>>) offsets(%dma_start3A_297 : memref<128xi32, #tpu.memory_space<vmem>>) semaphore(%arg21 : memref<!tpu.dma_semaphore, #tpu.memory_space<semaphore_mem>>) {add = true}
      %dma_wait3A_300 = arith.constant 5 : i32
      %dma_wait3A_301 = arith.constant 0 : i32
      %dma_wait3A_302 = tpu.memref_slice %arg9[%dma_wait3A_300, %dma_wait3A_301] : memref<8x128xi32, #tpu.memory_space<vmem>> -> memref<1x128xi32, #tpu.memory_space<vmem>>
      %dma_wait3A_303 = tpu.memref_squeeze %dma_wait3A_302 : memref<1x128xi32, #tpu.memory_space<vmem>> -> memref<128xi32, #tpu.memory_space<vmem>>
      %dma_wait3A_304 = arith.constant 0 : i32
      %dma_wait3A_305 = arith.constant 0 : i32
      %dma_wait3A_306 = tpu.memref_slice %arg2[%dma_wait3A_304, %dma_wait3A_305] : memref<20480x128xf32, #tpu.memory_space<hbm>> -> memref<20480x128xf32, #tpu.memory_space<hbm>>
      tpu.wait_indirect_dma semaphore(%arg18 : memref<!tpu.dma_semaphore, #tpu.memory_space<semaphore_mem>>) src(%dma_wait3A_306 : memref<20480x128xf32, #tpu.memory_space<hbm>>) dst(%arg14 : memref<128x128xf32, #tpu.memory_space<vmem>>)
      %dma_wait3A_307 = arith.constant 4 : i32
      %dma_wait3A_308 = arith.constant 0 : i32
      %dma_wait3A_309 = tpu.memref_slice %arg10[%dma_wait3A_307, %dma_wait3A_308] : memref<8x128xi32, #tpu.memory_space<vmem>> -> memref<1x128xi32, #tpu.memory_space<vmem>>
      %dma_wait3A_310 = tpu.memref_squeeze %dma_wait3A_309 : memref<1x128xi32, #tpu.memory_space<vmem>> -> memref<128xi32, #tpu.memory_space<vmem>>
      %dma_wait3A_311 = arith.constant 0 : i32
      %dma_wait3A_312 = arith.constant 0 : i32
      %dma_wait3A_313 = tpu.memref_slice %arg7[%dma_wait3A_311, %dma_wait3A_312] : memref<10240x128xf32, #tpu.memory_space<vmem_shared>> -> memref<10240x128xf32, #tpu.memory_space<vmem_shared>>
      tpu.wait_indirect_dma semaphore(%arg21 : memref<!tpu.dma_semaphore, #tpu.memory_space<semaphore_mem>>) src(%arg13 : memref<128x128xf32, #tpu.memory_space<vmem>>) dst(%dma_wait3A_313 : memref<10240x128xf32, #tpu.memory_space<vmem_shared>>)
      %dma_wait3A_314 = arith.constant 4 : i32
      %dma_wait3A_315 = arith.constant 0 : i32
      %dma_wait3A_316 = tpu.memref_slice %arg10[%dma_wait3A_314, %dma_wait3A_315] : memref<8x128xi32, #tpu.memory_space<vmem>> -> memref<1x128xi32, #tpu.memory_space<vmem>>
      %dma_wait3A_317 = tpu.memref_squeeze %dma_wait3A_316 : memref<1x128xi32, #tpu.memory_space<vmem>> -> memref<128xi32, #tpu.memory_space<vmem>>
      %dma_wait3A_318 = arith.constant 0 : i32
      %dma_wait3A_319 = tpu.memref_slice %arg8[%dma_wait3A_318] : memref<10240xf32, #tpu.memory_space<vmem_shared>> -> memref<10240xf32, #tpu.memory_space<vmem_shared>>
      tpu.wait_indirect_dma semaphore(%arg21 : memref<!tpu.dma_semaphore, #tpu.memory_space<semaphore_mem>>) src(%arg16 : memref<128xf32, #tpu.memory_space<vmem>>) dst(%dma_wait3A_319 : memref<10240xf32, #tpu.memory_space<vmem_shared>>)
      %dma_start3A_320 = arith.constant 6 : i32
      %dma_start3A_321 = arith.constant 0 : i32
      %dma_start3A_322 = tpu.memref_slice %arg9[%dma_start3A_320, %dma_start3A_321] : memref<8x128xi32, #tpu.memory_space<vmem>> -> memref<1x128xi32, #tpu.memory_space<vmem>>
      %dma_start3A_323 = tpu.memref_squeeze %dma_start3A_322 : memref<1x128xi32, #tpu.memory_space<vmem>> -> memref<128xi32, #tpu.memory_space<vmem>>
      %dma_start3A_324 = arith.constant 0 : i32
      %dma_start3A_325 = arith.constant 0 : i32
      %dma_start3A_326 = tpu.memref_slice %arg2[%dma_start3A_324, %dma_start3A_325] : memref<20480x128xf32, #tpu.memory_space<hbm>> -> memref<20480x128xf32, #tpu.memory_space<hbm>>
      tpu.enqueue_indirect_dma source(%dma_start3A_326 : memref<20480x128xf32, #tpu.memory_space<hbm>>) target(%arg13 : memref<128x128xf32, #tpu.memory_space<vmem>>) offsets(%dma_start3A_323 : memref<128xi32, #tpu.memory_space<vmem>>) semaphore(%arg17 : memref<!tpu.dma_semaphore, #tpu.memory_space<semaphore_mem>>)
      %dma_start3A_327 = arith.constant 5 : i32
      %dma_start3A_328 = arith.constant 0 : i32
      %dma_start3A_329 = tpu.memref_slice %arg10[%dma_start3A_327, %dma_start3A_328] : memref<8x128xi32, #tpu.memory_space<vmem>> -> memref<1x128xi32, #tpu.memory_space<vmem>>
      %dma_start3A_330 = tpu.memref_squeeze %dma_start3A_329 : memref<1x128xi32, #tpu.memory_space<vmem>> -> memref<128xi32, #tpu.memory_space<vmem>>
      %dma_start3A_331 = arith.constant 0 : i32
      %dma_start3A_332 = arith.constant 0 : i32
      %dma_start3A_333 = tpu.memref_slice %arg7[%dma_start3A_331, %dma_start3A_332] : memref<10240x128xf32, #tpu.memory_space<vmem_shared>> -> memref<10240x128xf32, #tpu.memory_space<vmem_shared>>
      tpu.enqueue_indirect_dma source(%arg14 : memref<128x128xf32, #tpu.memory_space<vmem>>) target(%dma_start3A_333 : memref<10240x128xf32, #tpu.memory_space<vmem_shared>>) offsets(%dma_start3A_330 : memref<128xi32, #tpu.memory_space<vmem>>) semaphore(%arg22 : memref<!tpu.dma_semaphore, #tpu.memory_space<semaphore_mem>>) {add = true}
      %dma_start3A_334 = arith.constant 5 : i32
      %dma_start3A_335 = arith.constant 0 : i32
      %dma_start3A_336 = tpu.memref_slice %arg10[%dma_start3A_334, %dma_start3A_335] : memref<8x128xi32, #tpu.memory_space<vmem>> -> memref<1x128xi32, #tpu.memory_space<vmem>>
      %dma_start3A_337 = tpu.memref_squeeze %dma_start3A_336 : memref<1x128xi32, #tpu.memory_space<vmem>> -> memref<128xi32, #tpu.memory_space<vmem>>
      %dma_start3A_338 = arith.constant 0 : i32
      %dma_start3A_339 = tpu.memref_slice %arg8[%dma_start3A_338] : memref<10240xf32, #tpu.memory_space<vmem_shared>> -> memref<10240xf32, #tpu.memory_space<vmem_shared>>
      tpu.enqueue_indirect_dma source(%arg16 : memref<128xf32, #tpu.memory_space<vmem>>) target(%dma_start3A_339 : memref<10240xf32, #tpu.memory_space<vmem_shared>>) offsets(%dma_start3A_337 : memref<128xi32, #tpu.memory_space<vmem>>) semaphore(%arg22 : memref<!tpu.dma_semaphore, #tpu.memory_space<semaphore_mem>>) {add = true}
      %dma_wait3A_340 = arith.constant 6 : i32
      %dma_wait3A_341 = arith.constant 0 : i32
      %dma_wait3A_342 = tpu.memref_slice %arg9[%dma_wait3A_340, %dma_wait3A_341] : memref<8x128xi32, #tpu.memory_space<vmem>> -> memref<1x128xi32, #tpu.memory_space<vmem>>
      %dma_wait3A_343 = tpu.memref_squeeze %dma_wait3A_342 : memref<1x128xi32, #tpu.memory_space<vmem>> -> memref<128xi32, #tpu.memory_space<vmem>>
      %dma_wait3A_344 = arith.constant 0 : i32
      %dma_wait3A_345 = arith.constant 0 : i32
      %dma_wait3A_346 = tpu.memref_slice %arg2[%dma_wait3A_344, %dma_wait3A_345] : memref<20480x128xf32, #tpu.memory_space<hbm>> -> memref<20480x128xf32, #tpu.memory_space<hbm>>
      tpu.wait_indirect_dma semaphore(%arg17 : memref<!tpu.dma_semaphore, #tpu.memory_space<semaphore_mem>>) src(%dma_wait3A_346 : memref<20480x128xf32, #tpu.memory_space<hbm>>) dst(%arg13 : memref<128x128xf32, #tpu.memory_space<vmem>>)
      %dma_wait3A_347 = arith.constant 5 : i32
      %dma_wait3A_348 = arith.constant 0 : i32
      %dma_wait3A_349 = tpu.memref_slice %arg10[%dma_wait3A_347, %dma_wait3A_348] : memref<8x128xi32, #tpu.memory_space<vmem>> -> memref<1x128xi32, #tpu.memory_space<vmem>>
      %dma_wait3A_350 = tpu.memref_squeeze %dma_wait3A_349 : memref<1x128xi32, #tpu.memory_space<vmem>> -> memref<128xi32, #tpu.memory_space<vmem>>
      %dma_wait3A_351 = arith.constant 0 : i32
      %dma_wait3A_352 = arith.constant 0 : i32
      %dma_wait3A_353 = tpu.memref_slice %arg7[%dma_wait3A_351, %dma_wait3A_352] : memref<10240x128xf32, #tpu.memory_space<vmem_shared>> -> memref<10240x128xf32, #tpu.memory_space<vmem_shared>>
      tpu.wait_indirect_dma semaphore(%arg22 : memref<!tpu.dma_semaphore, #tpu.memory_space<semaphore_mem>>) src(%arg14 : memref<128x128xf32, #tpu.memory_space<vmem>>) dst(%dma_wait3A_353 : memref<10240x128xf32, #tpu.memory_space<vmem_shared>>)
      %dma_wait3A_354 = arith.constant 5 : i32
      %dma_wait3A_355 = arith.constant 0 : i32
      %dma_wait3A_356 = tpu.memref_slice %arg10[%dma_wait3A_354, %dma_wait3A_355] : memref<8x128xi32, #tpu.memory_space<vmem>> -> memref<1x128xi32, #tpu.memory_space<vmem>>
      %dma_wait3A_357 = tpu.memref_squeeze %dma_wait3A_356 : memref<1x128xi32, #tpu.memory_space<vmem>> -> memref<128xi32, #tpu.memory_space<vmem>>
      %dma_wait3A_358 = arith.constant 0 : i32
      %dma_wait3A_359 = tpu.memref_slice %arg8[%dma_wait3A_358] : memref<10240xf32, #tpu.memory_space<vmem_shared>> -> memref<10240xf32, #tpu.memory_space<vmem_shared>>
      tpu.wait_indirect_dma semaphore(%arg22 : memref<!tpu.dma_semaphore, #tpu.memory_space<semaphore_mem>>) src(%arg16 : memref<128xf32, #tpu.memory_space<vmem>>) dst(%dma_wait3A_359 : memref<10240xf32, #tpu.memory_space<vmem_shared>>)
      %dma_start3A_360 = arith.constant 7 : i32
      %dma_start3A_361 = arith.constant 0 : i32
      %dma_start3A_362 = tpu.memref_slice %arg9[%dma_start3A_360, %dma_start3A_361] : memref<8x128xi32, #tpu.memory_space<vmem>> -> memref<1x128xi32, #tpu.memory_space<vmem>>
      %dma_start3A_363 = tpu.memref_squeeze %dma_start3A_362 : memref<1x128xi32, #tpu.memory_space<vmem>> -> memref<128xi32, #tpu.memory_space<vmem>>
      %dma_start3A_364 = arith.constant 0 : i32
      %dma_start3A_365 = arith.constant 0 : i32
      %dma_start3A_366 = tpu.memref_slice %arg2[%dma_start3A_364, %dma_start3A_365] : memref<20480x128xf32, #tpu.memory_space<hbm>> -> memref<20480x128xf32, #tpu.memory_space<hbm>>
      tpu.enqueue_indirect_dma source(%dma_start3A_366 : memref<20480x128xf32, #tpu.memory_space<hbm>>) target(%arg14 : memref<128x128xf32, #tpu.memory_space<vmem>>) offsets(%dma_start3A_363 : memref<128xi32, #tpu.memory_space<vmem>>) semaphore(%arg18 : memref<!tpu.dma_semaphore, #tpu.memory_space<semaphore_mem>>)
      %dma_start3A_367 = arith.constant 6 : i32
      %dma_start3A_368 = arith.constant 0 : i32
      %dma_start3A_369 = tpu.memref_slice %arg10[%dma_start3A_367, %dma_start3A_368] : memref<8x128xi32, #tpu.memory_space<vmem>> -> memref<1x128xi32, #tpu.memory_space<vmem>>
      %dma_start3A_370 = tpu.memref_squeeze %dma_start3A_369 : memref<1x128xi32, #tpu.memory_space<vmem>> -> memref<128xi32, #tpu.memory_space<vmem>>
      %dma_start3A_371 = arith.constant 0 : i32
      %dma_start3A_372 = arith.constant 0 : i32
      %dma_start3A_373 = tpu.memref_slice %arg7[%dma_start3A_371, %dma_start3A_372] : memref<10240x128xf32, #tpu.memory_space<vmem_shared>> -> memref<10240x128xf32, #tpu.memory_space<vmem_shared>>
      tpu.enqueue_indirect_dma source(%arg13 : memref<128x128xf32, #tpu.memory_space<vmem>>) target(%dma_start3A_373 : memref<10240x128xf32, #tpu.memory_space<vmem_shared>>) offsets(%dma_start3A_370 : memref<128xi32, #tpu.memory_space<vmem>>) semaphore(%arg21 : memref<!tpu.dma_semaphore, #tpu.memory_space<semaphore_mem>>) {add = true}
      %dma_start3A_374 = arith.constant 6 : i32
      %dma_start3A_375 = arith.constant 0 : i32
      %dma_start3A_376 = tpu.memref_slice %arg10[%dma_start3A_374, %dma_start3A_375] : memref<8x128xi32, #tpu.memory_space<vmem>> -> memref<1x128xi32, #tpu.memory_space<vmem>>
      %dma_start3A_377 = tpu.memref_squeeze %dma_start3A_376 : memref<1x128xi32, #tpu.memory_space<vmem>> -> memref<128xi32, #tpu.memory_space<vmem>>
      %dma_start3A_378 = arith.constant 0 : i32
      %dma_start3A_379 = tpu.memref_slice %arg8[%dma_start3A_378] : memref<10240xf32, #tpu.memory_space<vmem_shared>> -> memref<10240xf32, #tpu.memory_space<vmem_shared>>
      tpu.enqueue_indirect_dma source(%arg16 : memref<128xf32, #tpu.memory_space<vmem>>) target(%dma_start3A_379 : memref<10240xf32, #tpu.memory_space<vmem_shared>>) offsets(%dma_start3A_377 : memref<128xi32, #tpu.memory_space<vmem>>) semaphore(%arg21 : memref<!tpu.dma_semaphore, #tpu.memory_space<semaphore_mem>>) {add = true}
      %dma_wait3A_380 = arith.constant 7 : i32
      %dma_wait3A_381 = arith.constant 0 : i32
      %dma_wait3A_382 = tpu.memref_slice %arg9[%dma_wait3A_380, %dma_wait3A_381] : memref<8x128xi32, #tpu.memory_space<vmem>> -> memref<1x128xi32, #tpu.memory_space<vmem>>
      %dma_wait3A_383 = tpu.memref_squeeze %dma_wait3A_382 : memref<1x128xi32, #tpu.memory_space<vmem>> -> memref<128xi32, #tpu.memory_space<vmem>>
      %dma_wait3A_384 = arith.constant 0 : i32
      %dma_wait3A_385 = arith.constant 0 : i32
      %dma_wait3A_386 = tpu.memref_slice %arg2[%dma_wait3A_384, %dma_wait3A_385] : memref<20480x128xf32, #tpu.memory_space<hbm>> -> memref<20480x128xf32, #tpu.memory_space<hbm>>
      tpu.wait_indirect_dma semaphore(%arg18 : memref<!tpu.dma_semaphore, #tpu.memory_space<semaphore_mem>>) src(%dma_wait3A_386 : memref<20480x128xf32, #tpu.memory_space<hbm>>) dst(%arg14 : memref<128x128xf32, #tpu.memory_space<vmem>>)
      %dma_wait3A_387 = arith.constant 6 : i32
      %dma_wait3A_388 = arith.constant 0 : i32
      %dma_wait3A_389 = tpu.memref_slice %arg10[%dma_wait3A_387, %dma_wait3A_388] : memref<8x128xi32, #tpu.memory_space<vmem>> -> memref<1x128xi32, #tpu.memory_space<vmem>>
      %dma_wait3A_390 = tpu.memref_squeeze %dma_wait3A_389 : memref<1x128xi32, #tpu.memory_space<vmem>> -> memref<128xi32, #tpu.memory_space<vmem>>
      %dma_wait3A_391 = arith.constant 0 : i32
      %dma_wait3A_392 = arith.constant 0 : i32
      %dma_wait3A_393 = tpu.memref_slice %arg7[%dma_wait3A_391, %dma_wait3A_392] : memref<10240x128xf32, #tpu.memory_space<vmem_shared>> -> memref<10240x128xf32, #tpu.memory_space<vmem_shared>>
      tpu.wait_indirect_dma semaphore(%arg21 : memref<!tpu.dma_semaphore, #tpu.memory_space<semaphore_mem>>) src(%arg13 : memref<128x128xf32, #tpu.memory_space<vmem>>) dst(%dma_wait3A_393 : memref<10240x128xf32, #tpu.memory_space<vmem_shared>>)
      %dma_wait3A_394 = arith.constant 6 : i32
      %dma_wait3A_395 = arith.constant 0 : i32
      %dma_wait3A_396 = tpu.memref_slice %arg10[%dma_wait3A_394, %dma_wait3A_395] : memref<8x128xi32, #tpu.memory_space<vmem>> -> memref<1x128xi32, #tpu.memory_space<vmem>>
      %dma_wait3A_397 = tpu.memref_squeeze %dma_wait3A_396 : memref<1x128xi32, #tpu.memory_space<vmem>> -> memref<128xi32, #tpu.memory_space<vmem>>
      %dma_wait3A_398 = arith.constant 0 : i32
      %dma_wait3A_399 = tpu.memref_slice %arg8[%dma_wait3A_398] : memref<10240xf32, #tpu.memory_space<vmem_shared>> -> memref<10240xf32, #tpu.memory_space<vmem_shared>>
      tpu.wait_indirect_dma semaphore(%arg21 : memref<!tpu.dma_semaphore, #tpu.memory_space<semaphore_mem>>) src(%arg16 : memref<128xf32, #tpu.memory_space<vmem>>) dst(%dma_wait3A_399 : memref<10240xf32, #tpu.memory_space<vmem_shared>>)
      %lt3A = arith.constant 19 : i32
      %lt3A_400 = arith.cmpi slt, %add3A_113, %lt3A : i32
      %convert_element_type3A = arith.extui %lt3A_400 : i1 to i32
      %cond3A = arith.constant 0 : i32
      %cond3A_401 = arith.cmpi ne, %convert_element_type3A, %cond3A : i32
      scf.if %cond3A_401 {
        %add3A_760 = arith.constant 1 : i32
        %add3A_761 = arith.addi %add3A_113, %add3A_760 : i32
        %dma_wait3A_762 = arith.constant 0 : i32
        %dma_wait3A_763 = arith.constant 0 : i32
        %dma_wait3A_764 = tpu.memref_slice %arg3[%arg0, %arg1, %add3A_761, %dma_wait3A_762, %dma_wait3A_763] : memref<2x16x20x8x128xi32, #tpu.memory_space<hbm>> -> memref<1x1x1x8x128xi32, #tpu.memory_space<hbm>>
        %dma_wait3A_765 = tpu.memref_squeeze %dma_wait3A_764 : memref<1x1x1x8x128xi32, #tpu.memory_space<hbm>> -> memref<8x128xi32, #tpu.memory_space<hbm>>
        %dma_wait3A_766 = arith.constant 0 : i32
        %dma_wait3A_767 = arith.constant 0 : i32
        %dma_wait3A_768 = tpu.memref_slice %arg3[%arg0, %arg1, %add3A_761, %dma_wait3A_766, %dma_wait3A_767] : memref<2x16x20x8x128xi32, #tpu.memory_space<hbm>> -> memref<1x1x1x8x128xi32, #tpu.memory_space<hbm>>
        %dma_wait3A_769 = tpu.memref_squeeze %dma_wait3A_768 : memref<1x1x1x8x128xi32, #tpu.memory_space<hbm>> -> memref<8x128xi32, #tpu.memory_space<hbm>>
        tpu.wait_dma2 semaphore(%arg19 : memref<!tpu.dma_semaphore, #tpu.memory_space<semaphore_mem>>) src(%dma_wait3A_769 : memref<8x128xi32, #tpu.memory_space<hbm>>) dst(%arg11 : memref<8x128xi32, #tpu.memory_space<vmem>>)
        %add3A_770 = arith.constant 1 : i32
        %add3A_771 = arith.addi %add3A_113, %add3A_770 : i32
        %dma_wait3A_772 = arith.constant 0 : i32
        %dma_wait3A_773 = arith.constant 0 : i32
        %dma_wait3A_774 = tpu.memref_slice %arg4[%arg0, %arg1, %add3A_771, %dma_wait3A_772, %dma_wait3A_773] : memref<2x16x20x8x128xi32, #tpu.memory_space<hbm>> -> memref<1x1x1x8x128xi32, #tpu.memory_space<hbm>>
        %dma_wait3A_775 = tpu.memref_squeeze %dma_wait3A_774 : memref<1x1x1x8x128xi32, #tpu.memory_space<hbm>> -> memref<8x128xi32, #tpu.memory_space<hbm>>
        %dma_wait3A_776 = arith.constant 0 : i32
        %dma_wait3A_777 = arith.constant 0 : i32
        %dma_wait3A_778 = tpu.memref_slice %arg4[%arg0, %arg1, %add3A_771, %dma_wait3A_776, %dma_wait3A_777] : memref<2x16x20x8x128xi32, #tpu.memory_space<hbm>> -> memref<1x1x1x8x128xi32, #tpu.memory_space<hbm>>
        %dma_wait3A_779 = tpu.memref_squeeze %dma_wait3A_778 : memref<1x1x1x8x128xi32, #tpu.memory_space<hbm>> -> memref<8x128xi32, #tpu.memory_space<hbm>>
        tpu.wait_dma2 semaphore(%arg20 : memref<!tpu.dma_semaphore, #tpu.memory_space<semaphore_mem>>) src(%dma_wait3A_779 : memref<8x128xi32, #tpu.memory_space<hbm>>) dst(%arg12 : memref<8x128xi32, #tpu.memory_space<vmem>>)
        %dma_start3A_780 = arith.constant 0 : i32
        %dma_start3A_781 = arith.constant 0 : i32
        %dma_start3A_782 = tpu.memref_slice %arg11[%dma_start3A_780, %dma_start3A_781] : memref<8x128xi32, #tpu.memory_space<vmem>> -> memref<1x128xi32, #tpu.memory_space<vmem>>
        %dma_start3A_783 = tpu.memref_squeeze %dma_start3A_782 : memref<1x128xi32, #tpu.memory_space<vmem>> -> memref<128xi32, #tpu.memory_space<vmem>>
        %dma_start3A_784 = arith.constant 0 : i32
        %dma_start3A_785 = arith.constant 0 : i32
        %dma_start3A_786 = tpu.memref_slice %arg2[%dma_start3A_784, %dma_start3A_785] : memref<20480x128xf32, #tpu.memory_space<hbm>> -> memref<20480x128xf32, #tpu.memory_space<hbm>>
        tpu.enqueue_indirect_dma source(%dma_start3A_786 : memref<20480x128xf32, #tpu.memory_space<hbm>>) target(%arg13 : memref<128x128xf32, #tpu.memory_space<vmem>>) offsets(%dma_start3A_783 : memref<128xi32, #tpu.memory_space<vmem>>) semaphore(%arg17 : memref<!tpu.dma_semaphore, #tpu.memory_space<semaphore_mem>>)
      } else {
      }
      %dma_start3A_402 = arith.constant 7 : i32
      %dma_start3A_403 = arith.constant 0 : i32
      %dma_start3A_404 = tpu.memref_slice %arg10[%dma_start3A_402, %dma_start3A_403] : memref<8x128xi32, #tpu.memory_space<vmem>> -> memref<1x128xi32, #tpu.memory_space<vmem>>
      %dma_start3A_405 = tpu.memref_squeeze %dma_start3A_404 : memref<1x128xi32, #tpu.memory_space<vmem>> -> memref<128xi32, #tpu.memory_space<vmem>>
      %dma_start3A_406 = arith.constant 0 : i32
      %dma_start3A_407 = arith.constant 0 : i32
      %dma_start3A_408 = tpu.memref_slice %arg7[%dma_start3A_406, %dma_start3A_407] : memref<10240x128xf32, #tpu.memory_space<vmem_shared>> -> memref<10240x128xf32, #tpu.memory_space<vmem_shared>>
      tpu.enqueue_indirect_dma source(%arg14 : memref<128x128xf32, #tpu.memory_space<vmem>>) target(%dma_start3A_408 : memref<10240x128xf32, #tpu.memory_space<vmem_shared>>) offsets(%dma_start3A_405 : memref<128xi32, #tpu.memory_space<vmem>>) semaphore(%arg22 : memref<!tpu.dma_semaphore, #tpu.memory_space<semaphore_mem>>) {add = true}
      %dma_start3A_409 = arith.constant 7 : i32
      %dma_start3A_410 = arith.constant 0 : i32
      %dma_start3A_411 = tpu.memref_slice %arg10[%dma_start3A_409, %dma_start3A_410] : memref<8x128xi32, #tpu.memory_space<vmem>> -> memref<1x128xi32, #tpu.memory_space<vmem>>
      %dma_start3A_412 = tpu.memref_squeeze %dma_start3A_411 : memref<1x128xi32, #tpu.memory_space<vmem>> -> memref<128xi32, #tpu.memory_space<vmem>>
      %dma_start3A_413 = arith.constant 0 : i32
      %dma_start3A_414 = tpu.memref_slice %arg8[%dma_start3A_413] : memref<10240xf32, #tpu.memory_space<vmem_shared>> -> memref<10240xf32, #tpu.memory_space<vmem_shared>>
      tpu.enqueue_indirect_dma source(%arg16 : memref<128xf32, #tpu.memory_space<vmem>>) target(%dma_start3A_414 : memref<10240xf32, #tpu.memory_space<vmem_shared>>) offsets(%dma_start3A_412 : memref<128xi32, #tpu.memory_space<vmem>>) semaphore(%arg22 : memref<!tpu.dma_semaphore, #tpu.memory_space<semaphore_mem>>) {add = true}
      %dma_wait3A_415 = arith.constant 7 : i32
      %dma_wait3A_416 = arith.constant 0 : i32
      %dma_wait3A_417 = tpu.memref_slice %arg10[%dma_wait3A_415, %dma_wait3A_416] : memref<8x128xi32, #tpu.memory_space<vmem>> -> memref<1x128xi32, #tpu.memory_space<vmem>>
      %dma_wait3A_418 = tpu.memref_squeeze %dma_wait3A_417 : memref<1x128xi32, #tpu.memory_space<vmem>> -> memref<128xi32, #tpu.memory_space<vmem>>
      %dma_wait3A_419 = arith.constant 0 : i32
      %dma_wait3A_420 = arith.constant 0 : i32
      %dma_wait3A_421 = tpu.memref_slice %arg7[%dma_wait3A_419, %dma_wait3A_420] : memref<10240x128xf32, #tpu.memory_space<vmem_shared>> -> memref<10240x128xf32, #tpu.memory_space<vmem_shared>>
      tpu.wait_indirect_dma semaphore(%arg22 : memref<!tpu.dma_semaphore, #tpu.memory_space<semaphore_mem>>) src(%arg14 : memref<128x128xf32, #tpu.memory_space<vmem>>) dst(%dma_wait3A_421 : memref<10240x128xf32, #tpu.memory_space<vmem_shared>>)
      %dma_wait3A_422 = arith.constant 7 : i32
      %dma_wait3A_423 = arith.constant 0 : i32
      %dma_wait3A_424 = tpu.memref_slice %arg10[%dma_wait3A_422, %dma_wait3A_423] : memref<8x128xi32, #tpu.memory_space<vmem>> -> memref<1x128xi32, #tpu.memory_space<vmem>>
      %dma_wait3A_425 = tpu.memref_squeeze %dma_wait3A_424 : memref<1x128xi32, #tpu.memory_space<vmem>> -> memref<128xi32, #tpu.memory_space<vmem>>
      %dma_wait3A_426 = arith.constant 0 : i32
      %dma_wait3A_427 = tpu.memref_slice %arg8[%dma_wait3A_426] : memref<10240xf32, #tpu.memory_space<vmem_shared>> -> memref<10240xf32, #tpu.memory_space<vmem_shared>>
      tpu.wait_indirect_dma semaphore(%arg22 : memref<!tpu.dma_semaphore, #tpu.memory_space<semaphore_mem>>) src(%arg16 : memref<128xf32, #tpu.memory_space<vmem>>) dst(%dma_wait3A_427 : memref<10240xf32, #tpu.memory_space<vmem_shared>>)
      %lt3A_428 = arith.constant 18 : i32
      %lt3A_429 = arith.cmpi slt, %add3A_113, %lt3A_428 : i32
      %convert_element_type3A_430 = arith.extui %lt3A_429 : i1 to i32
      %cond3A_431 = arith.constant 0 : i32
      %cond3A_432 = arith.cmpi ne, %convert_element_type3A_430, %cond3A_431 : i32
      scf.if %cond3A_432 {
        %add3A_760 = arith.constant 2 : i32
        %add3A_761 = arith.addi %add3A_113, %add3A_760 : i32
        %dma_start3A_762 = arith.constant 0 : i32
        %dma_start3A_763 = arith.constant 0 : i32
        %dma_start3A_764 = tpu.memref_slice %arg3[%arg0, %arg1, %add3A_761, %dma_start3A_762, %dma_start3A_763] : memref<2x16x20x8x128xi32, #tpu.memory_space<hbm>> -> memref<1x1x1x8x128xi32, #tpu.memory_space<hbm>>
        %dma_start3A_765 = tpu.memref_squeeze %dma_start3A_764 : memref<1x1x1x8x128xi32, #tpu.memory_space<hbm>> -> memref<8x128xi32, #tpu.memory_space<hbm>>
        %dma_start3A_766 = arith.constant 0 : i32
        %dma_start3A_767 = arith.constant 0 : i32
        %dma_start3A_768 = tpu.memref_slice %arg3[%arg0, %arg1, %add3A_761, %dma_start3A_766, %dma_start3A_767] : memref<2x16x20x8x128xi32, #tpu.memory_space<hbm>> -> memref<1x1x1x8x128xi32, #tpu.memory_space<hbm>>
        %dma_start3A_769 = tpu.memref_squeeze %dma_start3A_768 : memref<1x1x1x8x128xi32, #tpu.memory_space<hbm>> -> memref<8x128xi32, #tpu.memory_space<hbm>>
        tpu.enqueue_dma source(%dma_start3A_769 : memref<8x128xi32, #tpu.memory_space<hbm>>) target(%arg9 : memref<8x128xi32, #tpu.memory_space<vmem>>) target_semaphore(%arg19 : memref<!tpu.dma_semaphore, #tpu.memory_space<semaphore_mem>>)
        %add3A_770 = arith.constant 2 : i32
        %add3A_771 = arith.addi %add3A_113, %add3A_770 : i32
        %dma_start3A_772 = arith.constant 0 : i32
        %dma_start3A_773 = arith.constant 0 : i32
        %dma_start3A_774 = tpu.memref_slice %arg4[%arg0, %arg1, %add3A_771, %dma_start3A_772, %dma_start3A_773] : memref<2x16x20x8x128xi32, #tpu.memory_space<hbm>> -> memref<1x1x1x8x128xi32, #tpu.memory_space<hbm>>
        %dma_start3A_775 = tpu.memref_squeeze %dma_start3A_774 : memref<1x1x1x8x128xi32, #tpu.memory_space<hbm>> -> memref<8x128xi32, #tpu.memory_space<hbm>>
        %dma_start3A_776 = arith.constant 0 : i32
        %dma_start3A_777 = arith.constant 0 : i32
        %dma_start3A_778 = tpu.memref_slice %arg4[%arg0, %arg1, %add3A_771, %dma_start3A_776, %dma_start3A_777] : memref<2x16x20x8x128xi32, #tpu.memory_space<hbm>> -> memref<1x1x1x8x128xi32, #tpu.memory_space<hbm>>
        %dma_start3A_779 = tpu.memref_squeeze %dma_start3A_778 : memref<1x1x1x8x128xi32, #tpu.memory_space<hbm>> -> memref<8x128xi32, #tpu.memory_space<hbm>>
        tpu.enqueue_dma source(%dma_start3A_779 : memref<8x128xi32, #tpu.memory_space<hbm>>) target(%arg10 : memref<8x128xi32, #tpu.memory_space<vmem>>) target_semaphore(%arg20 : memref<!tpu.dma_semaphore, #tpu.memory_space<semaphore_mem>>)
      } else {
      }
      %mul3A_433 = arith.constant 2 : i32
      %mul3A_434 = arith.muli %mul3A_433, %scan3A_109 : i32
      %add3A_435 = arith.constant 1 : i32
      %add3A_436 = arith.addi %mul3A_434, %add3A_435 : i32
      %dma_wait3A_437 = arith.constant 0 : i32
      %dma_wait3A_438 = arith.constant 0 : i32
      %dma_wait3A_439 = tpu.memref_slice %arg11[%dma_wait3A_437, %dma_wait3A_438] : memref<8x128xi32, #tpu.memory_space<vmem>> -> memref<1x128xi32, #tpu.memory_space<vmem>>
      %dma_wait3A_440 = tpu.memref_squeeze %dma_wait3A_439 : memref<1x128xi32, #tpu.memory_space<vmem>> -> memref<128xi32, #tpu.memory_space<vmem>>
      %dma_wait3A_441 = arith.constant 0 : i32
      %dma_wait3A_442 = arith.constant 0 : i32
      %dma_wait3A_443 = tpu.memref_slice %arg2[%dma_wait3A_441, %dma_wait3A_442] : memref<20480x128xf32, #tpu.memory_space<hbm>> -> memref<20480x128xf32, #tpu.memory_space<hbm>>
      tpu.wait_indirect_dma semaphore(%arg17 : memref<!tpu.dma_semaphore, #tpu.memory_space<semaphore_mem>>) src(%dma_wait3A_443 : memref<20480x128xf32, #tpu.memory_space<hbm>>) dst(%arg13 : memref<128x128xf32, #tpu.memory_space<vmem>>)
      %dma_start3A_444 = arith.constant 1 : i32
      %dma_start3A_445 = arith.constant 0 : i32
      %dma_start3A_446 = tpu.memref_slice %arg11[%dma_start3A_444, %dma_start3A_445] : memref<8x128xi32, #tpu.memory_space<vmem>> -> memref<1x128xi32, #tpu.memory_space<vmem>>
      %dma_start3A_447 = tpu.memref_squeeze %dma_start3A_446 : memref<1x128xi32, #tpu.memory_space<vmem>> -> memref<128xi32, #tpu.memory_space<vmem>>
      %dma_start3A_448 = arith.constant 0 : i32
      %dma_start3A_449 = arith.constant 0 : i32
      %dma_start3A_450 = tpu.memref_slice %arg2[%dma_start3A_448, %dma_start3A_449] : memref<20480x128xf32, #tpu.memory_space<hbm>> -> memref<20480x128xf32, #tpu.memory_space<hbm>>
      tpu.enqueue_indirect_dma source(%dma_start3A_450 : memref<20480x128xf32, #tpu.memory_space<hbm>>) target(%arg14 : memref<128x128xf32, #tpu.memory_space<vmem>>) offsets(%dma_start3A_447 : memref<128xi32, #tpu.memory_space<vmem>>) semaphore(%arg18 : memref<!tpu.dma_semaphore, #tpu.memory_space<semaphore_mem>>)
      %dma_start3A_451 = arith.constant 0 : i32
      %dma_start3A_452 = arith.constant 0 : i32
      %dma_start3A_453 = tpu.memref_slice %arg12[%dma_start3A_451, %dma_start3A_452] : memref<8x128xi32, #tpu.memory_space<vmem>> -> memref<1x128xi32, #tpu.memory_space<vmem>>
      %dma_start3A_454 = tpu.memref_squeeze %dma_start3A_453 : memref<1x128xi32, #tpu.memory_space<vmem>> -> memref<128xi32, #tpu.memory_space<vmem>>
      %dma_start3A_455 = arith.constant 0 : i32
      %dma_start3A_456 = arith.constant 0 : i32
      %dma_start3A_457 = tpu.memref_slice %arg7[%dma_start3A_455, %dma_start3A_456] : memref<10240x128xf32, #tpu.memory_space<vmem_shared>> -> memref<10240x128xf32, #tpu.memory_space<vmem_shared>>
      tpu.enqueue_indirect_dma source(%arg13 : memref<128x128xf32, #tpu.memory_space<vmem>>) target(%dma_start3A_457 : memref<10240x128xf32, #tpu.memory_space<vmem_shared>>) offsets(%dma_start3A_454 : memref<128xi32, #tpu.memory_space<vmem>>) semaphore(%arg21 : memref<!tpu.dma_semaphore, #tpu.memory_space<semaphore_mem>>) {add = true}
      %dma_start3A_458 = arith.constant 0 : i32
      %dma_start3A_459 = arith.constant 0 : i32
      %dma_start3A_460 = tpu.memref_slice %arg12[%dma_start3A_458, %dma_start3A_459] : memref<8x128xi32, #tpu.memory_space<vmem>> -> memref<1x128xi32, #tpu.memory_space<vmem>>
      %dma_start3A_461 = tpu.memref_squeeze %dma_start3A_460 : memref<1x128xi32, #tpu.memory_space<vmem>> -> memref<128xi32, #tpu.memory_space<vmem>>
      %dma_start3A_462 = arith.constant 0 : i32
      %dma_start3A_463 = tpu.memref_slice %arg8[%dma_start3A_462] : memref<10240xf32, #tpu.memory_space<vmem_shared>> -> memref<10240xf32, #tpu.memory_space<vmem_shared>>
      tpu.enqueue_indirect_dma source(%arg16 : memref<128xf32, #tpu.memory_space<vmem>>) target(%dma_start3A_463 : memref<10240xf32, #tpu.memory_space<vmem_shared>>) offsets(%dma_start3A_461 : memref<128xi32, #tpu.memory_space<vmem>>) semaphore(%arg21 : memref<!tpu.dma_semaphore, #tpu.memory_space<semaphore_mem>>) {add = true}
      %dma_wait3A_464 = arith.constant 1 : i32
      %dma_wait3A_465 = arith.constant 0 : i32
      %dma_wait3A_466 = tpu.memref_slice %arg11[%dma_wait3A_464, %dma_wait3A_465] : memref<8x128xi32, #tpu.memory_space<vmem>> -> memref<1x128xi32, #tpu.memory_space<vmem>>
      %dma_wait3A_467 = tpu.memref_squeeze %dma_wait3A_466 : memref<1x128xi32, #tpu.memory_space<vmem>> -> memref<128xi32, #tpu.memory_space<vmem>>
      %dma_wait3A_468 = arith.constant 0 : i32
      %dma_wait3A_469 = arith.constant 0 : i32
      %dma_wait3A_470 = tpu.memref_slice %arg2[%dma_wait3A_468, %dma_wait3A_469] : memref<20480x128xf32, #tpu.memory_space<hbm>> -> memref<20480x128xf32, #tpu.memory_space<hbm>>
      tpu.wait_indirect_dma semaphore(%arg18 : memref<!tpu.dma_semaphore, #tpu.memory_space<semaphore_mem>>) src(%dma_wait3A_470 : memref<20480x128xf32, #tpu.memory_space<hbm>>) dst(%arg14 : memref<128x128xf32, #tpu.memory_space<vmem>>)
      %dma_wait3A_471 = arith.constant 0 : i32
      %dma_wait3A_472 = arith.constant 0 : i32
      %dma_wait3A_473 = tpu.memref_slice %arg12[%dma_wait3A_471, %dma_wait3A_472] : memref<8x128xi32, #tpu.memory_space<vmem>> -> memref<1x128xi32, #tpu.memory_space<vmem>>
      %dma_wait3A_474 = tpu.memref_squeeze %dma_wait3A_473 : memref<1x128xi32, #tpu.memory_space<vmem>> -> memref<128xi32, #tpu.memory_space<vmem>>
      %dma_wait3A_475 = arith.constant 0 : i32
      %dma_wait3A_476 = arith.constant 0 : i32
      %dma_wait3A_477 = tpu.memref_slice %arg7[%dma_wait3A_475, %dma_wait3A_476] : memref<10240x128xf32, #tpu.memory_space<vmem_shared>> -> memref<10240x128xf32, #tpu.memory_space<vmem_shared>>
      tpu.wait_indirect_dma semaphore(%arg21 : memref<!tpu.dma_semaphore, #tpu.memory_space<semaphore_mem>>) src(%arg13 : memref<128x128xf32, #tpu.memory_space<vmem>>) dst(%dma_wait3A_477 : memref<10240x128xf32, #tpu.memory_space<vmem_shared>>)
      %dma_wait3A_478 = arith.constant 0 : i32
      %dma_wait3A_479 = arith.constant 0 : i32
      %dma_wait3A_480 = tpu.memref_slice %arg12[%dma_wait3A_478, %dma_wait3A_479] : memref<8x128xi32, #tpu.memory_space<vmem>> -> memref<1x128xi32, #tpu.memory_space<vmem>>
      %dma_wait3A_481 = tpu.memref_squeeze %dma_wait3A_480 : memref<1x128xi32, #tpu.memory_space<vmem>> -> memref<128xi32, #tpu.memory_space<vmem>>
      %dma_wait3A_482 = arith.constant 0 : i32
      %dma_wait3A_483 = tpu.memref_slice %arg8[%dma_wait3A_482] : memref<10240xf32, #tpu.memory_space<vmem_shared>> -> memref<10240xf32, #tpu.memory_space<vmem_shared>>
      tpu.wait_indirect_dma semaphore(%arg21 : memref<!tpu.dma_semaphore, #tpu.memory_space<semaphore_mem>>) src(%arg16 : memref<128xf32, #tpu.memory_space<vmem>>) dst(%dma_wait3A_483 : memref<10240xf32, #tpu.memory_space<vmem_shared>>)
      %dma_start3A_484 = arith.constant 2 : i32
      %dma_start3A_485 = arith.constant 0 : i32
      %dma_start3A_486 = tpu.memref_slice %arg11[%dma_start3A_484, %dma_start3A_485] : memref<8x128xi32, #tpu.memory_space<vmem>> -> memref<1x128xi32, #tpu.memory_space<vmem>>
      %dma_start3A_487 = tpu.memref_squeeze %dma_start3A_486 : memref<1x128xi32, #tpu.memory_space<vmem>> -> memref<128xi32, #tpu.memory_space<vmem>>
      %dma_start3A_488 = arith.constant 0 : i32
      %dma_start3A_489 = arith.constant 0 : i32
      %dma_start3A_490 = tpu.memref_slice %arg2[%dma_start3A_488, %dma_start3A_489] : memref<20480x128xf32, #tpu.memory_space<hbm>> -> memref<20480x128xf32, #tpu.memory_space<hbm>>
      tpu.enqueue_indirect_dma source(%dma_start3A_490 : memref<20480x128xf32, #tpu.memory_space<hbm>>) target(%arg13 : memref<128x128xf32, #tpu.memory_space<vmem>>) offsets(%dma_start3A_487 : memref<128xi32, #tpu.memory_space<vmem>>) semaphore(%arg17 : memref<!tpu.dma_semaphore, #tpu.memory_space<semaphore_mem>>)
      %dma_start3A_491 = arith.constant 1 : i32
      %dma_start3A_492 = arith.constant 0 : i32
      %dma_start3A_493 = tpu.memref_slice %arg12[%dma_start3A_491, %dma_start3A_492] : memref<8x128xi32, #tpu.memory_space<vmem>> -> memref<1x128xi32, #tpu.memory_space<vmem>>
      %dma_start3A_494 = tpu.memref_squeeze %dma_start3A_493 : memref<1x128xi32, #tpu.memory_space<vmem>> -> memref<128xi32, #tpu.memory_space<vmem>>
      %dma_start3A_495 = arith.constant 0 : i32
      %dma_start3A_496 = arith.constant 0 : i32
      %dma_start3A_497 = tpu.memref_slice %arg7[%dma_start3A_495, %dma_start3A_496] : memref<10240x128xf32, #tpu.memory_space<vmem_shared>> -> memref<10240x128xf32, #tpu.memory_space<vmem_shared>>
      tpu.enqueue_indirect_dma source(%arg14 : memref<128x128xf32, #tpu.memory_space<vmem>>) target(%dma_start3A_497 : memref<10240x128xf32, #tpu.memory_space<vmem_shared>>) offsets(%dma_start3A_494 : memref<128xi32, #tpu.memory_space<vmem>>) semaphore(%arg22 : memref<!tpu.dma_semaphore, #tpu.memory_space<semaphore_mem>>) {add = true}
      %dma_start3A_498 = arith.constant 1 : i32
      %dma_start3A_499 = arith.constant 0 : i32
      %dma_start3A_500 = tpu.memref_slice %arg12[%dma_start3A_498, %dma_start3A_499] : memref<8x128xi32, #tpu.memory_space<vmem>> -> memref<1x128xi32, #tpu.memory_space<vmem>>
      %dma_start3A_501 = tpu.memref_squeeze %dma_start3A_500 : memref<1x128xi32, #tpu.memory_space<vmem>> -> memref<128xi32, #tpu.memory_space<vmem>>
      %dma_start3A_502 = arith.constant 0 : i32
      %dma_start3A_503 = tpu.memref_slice %arg8[%dma_start3A_502] : memref<10240xf32, #tpu.memory_space<vmem_shared>> -> memref<10240xf32, #tpu.memory_space<vmem_shared>>
      tpu.enqueue_indirect_dma source(%arg16 : memref<128xf32, #tpu.memory_space<vmem>>) target(%dma_start3A_503 : memref<10240xf32, #tpu.memory_space<vmem_shared>>) offsets(%dma_start3A_501 : memref<128xi32, #tpu.memory_space<vmem>>) semaphore(%arg22 : memref<!tpu.dma_semaphore, #tpu.memory_space<semaphore_mem>>) {add = true}
      %dma_wait3A_504 = arith.constant 2 : i32
      %dma_wait3A_505 = arith.constant 0 : i32
      %dma_wait3A_506 = tpu.memref_slice %arg11[%dma_wait3A_504, %dma_wait3A_505] : memref<8x128xi32, #tpu.memory_space<vmem>> -> memref<1x128xi32, #tpu.memory_space<vmem>>
      %dma_wait3A_507 = tpu.memref_squeeze %dma_wait3A_506 : memref<1x128xi32, #tpu.memory_space<vmem>> -> memref<128xi32, #tpu.memory_space<vmem>>
      %dma_wait3A_508 = arith.constant 0 : i32
      %dma_wait3A_509 = arith.constant 0 : i32
      %dma_wait3A_510 = tpu.memref_slice %arg2[%dma_wait3A_508, %dma_wait3A_509] : memref<20480x128xf32, #tpu.memory_space<hbm>> -> memref<20480x128xf32, #tpu.memory_space<hbm>>
      tpu.wait_indirect_dma semaphore(%arg17 : memref<!tpu.dma_semaphore, #tpu.memory_space<semaphore_mem>>) src(%dma_wait3A_510 : memref<20480x128xf32, #tpu.memory_space<hbm>>) dst(%arg13 : memref<128x128xf32, #tpu.memory_space<vmem>>)
      %dma_wait3A_511 = arith.constant 1 : i32
      %dma_wait3A_512 = arith.constant 0 : i32
      %dma_wait3A_513 = tpu.memref_slice %arg12[%dma_wait3A_511, %dma_wait3A_512] : memref<8x128xi32, #tpu.memory_space<vmem>> -> memref<1x128xi32, #tpu.memory_space<vmem>>
      %dma_wait3A_514 = tpu.memref_squeeze %dma_wait3A_513 : memref<1x128xi32, #tpu.memory_space<vmem>> -> memref<128xi32, #tpu.memory_space<vmem>>
      %dma_wait3A_515 = arith.constant 0 : i32
      %dma_wait3A_516 = arith.constant 0 : i32
      %dma_wait3A_517 = tpu.memref_slice %arg7[%dma_wait3A_515, %dma_wait3A_516] : memref<10240x128xf32, #tpu.memory_space<vmem_shared>> -> memref<10240x128xf32, #tpu.memory_space<vmem_shared>>
      tpu.wait_indirect_dma semaphore(%arg22 : memref<!tpu.dma_semaphore, #tpu.memory_space<semaphore_mem>>) src(%arg14 : memref<128x128xf32, #tpu.memory_space<vmem>>) dst(%dma_wait3A_517 : memref<10240x128xf32, #tpu.memory_space<vmem_shared>>)
      %dma_wait3A_518 = arith.constant 1 : i32
      %dma_wait3A_519 = arith.constant 0 : i32
      %dma_wait3A_520 = tpu.memref_slice %arg12[%dma_wait3A_518, %dma_wait3A_519] : memref<8x128xi32, #tpu.memory_space<vmem>> -> memref<1x128xi32, #tpu.memory_space<vmem>>
      %dma_wait3A_521 = tpu.memref_squeeze %dma_wait3A_520 : memref<1x128xi32, #tpu.memory_space<vmem>> -> memref<128xi32, #tpu.memory_space<vmem>>
      %dma_wait3A_522 = arith.constant 0 : i32
      %dma_wait3A_523 = tpu.memref_slice %arg8[%dma_wait3A_522] : memref<10240xf32, #tpu.memory_space<vmem_shared>> -> memref<10240xf32, #tpu.memory_space<vmem_shared>>
      tpu.wait_indirect_dma semaphore(%arg22 : memref<!tpu.dma_semaphore, #tpu.memory_space<semaphore_mem>>) src(%arg16 : memref<128xf32, #tpu.memory_space<vmem>>) dst(%dma_wait3A_523 : memref<10240xf32, #tpu.memory_space<vmem_shared>>)
      %dma_start3A_524 = arith.constant 3 : i32
      %dma_start3A_525 = arith.constant 0 : i32
      %dma_start3A_526 = tpu.memref_slice %arg11[%dma_start3A_524, %dma_start3A_525] : memref<8x128xi32, #tpu.memory_space<vmem>> -> memref<1x128xi32, #tpu.memory_space<vmem>>
      %dma_start3A_527 = tpu.memref_squeeze %dma_start3A_526 : memref<1x128xi32, #tpu.memory_space<vmem>> -> memref<128xi32, #tpu.memory_space<vmem>>
      %dma_start3A_528 = arith.constant 0 : i32
      %dma_start3A_529 = arith.constant 0 : i32
      %dma_start3A_530 = tpu.memref_slice %arg2[%dma_start3A_528, %dma_start3A_529] : memref<20480x128xf32, #tpu.memory_space<hbm>> -> memref<20480x128xf32, #tpu.memory_space<hbm>>
      tpu.enqueue_indirect_dma source(%dma_start3A_530 : memref<20480x128xf32, #tpu.memory_space<hbm>>) target(%arg14 : memref<128x128xf32, #tpu.memory_space<vmem>>) offsets(%dma_start3A_527 : memref<128xi32, #tpu.memory_space<vmem>>) semaphore(%arg18 : memref<!tpu.dma_semaphore, #tpu.memory_space<semaphore_mem>>)
      %dma_start3A_531 = arith.constant 2 : i32
      %dma_start3A_532 = arith.constant 0 : i32
      %dma_start3A_533 = tpu.memref_slice %arg12[%dma_start3A_531, %dma_start3A_532] : memref<8x128xi32, #tpu.memory_space<vmem>> -> memref<1x128xi32, #tpu.memory_space<vmem>>
      %dma_start3A_534 = tpu.memref_squeeze %dma_start3A_533 : memref<1x128xi32, #tpu.memory_space<vmem>> -> memref<128xi32, #tpu.memory_space<vmem>>
      %dma_start3A_535 = arith.constant 0 : i32
      %dma_start3A_536 = arith.constant 0 : i32
      %dma_start3A_537 = tpu.memref_slice %arg7[%dma_start3A_535, %dma_start3A_536] : memref<10240x128xf32, #tpu.memory_space<vmem_shared>> -> memref<10240x128xf32, #tpu.memory_space<vmem_shared>>
      tpu.enqueue_indirect_dma source(%arg13 : memref<128x128xf32, #tpu.memory_space<vmem>>) target(%dma_start3A_537 : memref<10240x128xf32, #tpu.memory_space<vmem_shared>>) offsets(%dma_start3A_534 : memref<128xi32, #tpu.memory_space<vmem>>) semaphore(%arg21 : memref<!tpu.dma_semaphore, #tpu.memory_space<semaphore_mem>>) {add = true}
      %dma_start3A_538 = arith.constant 2 : i32
      %dma_start3A_539 = arith.constant 0 : i32
      %dma_start3A_540 = tpu.memref_slice %arg12[%dma_start3A_538, %dma_start3A_539] : memref<8x128xi32, #tpu.memory_space<vmem>> -> memref<1x128xi32, #tpu.memory_space<vmem>>
      %dma_start3A_541 = tpu.memref_squeeze %dma_start3A_540 : memref<1x128xi32, #tpu.memory_space<vmem>> -> memref<128xi32, #tpu.memory_space<vmem>>
      %dma_start3A_542 = arith.constant 0 : i32
      %dma_start3A_543 = tpu.memref_slice %arg8[%dma_start3A_542] : memref<10240xf32, #tpu.memory_space<vmem_shared>> -> memref<10240xf32, #tpu.memory_space<vmem_shared>>
      tpu.enqueue_indirect_dma source(%arg16 : memref<128xf32, #tpu.memory_space<vmem>>) target(%dma_start3A_543 : memref<10240xf32, #tpu.memory_space<vmem_shared>>) offsets(%dma_start3A_541 : memref<128xi32, #tpu.memory_space<vmem>>) semaphore(%arg21 : memref<!tpu.dma_semaphore, #tpu.memory_space<semaphore_mem>>) {add = true}
      %dma_wait3A_544 = arith.constant 3 : i32
      %dma_wait3A_545 = arith.constant 0 : i32
      %dma_wait3A_546 = tpu.memref_slice %arg11[%dma_wait3A_544, %dma_wait3A_545] : memref<8x128xi32, #tpu.memory_space<vmem>> -> memref<1x128xi32, #tpu.memory_space<vmem>>
      %dma_wait3A_547 = tpu.memref_squeeze %dma_wait3A_546 : memref<1x128xi32, #tpu.memory_space<vmem>> -> memref<128xi32, #tpu.memory_space<vmem>>
      %dma_wait3A_548 = arith.constant 0 : i32
      %dma_wait3A_549 = arith.constant 0 : i32
      %dma_wait3A_550 = tpu.memref_slice %arg2[%dma_wait3A_548, %dma_wait3A_549] : memref<20480x128xf32, #tpu.memory_space<hbm>> -> memref<20480x128xf32, #tpu.memory_space<hbm>>
      tpu.wait_indirect_dma semaphore(%arg18 : memref<!tpu.dma_semaphore, #tpu.memory_space<semaphore_mem>>) src(%dma_wait3A_550 : memref<20480x128xf32, #tpu.memory_space<hbm>>) dst(%arg14 : memref<128x128xf32, #tpu.memory_space<vmem>>)
      %dma_wait3A_551 = arith.constant 2 : i32
      %dma_wait3A_552 = arith.constant 0 : i32
      %dma_wait3A_553 = tpu.memref_slice %arg12[%dma_wait3A_551, %dma_wait3A_552] : memref<8x128xi32, #tpu.memory_space<vmem>> -> memref<1x128xi32, #tpu.memory_space<vmem>>
      %dma_wait3A_554 = tpu.memref_squeeze %dma_wait3A_553 : memref<1x128xi32, #tpu.memory_space<vmem>> -> memref<128xi32, #tpu.memory_space<vmem>>
      %dma_wait3A_555 = arith.constant 0 : i32
      %dma_wait3A_556 = arith.constant 0 : i32
      %dma_wait3A_557 = tpu.memref_slice %arg7[%dma_wait3A_555, %dma_wait3A_556] : memref<10240x128xf32, #tpu.memory_space<vmem_shared>> -> memref<10240x128xf32, #tpu.memory_space<vmem_shared>>
      tpu.wait_indirect_dma semaphore(%arg21 : memref<!tpu.dma_semaphore, #tpu.memory_space<semaphore_mem>>) src(%arg13 : memref<128x128xf32, #tpu.memory_space<vmem>>) dst(%dma_wait3A_557 : memref<10240x128xf32, #tpu.memory_space<vmem_shared>>)
      %dma_wait3A_558 = arith.constant 2 : i32
      %dma_wait3A_559 = arith.constant 0 : i32
      %dma_wait3A_560 = tpu.memref_slice %arg12[%dma_wait3A_558, %dma_wait3A_559] : memref<8x128xi32, #tpu.memory_space<vmem>> -> memref<1x128xi32, #tpu.memory_space<vmem>>
      %dma_wait3A_561 = tpu.memref_squeeze %dma_wait3A_560 : memref<1x128xi32, #tpu.memory_space<vmem>> -> memref<128xi32, #tpu.memory_space<vmem>>
      %dma_wait3A_562 = arith.constant 0 : i32
      %dma_wait3A_563 = tpu.memref_slice %arg8[%dma_wait3A_562] : memref<10240xf32, #tpu.memory_space<vmem_shared>> -> memref<10240xf32, #tpu.memory_space<vmem_shared>>
      tpu.wait_indirect_dma semaphore(%arg21 : memref<!tpu.dma_semaphore, #tpu.memory_space<semaphore_mem>>) src(%arg16 : memref<128xf32, #tpu.memory_space<vmem>>) dst(%dma_wait3A_563 : memref<10240xf32, #tpu.memory_space<vmem_shared>>)
      %dma_start3A_564 = arith.constant 4 : i32
      %dma_start3A_565 = arith.constant 0 : i32
      %dma_start3A_566 = tpu.memref_slice %arg11[%dma_start3A_564, %dma_start3A_565] : memref<8x128xi32, #tpu.memory_space<vmem>> -> memref<1x128xi32, #tpu.memory_space<vmem>>
      %dma_start3A_567 = tpu.memref_squeeze %dma_start3A_566 : memref<1x128xi32, #tpu.memory_space<vmem>> -> memref<128xi32, #tpu.memory_space<vmem>>
      %dma_start3A_568 = arith.constant 0 : i32
      %dma_start3A_569 = arith.constant 0 : i32
      %dma_start3A_570 = tpu.memref_slice %arg2[%dma_start3A_568, %dma_start3A_569] : memref<20480x128xf32, #tpu.memory_space<hbm>> -> memref<20480x128xf32, #tpu.memory_space<hbm>>
      tpu.enqueue_indirect_dma source(%dma_start3A_570 : memref<20480x128xf32, #tpu.memory_space<hbm>>) target(%arg13 : memref<128x128xf32, #tpu.memory_space<vmem>>) offsets(%dma_start3A_567 : memref<128xi32, #tpu.memory_space<vmem>>) semaphore(%arg17 : memref<!tpu.dma_semaphore, #tpu.memory_space<semaphore_mem>>)
      %dma_start3A_571 = arith.constant 3 : i32
      %dma_start3A_572 = arith.constant 0 : i32
      %dma_start3A_573 = tpu.memref_slice %arg12[%dma_start3A_571, %dma_start3A_572] : memref<8x128xi32, #tpu.memory_space<vmem>> -> memref<1x128xi32, #tpu.memory_space<vmem>>
      %dma_start3A_574 = tpu.memref_squeeze %dma_start3A_573 : memref<1x128xi32, #tpu.memory_space<vmem>> -> memref<128xi32, #tpu.memory_space<vmem>>
      %dma_start3A_575 = arith.constant 0 : i32
      %dma_start3A_576 = arith.constant 0 : i32
      %dma_start3A_577 = tpu.memref_slice %arg7[%dma_start3A_575, %dma_start3A_576] : memref<10240x128xf32, #tpu.memory_space<vmem_shared>> -> memref<10240x128xf32, #tpu.memory_space<vmem_shared>>
      tpu.enqueue_indirect_dma source(%arg14 : memref<128x128xf32, #tpu.memory_space<vmem>>) target(%dma_start3A_577 : memref<10240x128xf32, #tpu.memory_space<vmem_shared>>) offsets(%dma_start3A_574 : memref<128xi32, #tpu.memory_space<vmem>>) semaphore(%arg22 : memref<!tpu.dma_semaphore, #tpu.memory_space<semaphore_mem>>) {add = true}
      %dma_start3A_578 = arith.constant 3 : i32
      %dma_start3A_579 = arith.constant 0 : i32
      %dma_start3A_580 = tpu.memref_slice %arg12[%dma_start3A_578, %dma_start3A_579] : memref<8x128xi32, #tpu.memory_space<vmem>> -> memref<1x128xi32, #tpu.memory_space<vmem>>
      %dma_start3A_581 = tpu.memref_squeeze %dma_start3A_580 : memref<1x128xi32, #tpu.memory_space<vmem>> -> memref<128xi32, #tpu.memory_space<vmem>>
      %dma_start3A_582 = arith.constant 0 : i32
      %dma_start3A_583 = tpu.memref_slice %arg8[%dma_start3A_582] : memref<10240xf32, #tpu.memory_space<vmem_shared>> -> memref<10240xf32, #tpu.memory_space<vmem_shared>>
      tpu.enqueue_indirect_dma source(%arg16 : memref<128xf32, #tpu.memory_space<vmem>>) target(%dma_start3A_583 : memref<10240xf32, #tpu.memory_space<vmem_shared>>) offsets(%dma_start3A_581 : memref<128xi32, #tpu.memory_space<vmem>>) semaphore(%arg22 : memref<!tpu.dma_semaphore, #tpu.memory_space<semaphore_mem>>) {add = true}
      %dma_wait3A_584 = arith.constant 4 : i32
      %dma_wait3A_585 = arith.constant 0 : i32
      %dma_wait3A_586 = tpu.memref_slice %arg11[%dma_wait3A_584, %dma_wait3A_585] : memref<8x128xi32, #tpu.memory_space<vmem>> -> memref<1x128xi32, #tpu.memory_space<vmem>>
      %dma_wait3A_587 = tpu.memref_squeeze %dma_wait3A_586 : memref<1x128xi32, #tpu.memory_space<vmem>> -> memref<128xi32, #tpu.memory_space<vmem>>
      %dma_wait3A_588 = arith.constant 0 : i32
      %dma_wait3A_589 = arith.constant 0 : i32
      %dma_wait3A_590 = tpu.memref_slice %arg2[%dma_wait3A_588, %dma_wait3A_589] : memref<20480x128xf32, #tpu.memory_space<hbm>> -> memref<20480x128xf32, #tpu.memory_space<hbm>>
      tpu.wait_indirect_dma semaphore(%arg17 : memref<!tpu.dma_semaphore, #tpu.memory_space<semaphore_mem>>) src(%dma_wait3A_590 : memref<20480x128xf32, #tpu.memory_space<hbm>>) dst(%arg13 : memref<128x128xf32, #tpu.memory_space<vmem>>)
      %dma_wait3A_591 = arith.constant 3 : i32
      %dma_wait3A_592 = arith.constant 0 : i32
      %dma_wait3A_593 = tpu.memref_slice %arg12[%dma_wait3A_591, %dma_wait3A_592] : memref<8x128xi32, #tpu.memory_space<vmem>> -> memref<1x128xi32, #tpu.memory_space<vmem>>
      %dma_wait3A_594 = tpu.memref_squeeze %dma_wait3A_593 : memref<1x128xi32, #tpu.memory_space<vmem>> -> memref<128xi32, #tpu.memory_space<vmem>>
      %dma_wait3A_595 = arith.constant 0 : i32
      %dma_wait3A_596 = arith.constant 0 : i32
      %dma_wait3A_597 = tpu.memref_slice %arg7[%dma_wait3A_595, %dma_wait3A_596] : memref<10240x128xf32, #tpu.memory_space<vmem_shared>> -> memref<10240x128xf32, #tpu.memory_space<vmem_shared>>
      tpu.wait_indirect_dma semaphore(%arg22 : memref<!tpu.dma_semaphore, #tpu.memory_space<semaphore_mem>>) src(%arg14 : memref<128x128xf32, #tpu.memory_space<vmem>>) dst(%dma_wait3A_597 : memref<10240x128xf32, #tpu.memory_space<vmem_shared>>)
      %dma_wait3A_598 = arith.constant 3 : i32
      %dma_wait3A_599 = arith.constant 0 : i32
      %dma_wait3A_600 = tpu.memref_slice %arg12[%dma_wait3A_598, %dma_wait3A_599] : memref<8x128xi32, #tpu.memory_space<vmem>> -> memref<1x128xi32, #tpu.memory_space<vmem>>
      %dma_wait3A_601 = tpu.memref_squeeze %dma_wait3A_600 : memref<1x128xi32, #tpu.memory_space<vmem>> -> memref<128xi32, #tpu.memory_space<vmem>>
      %dma_wait3A_602 = arith.constant 0 : i32
      %dma_wait3A_603 = tpu.memref_slice %arg8[%dma_wait3A_602] : memref<10240xf32, #tpu.memory_space<vmem_shared>> -> memref<10240xf32, #tpu.memory_space<vmem_shared>>
      tpu.wait_indirect_dma semaphore(%arg22 : memref<!tpu.dma_semaphore, #tpu.memory_space<semaphore_mem>>) src(%arg16 : memref<128xf32, #tpu.memory_space<vmem>>) dst(%dma_wait3A_603 : memref<10240xf32, #tpu.memory_space<vmem_shared>>)
      %dma_start3A_604 = arith.constant 5 : i32
      %dma_start3A_605 = arith.constant 0 : i32
      %dma_start3A_606 = tpu.memref_slice %arg11[%dma_start3A_604, %dma_start3A_605] : memref<8x128xi32, #tpu.memory_space<vmem>> -> memref<1x128xi32, #tpu.memory_space<vmem>>
      %dma_start3A_607 = tpu.memref_squeeze %dma_start3A_606 : memref<1x128xi32, #tpu.memory_space<vmem>> -> memref<128xi32, #tpu.memory_space<vmem>>
      %dma_start3A_608 = arith.constant 0 : i32
      %dma_start3A_609 = arith.constant 0 : i32
      %dma_start3A_610 = tpu.memref_slice %arg2[%dma_start3A_608, %dma_start3A_609] : memref<20480x128xf32, #tpu.memory_space<hbm>> -> memref<20480x128xf32, #tpu.memory_space<hbm>>
      tpu.enqueue_indirect_dma source(%dma_start3A_610 : memref<20480x128xf32, #tpu.memory_space<hbm>>) target(%arg14 : memref<128x128xf32, #tpu.memory_space<vmem>>) offsets(%dma_start3A_607 : memref<128xi32, #tpu.memory_space<vmem>>) semaphore(%arg18 : memref<!tpu.dma_semaphore, #tpu.memory_space<semaphore_mem>>)
      %dma_start3A_611 = arith.constant 4 : i32
      %dma_start3A_612 = arith.constant 0 : i32
      %dma_start3A_613 = tpu.memref_slice %arg12[%dma_start3A_611, %dma_start3A_612] : memref<8x128xi32, #tpu.memory_space<vmem>> -> memref<1x128xi32, #tpu.memory_space<vmem>>
      %dma_start3A_614 = tpu.memref_squeeze %dma_start3A_613 : memref<1x128xi32, #tpu.memory_space<vmem>> -> memref<128xi32, #tpu.memory_space<vmem>>
      %dma_start3A_615 = arith.constant 0 : i32
      %dma_start3A_616 = arith.constant 0 : i32
      %dma_start3A_617 = tpu.memref_slice %arg7[%dma_start3A_615, %dma_start3A_616] : memref<10240x128xf32, #tpu.memory_space<vmem_shared>> -> memref<10240x128xf32, #tpu.memory_space<vmem_shared>>
      tpu.enqueue_indirect_dma source(%arg13 : memref<128x128xf32, #tpu.memory_space<vmem>>) target(%dma_start3A_617 : memref<10240x128xf32, #tpu.memory_space<vmem_shared>>) offsets(%dma_start3A_614 : memref<128xi32, #tpu.memory_space<vmem>>) semaphore(%arg21 : memref<!tpu.dma_semaphore, #tpu.memory_space<semaphore_mem>>) {add = true}
      %dma_start3A_618 = arith.constant 4 : i32
      %dma_start3A_619 = arith.constant 0 : i32
      %dma_start3A_620 = tpu.memref_slice %arg12[%dma_start3A_618, %dma_start3A_619] : memref<8x128xi32, #tpu.memory_space<vmem>> -> memref<1x128xi32, #tpu.memory_space<vmem>>
      %dma_start3A_621 = tpu.memref_squeeze %dma_start3A_620 : memref<1x128xi32, #tpu.memory_space<vmem>> -> memref<128xi32, #tpu.memory_space<vmem>>
      %dma_start3A_622 = arith.constant 0 : i32
      %dma_start3A_623 = tpu.memref_slice %arg8[%dma_start3A_622] : memref<10240xf32, #tpu.memory_space<vmem_shared>> -> memref<10240xf32, #tpu.memory_space<vmem_shared>>
      tpu.enqueue_indirect_dma source(%arg16 : memref<128xf32, #tpu.memory_space<vmem>>) target(%dma_start3A_623 : memref<10240xf32, #tpu.memory_space<vmem_shared>>) offsets(%dma_start3A_621 : memref<128xi32, #tpu.memory_space<vmem>>) semaphore(%arg21 : memref<!tpu.dma_semaphore, #tpu.memory_space<semaphore_mem>>) {add = true}
      %dma_wait3A_624 = arith.constant 5 : i32
      %dma_wait3A_625 = arith.constant 0 : i32
      %dma_wait3A_626 = tpu.memref_slice %arg11[%dma_wait3A_624, %dma_wait3A_625] : memref<8x128xi32, #tpu.memory_space<vmem>> -> memref<1x128xi32, #tpu.memory_space<vmem>>
      %dma_wait3A_627 = tpu.memref_squeeze %dma_wait3A_626 : memref<1x128xi32, #tpu.memory_space<vmem>> -> memref<128xi32, #tpu.memory_space<vmem>>
      %dma_wait3A_628 = arith.constant 0 : i32
      %dma_wait3A_629 = arith.constant 0 : i32
      %dma_wait3A_630 = tpu.memref_slice %arg2[%dma_wait3A_628, %dma_wait3A_629] : memref<20480x128xf32, #tpu.memory_space<hbm>> -> memref<20480x128xf32, #tpu.memory_space<hbm>>
      tpu.wait_indirect_dma semaphore(%arg18 : memref<!tpu.dma_semaphore, #tpu.memory_space<semaphore_mem>>) src(%dma_wait3A_630 : memref<20480x128xf32, #tpu.memory_space<hbm>>) dst(%arg14 : memref<128x128xf32, #tpu.memory_space<vmem>>)
      %dma_wait3A_631 = arith.constant 4 : i32
      %dma_wait3A_632 = arith.constant 0 : i32
      %dma_wait3A_633 = tpu.memref_slice %arg12[%dma_wait3A_631, %dma_wait3A_632] : memref<8x128xi32, #tpu.memory_space<vmem>> -> memref<1x128xi32, #tpu.memory_space<vmem>>
      %dma_wait3A_634 = tpu.memref_squeeze %dma_wait3A_633 : memref<1x128xi32, #tpu.memory_space<vmem>> -> memref<128xi32, #tpu.memory_space<vmem>>
      %dma_wait3A_635 = arith.constant 0 : i32
      %dma_wait3A_636 = arith.constant 0 : i32
      %dma_wait3A_637 = tpu.memref_slice %arg7[%dma_wait3A_635, %dma_wait3A_636] : memref<10240x128xf32, #tpu.memory_space<vmem_shared>> -> memref<10240x128xf32, #tpu.memory_space<vmem_shared>>
      tpu.wait_indirect_dma semaphore(%arg21 : memref<!tpu.dma_semaphore, #tpu.memory_space<semaphore_mem>>) src(%arg13 : memref<128x128xf32, #tpu.memory_space<vmem>>) dst(%dma_wait3A_637 : memref<10240x128xf32, #tpu.memory_space<vmem_shared>>)
      %dma_wait3A_638 = arith.constant 4 : i32
      %dma_wait3A_639 = arith.constant 0 : i32
      %dma_wait3A_640 = tpu.memref_slice %arg12[%dma_wait3A_638, %dma_wait3A_639] : memref<8x128xi32, #tpu.memory_space<vmem>> -> memref<1x128xi32, #tpu.memory_space<vmem>>
      %dma_wait3A_641 = tpu.memref_squeeze %dma_wait3A_640 : memref<1x128xi32, #tpu.memory_space<vmem>> -> memref<128xi32, #tpu.memory_space<vmem>>
      %dma_wait3A_642 = arith.constant 0 : i32
      %dma_wait3A_643 = tpu.memref_slice %arg8[%dma_wait3A_642] : memref<10240xf32, #tpu.memory_space<vmem_shared>> -> memref<10240xf32, #tpu.memory_space<vmem_shared>>
      tpu.wait_indirect_dma semaphore(%arg21 : memref<!tpu.dma_semaphore, #tpu.memory_space<semaphore_mem>>) src(%arg16 : memref<128xf32, #tpu.memory_space<vmem>>) dst(%dma_wait3A_643 : memref<10240xf32, #tpu.memory_space<vmem_shared>>)
      %dma_start3A_644 = arith.constant 6 : i32
      %dma_start3A_645 = arith.constant 0 : i32
      %dma_start3A_646 = tpu.memref_slice %arg11[%dma_start3A_644, %dma_start3A_645] : memref<8x128xi32, #tpu.memory_space<vmem>> -> memref<1x128xi32, #tpu.memory_space<vmem>>
      %dma_start3A_647 = tpu.memref_squeeze %dma_start3A_646 : memref<1x128xi32, #tpu.memory_space<vmem>> -> memref<128xi32, #tpu.memory_space<vmem>>
      %dma_start3A_648 = arith.constant 0 : i32
      %dma_start3A_649 = arith.constant 0 : i32
      %dma_start3A_650 = tpu.memref_slice %arg2[%dma_start3A_648, %dma_start3A_649] : memref<20480x128xf32, #tpu.memory_space<hbm>> -> memref<20480x128xf32, #tpu.memory_space<hbm>>
      tpu.enqueue_indirect_dma source(%dma_start3A_650 : memref<20480x128xf32, #tpu.memory_space<hbm>>) target(%arg13 : memref<128x128xf32, #tpu.memory_space<vmem>>) offsets(%dma_start3A_647 : memref<128xi32, #tpu.memory_space<vmem>>) semaphore(%arg17 : memref<!tpu.dma_semaphore, #tpu.memory_space<semaphore_mem>>)
      %dma_start3A_651 = arith.constant 5 : i32
      %dma_start3A_652 = arith.constant 0 : i32
      %dma_start3A_653 = tpu.memref_slice %arg12[%dma_start3A_651, %dma_start3A_652] : memref<8x128xi32, #tpu.memory_space<vmem>> -> memref<1x128xi32, #tpu.memory_space<vmem>>
      %dma_start3A_654 = tpu.memref_squeeze %dma_start3A_653 : memref<1x128xi32, #tpu.memory_space<vmem>> -> memref<128xi32, #tpu.memory_space<vmem>>
      %dma_start3A_655 = arith.constant 0 : i32
      %dma_start3A_656 = arith.constant 0 : i32
      %dma_start3A_657 = tpu.memref_slice %arg7[%dma_start3A_655, %dma_start3A_656] : memref<10240x128xf32, #tpu.memory_space<vmem_shared>> -> memref<10240x128xf32, #tpu.memory_space<vmem_shared>>
      tpu.enqueue_indirect_dma source(%arg14 : memref<128x128xf32, #tpu.memory_space<vmem>>) target(%dma_start3A_657 : memref<10240x128xf32, #tpu.memory_space<vmem_shared>>) offsets(%dma_start3A_654 : memref<128xi32, #tpu.memory_space<vmem>>) semaphore(%arg22 : memref<!tpu.dma_semaphore, #tpu.memory_space<semaphore_mem>>) {add = true}
      %dma_start3A_658 = arith.constant 5 : i32
      %dma_start3A_659 = arith.constant 0 : i32
      %dma_start3A_660 = tpu.memref_slice %arg12[%dma_start3A_658, %dma_start3A_659] : memref<8x128xi32, #tpu.memory_space<vmem>> -> memref<1x128xi32, #tpu.memory_space<vmem>>
      %dma_start3A_661 = tpu.memref_squeeze %dma_start3A_660 : memref<1x128xi32, #tpu.memory_space<vmem>> -> memref<128xi32, #tpu.memory_space<vmem>>
      %dma_start3A_662 = arith.constant 0 : i32
      %dma_start3A_663 = tpu.memref_slice %arg8[%dma_start3A_662] : memref<10240xf32, #tpu.memory_space<vmem_shared>> -> memref<10240xf32, #tpu.memory_space<vmem_shared>>
      tpu.enqueue_indirect_dma source(%arg16 : memref<128xf32, #tpu.memory_space<vmem>>) target(%dma_start3A_663 : memref<10240xf32, #tpu.memory_space<vmem_shared>>) offsets(%dma_start3A_661 : memref<128xi32, #tpu.memory_space<vmem>>) semaphore(%arg22 : memref<!tpu.dma_semaphore, #tpu.memory_space<semaphore_mem>>) {add = true}
      %dma_wait3A_664 = arith.constant 6 : i32
      %dma_wait3A_665 = arith.constant 0 : i32
      %dma_wait3A_666 = tpu.memref_slice %arg11[%dma_wait3A_664, %dma_wait3A_665] : memref<8x128xi32, #tpu.memory_space<vmem>> -> memref<1x128xi32, #tpu.memory_space<vmem>>
      %dma_wait3A_667 = tpu.memref_squeeze %dma_wait3A_666 : memref<1x128xi32, #tpu.memory_space<vmem>> -> memref<128xi32, #tpu.memory_space<vmem>>
      %dma_wait3A_668 = arith.constant 0 : i32
      %dma_wait3A_669 = arith.constant 0 : i32
      %dma_wait3A_670 = tpu.memref_slice %arg2[%dma_wait3A_668, %dma_wait3A_669] : memref<20480x128xf32, #tpu.memory_space<hbm>> -> memref<20480x128xf32, #tpu.memory_space<hbm>>
      tpu.wait_indirect_dma semaphore(%arg17 : memref<!tpu.dma_semaphore, #tpu.memory_space<semaphore_mem>>) src(%dma_wait3A_670 : memref<20480x128xf32, #tpu.memory_space<hbm>>) dst(%arg13 : memref<128x128xf32, #tpu.memory_space<vmem>>)
      %dma_wait3A_671 = arith.constant 5 : i32
      %dma_wait3A_672 = arith.constant 0 : i32
      %dma_wait3A_673 = tpu.memref_slice %arg12[%dma_wait3A_671, %dma_wait3A_672] : memref<8x128xi32, #tpu.memory_space<vmem>> -> memref<1x128xi32, #tpu.memory_space<vmem>>
      %dma_wait3A_674 = tpu.memref_squeeze %dma_wait3A_673 : memref<1x128xi32, #tpu.memory_space<vmem>> -> memref<128xi32, #tpu.memory_space<vmem>>
      %dma_wait3A_675 = arith.constant 0 : i32
      %dma_wait3A_676 = arith.constant 0 : i32
      %dma_wait3A_677 = tpu.memref_slice %arg7[%dma_wait3A_675, %dma_wait3A_676] : memref<10240x128xf32, #tpu.memory_space<vmem_shared>> -> memref<10240x128xf32, #tpu.memory_space<vmem_shared>>
      tpu.wait_indirect_dma semaphore(%arg22 : memref<!tpu.dma_semaphore, #tpu.memory_space<semaphore_mem>>) src(%arg14 : memref<128x128xf32, #tpu.memory_space<vmem>>) dst(%dma_wait3A_677 : memref<10240x128xf32, #tpu.memory_space<vmem_shared>>)
      %dma_wait3A_678 = arith.constant 5 : i32
      %dma_wait3A_679 = arith.constant 0 : i32
      %dma_wait3A_680 = tpu.memref_slice %arg12[%dma_wait3A_678, %dma_wait3A_679] : memref<8x128xi32, #tpu.memory_space<vmem>> -> memref<1x128xi32, #tpu.memory_space<vmem>>
      %dma_wait3A_681 = tpu.memref_squeeze %dma_wait3A_680 : memref<1x128xi32, #tpu.memory_space<vmem>> -> memref<128xi32, #tpu.memory_space<vmem>>
      %dma_wait3A_682 = arith.constant 0 : i32
      %dma_wait3A_683 = tpu.memref_slice %arg8[%dma_wait3A_682] : memref<10240xf32, #tpu.memory_space<vmem_shared>> -> memref<10240xf32, #tpu.memory_space<vmem_shared>>
      tpu.wait_indirect_dma semaphore(%arg22 : memref<!tpu.dma_semaphore, #tpu.memory_space<semaphore_mem>>) src(%arg16 : memref<128xf32, #tpu.memory_space<vmem>>) dst(%dma_wait3A_683 : memref<10240xf32, #tpu.memory_space<vmem_shared>>)
      %dma_start3A_684 = arith.constant 7 : i32
      %dma_start3A_685 = arith.constant 0 : i32
      %dma_start3A_686 = tpu.memref_slice %arg11[%dma_start3A_684, %dma_start3A_685] : memref<8x128xi32, #tpu.memory_space<vmem>> -> memref<1x128xi32, #tpu.memory_space<vmem>>
      %dma_start3A_687 = tpu.memref_squeeze %dma_start3A_686 : memref<1x128xi32, #tpu.memory_space<vmem>> -> memref<128xi32, #tpu.memory_space<vmem>>
      %dma_start3A_688 = arith.constant 0 : i32
      %dma_start3A_689 = arith.constant 0 : i32
      %dma_start3A_690 = tpu.memref_slice %arg2[%dma_start3A_688, %dma_start3A_689] : memref<20480x128xf32, #tpu.memory_space<hbm>> -> memref<20480x128xf32, #tpu.memory_space<hbm>>
      tpu.enqueue_indirect_dma source(%dma_start3A_690 : memref<20480x128xf32, #tpu.memory_space<hbm>>) target(%arg14 : memref<128x128xf32, #tpu.memory_space<vmem>>) offsets(%dma_start3A_687 : memref<128xi32, #tpu.memory_space<vmem>>) semaphore(%arg18 : memref<!tpu.dma_semaphore, #tpu.memory_space<semaphore_mem>>)
      %dma_start3A_691 = arith.constant 6 : i32
      %dma_start3A_692 = arith.constant 0 : i32
      %dma_start3A_693 = tpu.memref_slice %arg12[%dma_start3A_691, %dma_start3A_692] : memref<8x128xi32, #tpu.memory_space<vmem>> -> memref<1x128xi32, #tpu.memory_space<vmem>>
      %dma_start3A_694 = tpu.memref_squeeze %dma_start3A_693 : memref<1x128xi32, #tpu.memory_space<vmem>> -> memref<128xi32, #tpu.memory_space<vmem>>
      %dma_start3A_695 = arith.constant 0 : i32
      %dma_start3A_696 = arith.constant 0 : i32
      %dma_start3A_697 = tpu.memref_slice %arg7[%dma_start3A_695, %dma_start3A_696] : memref<10240x128xf32, #tpu.memory_space<vmem_shared>> -> memref<10240x128xf32, #tpu.memory_space<vmem_shared>>
      tpu.enqueue_indirect_dma source(%arg13 : memref<128x128xf32, #tpu.memory_space<vmem>>) target(%dma_start3A_697 : memref<10240x128xf32, #tpu.memory_space<vmem_shared>>) offsets(%dma_start3A_694 : memref<128xi32, #tpu.memory_space<vmem>>) semaphore(%arg21 : memref<!tpu.dma_semaphore, #tpu.memory_space<semaphore_mem>>) {add = true}
      %dma_start3A_698 = arith.constant 6 : i32
      %dma_start3A_699 = arith.constant 0 : i32
      %dma_start3A_700 = tpu.memref_slice %arg12[%dma_start3A_698, %dma_start3A_699] : memref<8x128xi32, #tpu.memory_space<vmem>> -> memref<1x128xi32, #tpu.memory_space<vmem>>
      %dma_start3A_701 = tpu.memref_squeeze %dma_start3A_700 : memref<1x128xi32, #tpu.memory_space<vmem>> -> memref<128xi32, #tpu.memory_space<vmem>>
      %dma_start3A_702 = arith.constant 0 : i32
      %dma_start3A_703 = tpu.memref_slice %arg8[%dma_start3A_702] : memref<10240xf32, #tpu.memory_space<vmem_shared>> -> memref<10240xf32, #tpu.memory_space<vmem_shared>>
      tpu.enqueue_indirect_dma source(%arg16 : memref<128xf32, #tpu.memory_space<vmem>>) target(%dma_start3A_703 : memref<10240xf32, #tpu.memory_space<vmem_shared>>) offsets(%dma_start3A_701 : memref<128xi32, #tpu.memory_space<vmem>>) semaphore(%arg21 : memref<!tpu.dma_semaphore, #tpu.memory_space<semaphore_mem>>) {add = true}
      %dma_wait3A_704 = arith.constant 7 : i32
      %dma_wait3A_705 = arith.constant 0 : i32
      %dma_wait3A_706 = tpu.memref_slice %arg11[%dma_wait3A_704, %dma_wait3A_705] : memref<8x128xi32, #tpu.memory_space<vmem>> -> memref<1x128xi32, #tpu.memory_space<vmem>>
      %dma_wait3A_707 = tpu.memref_squeeze %dma_wait3A_706 : memref<1x128xi32, #tpu.memory_space<vmem>> -> memref<128xi32, #tpu.memory_space<vmem>>
      %dma_wait3A_708 = arith.constant 0 : i32
      %dma_wait3A_709 = arith.constant 0 : i32
      %dma_wait3A_710 = tpu.memref_slice %arg2[%dma_wait3A_708, %dma_wait3A_709] : memref<20480x128xf32, #tpu.memory_space<hbm>> -> memref<20480x128xf32, #tpu.memory_space<hbm>>
      tpu.wait_indirect_dma semaphore(%arg18 : memref<!tpu.dma_semaphore, #tpu.memory_space<semaphore_mem>>) src(%dma_wait3A_710 : memref<20480x128xf32, #tpu.memory_space<hbm>>) dst(%arg14 : memref<128x128xf32, #tpu.memory_space<vmem>>)
      %dma_wait3A_711 = arith.constant 6 : i32
      %dma_wait3A_712 = arith.constant 0 : i32
      %dma_wait3A_713 = tpu.memref_slice %arg12[%dma_wait3A_711, %dma_wait3A_712] : memref<8x128xi32, #tpu.memory_space<vmem>> -> memref<1x128xi32, #tpu.memory_space<vmem>>
      %dma_wait3A_714 = tpu.memref_squeeze %dma_wait3A_713 : memref<1x128xi32, #tpu.memory_space<vmem>> -> memref<128xi32, #tpu.memory_space<vmem>>
      %dma_wait3A_715 = arith.constant 0 : i32
      %dma_wait3A_716 = arith.constant 0 : i32
      %dma_wait3A_717 = tpu.memref_slice %arg7[%dma_wait3A_715, %dma_wait3A_716] : memref<10240x128xf32, #tpu.memory_space<vmem_shared>> -> memref<10240x128xf32, #tpu.memory_space<vmem_shared>>
      tpu.wait_indirect_dma semaphore(%arg21 : memref<!tpu.dma_semaphore, #tpu.memory_space<semaphore_mem>>) src(%arg13 : memref<128x128xf32, #tpu.memory_space<vmem>>) dst(%dma_wait3A_717 : memref<10240x128xf32, #tpu.memory_space<vmem_shared>>)
      %dma_wait3A_718 = arith.constant 6 : i32
      %dma_wait3A_719 = arith.constant 0 : i32
      %dma_wait3A_720 = tpu.memref_slice %arg12[%dma_wait3A_718, %dma_wait3A_719] : memref<8x128xi32, #tpu.memory_space<vmem>> -> memref<1x128xi32, #tpu.memory_space<vmem>>
      %dma_wait3A_721 = tpu.memref_squeeze %dma_wait3A_720 : memref<1x128xi32, #tpu.memory_space<vmem>> -> memref<128xi32, #tpu.memory_space<vmem>>
      %dma_wait3A_722 = arith.constant 0 : i32
      %dma_wait3A_723 = tpu.memref_slice %arg8[%dma_wait3A_722] : memref<10240xf32, #tpu.memory_space<vmem_shared>> -> memref<10240xf32, #tpu.memory_space<vmem_shared>>
      tpu.wait_indirect_dma semaphore(%arg21 : memref<!tpu.dma_semaphore, #tpu.memory_space<semaphore_mem>>) src(%arg16 : memref<128xf32, #tpu.memory_space<vmem>>) dst(%dma_wait3A_723 : memref<10240xf32, #tpu.memory_space<vmem_shared>>)
      %lt3A_724 = arith.constant 19 : i32
      %lt3A_725 = arith.cmpi slt, %add3A_436, %lt3A_724 : i32
      %convert_element_type3A_726 = arith.extui %lt3A_725 : i1 to i32
      %cond3A_727 = arith.constant 0 : i32
      %cond3A_728 = arith.cmpi ne, %convert_element_type3A_726, %cond3A_727 : i32
      scf.if %cond3A_728 {
        %add3A_760 = arith.constant 1 : i32
        %add3A_761 = arith.addi %add3A_436, %add3A_760 : i32
        %dma_wait3A_762 = arith.constant 0 : i32
        %dma_wait3A_763 = arith.constant 0 : i32
        %dma_wait3A_764 = tpu.memref_slice %arg3[%arg0, %arg1, %add3A_761, %dma_wait3A_762, %dma_wait3A_763] : memref<2x16x20x8x128xi32, #tpu.memory_space<hbm>> -> memref<1x1x1x8x128xi32, #tpu.memory_space<hbm>>
        %dma_wait3A_765 = tpu.memref_squeeze %dma_wait3A_764 : memref<1x1x1x8x128xi32, #tpu.memory_space<hbm>> -> memref<8x128xi32, #tpu.memory_space<hbm>>
        %dma_wait3A_766 = arith.constant 0 : i32
        %dma_wait3A_767 = arith.constant 0 : i32
        %dma_wait3A_768 = tpu.memref_slice %arg3[%arg0, %arg1, %add3A_761, %dma_wait3A_766, %dma_wait3A_767] : memref<2x16x20x8x128xi32, #tpu.memory_space<hbm>> -> memref<1x1x1x8x128xi32, #tpu.memory_space<hbm>>
        %dma_wait3A_769 = tpu.memref_squeeze %dma_wait3A_768 : memref<1x1x1x8x128xi32, #tpu.memory_space<hbm>> -> memref<8x128xi32, #tpu.memory_space<hbm>>
        tpu.wait_dma2 semaphore(%arg19 : memref<!tpu.dma_semaphore, #tpu.memory_space<semaphore_mem>>) src(%dma_wait3A_769 : memref<8x128xi32, #tpu.memory_space<hbm>>) dst(%arg9 : memref<8x128xi32, #tpu.memory_space<vmem>>)
        %add3A_770 = arith.constant 1 : i32
        %add3A_771 = arith.addi %add3A_436, %add3A_770 : i32
        %dma_wait3A_772 = arith.constant 0 : i32
        %dma_wait3A_773 = arith.constant 0 : i32
        %dma_wait3A_774 = tpu.memref_slice %arg4[%arg0, %arg1, %add3A_771, %dma_wait3A_772, %dma_wait3A_773] : memref<2x16x20x8x128xi32, #tpu.memory_space<hbm>> -> memref<1x1x1x8x128xi32, #tpu.memory_space<hbm>>
        %dma_wait3A_775 = tpu.memref_squeeze %dma_wait3A_774 : memref<1x1x1x8x128xi32, #tpu.memory_space<hbm>> -> memref<8x128xi32, #tpu.memory_space<hbm>>
        %dma_wait3A_776 = arith.constant 0 : i32
        %dma_wait3A_777 = arith.constant 0 : i32
        %dma_wait3A_778 = tpu.memref_slice %arg4[%arg0, %arg1, %add3A_771, %dma_wait3A_776, %dma_wait3A_777] : memref<2x16x20x8x128xi32, #tpu.memory_space<hbm>> -> memref<1x1x1x8x128xi32, #tpu.memory_space<hbm>>
        %dma_wait3A_779 = tpu.memref_squeeze %dma_wait3A_778 : memref<1x1x1x8x128xi32, #tpu.memory_space<hbm>> -> memref<8x128xi32, #tpu.memory_space<hbm>>
        tpu.wait_dma2 semaphore(%arg20 : memref<!tpu.dma_semaphore, #tpu.memory_space<semaphore_mem>>) src(%dma_wait3A_779 : memref<8x128xi32, #tpu.memory_space<hbm>>) dst(%arg10 : memref<8x128xi32, #tpu.memory_space<vmem>>)
        %dma_start3A_780 = arith.constant 0 : i32
        %dma_start3A_781 = arith.constant 0 : i32
        %dma_start3A_782 = tpu.memref_slice %arg9[%dma_start3A_780, %dma_start3A_781] : memref<8x128xi32, #tpu.memory_space<vmem>> -> memref<1x128xi32, #tpu.memory_space<vmem>>
        %dma_start3A_783 = tpu.memref_squeeze %dma_start3A_782 : memref<1x128xi32, #tpu.memory_space<vmem>> -> memref<128xi32, #tpu.memory_space<vmem>>
        %dma_start3A_784 = arith.constant 0 : i32
        %dma_start3A_785 = arith.constant 0 : i32
        %dma_start3A_786 = tpu.memref_slice %arg2[%dma_start3A_784, %dma_start3A_785] : memref<20480x128xf32, #tpu.memory_space<hbm>> -> memref<20480x128xf32, #tpu.memory_space<hbm>>
        tpu.enqueue_indirect_dma source(%dma_start3A_786 : memref<20480x128xf32, #tpu.memory_space<hbm>>) target(%arg13 : memref<128x128xf32, #tpu.memory_space<vmem>>) offsets(%dma_start3A_783 : memref<128xi32, #tpu.memory_space<vmem>>) semaphore(%arg17 : memref<!tpu.dma_semaphore, #tpu.memory_space<semaphore_mem>>)
      } else {
      }
      %dma_start3A_729 = arith.constant 7 : i32
      %dma_start3A_730 = arith.constant 0 : i32
      %dma_start3A_731 = tpu.memref_slice %arg12[%dma_start3A_729, %dma_start3A_730] : memref<8x128xi32, #tpu.memory_space<vmem>> -> memref<1x128xi32, #tpu.memory_space<vmem>>
      %dma_start3A_732 = tpu.memref_squeeze %dma_start3A_731 : memref<1x128xi32, #tpu.memory_space<vmem>> -> memref<128xi32, #tpu.memory_space<vmem>>
      %dma_start3A_733 = arith.constant 0 : i32
      %dma_start3A_734 = arith.constant 0 : i32
      %dma_start3A_735 = tpu.memref_slice %arg7[%dma_start3A_733, %dma_start3A_734] : memref<10240x128xf32, #tpu.memory_space<vmem_shared>> -> memref<10240x128xf32, #tpu.memory_space<vmem_shared>>
      tpu.enqueue_indirect_dma source(%arg14 : memref<128x128xf32, #tpu.memory_space<vmem>>) target(%dma_start3A_735 : memref<10240x128xf32, #tpu.memory_space<vmem_shared>>) offsets(%dma_start3A_732 : memref<128xi32, #tpu.memory_space<vmem>>) semaphore(%arg22 : memref<!tpu.dma_semaphore, #tpu.memory_space<semaphore_mem>>) {add = true}
      %dma_start3A_736 = arith.constant 7 : i32
      %dma_start3A_737 = arith.constant 0 : i32
      %dma_start3A_738 = tpu.memref_slice %arg12[%dma_start3A_736, %dma_start3A_737] : memref<8x128xi32, #tpu.memory_space<vmem>> -> memref<1x128xi32, #tpu.memory_space<vmem>>
      %dma_start3A_739 = tpu.memref_squeeze %dma_start3A_738 : memref<1x128xi32, #tpu.memory_space<vmem>> -> memref<128xi32, #tpu.memory_space<vmem>>
      %dma_start3A_740 = arith.constant 0 : i32
      %dma_start3A_741 = tpu.memref_slice %arg8[%dma_start3A_740] : memref<10240xf32, #tpu.memory_space<vmem_shared>> -> memref<10240xf32, #tpu.memory_space<vmem_shared>>
      tpu.enqueue_indirect_dma source(%arg16 : memref<128xf32, #tpu.memory_space<vmem>>) target(%dma_start3A_741 : memref<10240xf32, #tpu.memory_space<vmem_shared>>) offsets(%dma_start3A_739 : memref<128xi32, #tpu.memory_space<vmem>>) semaphore(%arg22 : memref<!tpu.dma_semaphore, #tpu.memory_space<semaphore_mem>>) {add = true}
      %dma_wait3A_742 = arith.constant 7 : i32
      %dma_wait3A_743 = arith.constant 0 : i32
      %dma_wait3A_744 = tpu.memref_slice %arg12[%dma_wait3A_742, %dma_wait3A_743] : memref<8x128xi32, #tpu.memory_space<vmem>> -> memref<1x128xi32, #tpu.memory_space<vmem>>
      %dma_wait3A_745 = tpu.memref_squeeze %dma_wait3A_744 : memref<1x128xi32, #tpu.memory_space<vmem>> -> memref<128xi32, #tpu.memory_space<vmem>>
      %dma_wait3A_746 = arith.constant 0 : i32
      %dma_wait3A_747 = arith.constant 0 : i32
      %dma_wait3A_748 = tpu.memref_slice %arg7[%dma_wait3A_746, %dma_wait3A_747] : memref<10240x128xf32, #tpu.memory_space<vmem_shared>> -> memref<10240x128xf32, #tpu.memory_space<vmem_shared>>
      tpu.wait_indirect_dma semaphore(%arg22 : memref<!tpu.dma_semaphore, #tpu.memory_space<semaphore_mem>>) src(%arg14 : memref<128x128xf32, #tpu.memory_space<vmem>>) dst(%dma_wait3A_748 : memref<10240x128xf32, #tpu.memory_space<vmem_shared>>)
      %dma_wait3A_749 = arith.constant 7 : i32
      %dma_wait3A_750 = arith.constant 0 : i32
      %dma_wait3A_751 = tpu.memref_slice %arg12[%dma_wait3A_749, %dma_wait3A_750] : memref<8x128xi32, #tpu.memory_space<vmem>> -> memref<1x128xi32, #tpu.memory_space<vmem>>
      %dma_wait3A_752 = tpu.memref_squeeze %dma_wait3A_751 : memref<1x128xi32, #tpu.memory_space<vmem>> -> memref<128xi32, #tpu.memory_space<vmem>>
      %dma_wait3A_753 = arith.constant 0 : i32
      %dma_wait3A_754 = tpu.memref_slice %arg8[%dma_wait3A_753] : memref<10240xf32, #tpu.memory_space<vmem_shared>> -> memref<10240xf32, #tpu.memory_space<vmem_shared>>
      tpu.wait_indirect_dma semaphore(%arg22 : memref<!tpu.dma_semaphore, #tpu.memory_space<semaphore_mem>>) src(%arg16 : memref<128xf32, #tpu.memory_space<vmem>>) dst(%dma_wait3A_754 : memref<10240xf32, #tpu.memory_space<vmem_shared>>)
      %lt3A_755 = arith.constant 18 : i32
      %lt3A_756 = arith.cmpi slt, %add3A_436, %lt3A_755 : i32
      %convert_element_type3A_757 = arith.extui %lt3A_756 : i1 to i32
      %cond3A_758 = arith.constant 0 : i32
      %cond3A_759 = arith.cmpi ne, %convert_element_type3A_757, %cond3A_758 : i32
      scf.if %cond3A_759 {
        %add3A_760 = arith.constant 2 : i32
        %add3A_761 = arith.addi %add3A_436, %add3A_760 : i32
        %dma_start3A_762 = arith.constant 0 : i32
        %dma_start3A_763 = arith.constant 0 : i32
        %dma_start3A_764 = tpu.memref_slice %arg3[%arg0, %arg1, %add3A_761, %dma_start3A_762, %dma_start3A_763] : memref<2x16x20x8x128xi32, #tpu.memory_space<hbm>> -> memref<1x1x1x8x128xi32, #tpu.memory_space<hbm>>
        %dma_start3A_765 = tpu.memref_squeeze %dma_start3A_764 : memref<1x1x1x8x128xi32, #tpu.memory_space<hbm>> -> memref<8x128xi32, #tpu.memory_space<hbm>>
        %dma_start3A_766 = arith.constant 0 : i32
        %dma_start3A_767 = arith.constant 0 : i32
        %dma_start3A_768 = tpu.memref_slice %arg3[%arg0, %arg1, %add3A_761, %dma_start3A_766, %dma_start3A_767] : memref<2x16x20x8x128xi32, #tpu.memory_space<hbm>> -> memref<1x1x1x8x128xi32, #tpu.memory_space<hbm>>
        %dma_start3A_769 = tpu.memref_squeeze %dma_start3A_768 : memref<1x1x1x8x128xi32, #tpu.memory_space<hbm>> -> memref<8x128xi32, #tpu.memory_space<hbm>>
        tpu.enqueue_dma source(%dma_start3A_769 : memref<8x128xi32, #tpu.memory_space<hbm>>) target(%arg11 : memref<8x128xi32, #tpu.memory_space<vmem>>) target_semaphore(%arg19 : memref<!tpu.dma_semaphore, #tpu.memory_space<semaphore_mem>>)
        %add3A_770 = arith.constant 2 : i32
        %add3A_771 = arith.addi %add3A_436, %add3A_770 : i32
        %dma_start3A_772 = arith.constant 0 : i32
        %dma_start3A_773 = arith.constant 0 : i32
        %dma_start3A_774 = tpu.memref_slice %arg4[%arg0, %arg1, %add3A_771, %dma_start3A_772, %dma_start3A_773] : memref<2x16x20x8x128xi32, #tpu.memory_space<hbm>> -> memref<1x1x1x8x128xi32, #tpu.memory_space<hbm>>
        %dma_start3A_775 = tpu.memref_squeeze %dma_start3A_774 : memref<1x1x1x8x128xi32, #tpu.memory_space<hbm>> -> memref<8x128xi32, #tpu.memory_space<hbm>>
        %dma_start3A_776 = arith.constant 0 : i32
        %dma_start3A_777 = arith.constant 0 : i32
        %dma_start3A_778 = tpu.memref_slice %arg4[%arg0, %arg1, %add3A_771, %dma_start3A_776, %dma_start3A_777] : memref<2x16x20x8x128xi32, #tpu.memory_space<hbm>> -> memref<1x1x1x8x128xi32, #tpu.memory_space<hbm>>
        %dma_start3A_779 = tpu.memref_squeeze %dma_start3A_778 : memref<1x1x1x8x128xi32, #tpu.memory_space<hbm>> -> memref<8x128xi32, #tpu.memory_space<hbm>>
        tpu.enqueue_dma source(%dma_start3A_779 : memref<8x128xi32, #tpu.memory_space<hbm>>) target(%arg12 : memref<8x128xi32, #tpu.memory_space<vmem>>) target_semaphore(%arg20 : memref<!tpu.dma_semaphore, #tpu.memory_space<semaphore_mem>>)
      } else {
      }
    }
    %scan3A_63 = arith.constant 10 : i32
    %barrier3A_64 = arith.constant 0 : index
    tpu.barrier barrier_id(%barrier3A_64)
    %mul3A_65 = arith.constant 640 : i32
    %mul3A_66 = arith.muli %arg1, %mul3A_65 : i32
    %add3A_67 = arith.constant 0 : i32
    %add3A_68 = arith.addi %mul3A_66, %add3A_67 : i32
    "tpu.region"() ({
      %run_scoped3A_109 = tpu.sem_alloc : memref<!tpu.dma_semaphore, #tpu.memory_space<semaphore_mem>>
      %dma_start3A_110 = arith.constant 0 : i32
      %dma_start3A_111 = tpu.memref_slice %arg7[%add3A_68, %dma_start3A_110] : memref<10240x128xf32, #tpu.memory_space<vmem_shared>> -> memref<128x128xf32, #tpu.memory_space<vmem_shared>>
      %dma_start3A_112 = arith.constant 0 : i32
      %dma_start3A_113 = tpu.memref_slice %arg7[%add3A_68, %dma_start3A_112] : memref<10240x128xf32, #tpu.memory_space<vmem_shared>> -> memref<128x128xf32, #tpu.memory_space<vmem_shared>>
      tpu.enqueue_dma source(%dma_start3A_113 : memref<128x128xf32, #tpu.memory_space<vmem_shared>>) target(%arg13 : memref<128x128xf32, #tpu.memory_space<vmem>>) target_semaphore(%run_scoped3A_109 : memref<!tpu.dma_semaphore, #tpu.memory_space<semaphore_mem>>)
      %dma_wait3A = arith.constant 0 : i32
      %dma_wait3A_114 = tpu.memref_slice %arg7[%add3A_68, %dma_wait3A] : memref<10240x128xf32, #tpu.memory_space<vmem_shared>> -> memref<128x128xf32, #tpu.memory_space<vmem_shared>>
      %dma_wait3A_115 = arith.constant 0 : i32
      %dma_wait3A_116 = tpu.memref_slice %arg7[%add3A_68, %dma_wait3A_115] : memref<10240x128xf32, #tpu.memory_space<vmem_shared>> -> memref<128x128xf32, #tpu.memory_space<vmem_shared>>
      tpu.wait_dma2 semaphore(%run_scoped3A_109 : memref<!tpu.dma_semaphore, #tpu.memory_space<semaphore_mem>>) src(%dma_wait3A_116 : memref<128x128xf32, #tpu.memory_space<vmem_shared>>) dst(%arg13 : memref<128x128xf32, #tpu.memory_space<vmem>>)
      tpu.yield
    }) : () -> ()
    %mul3A_69 = arith.constant 640 : i32
    %mul3A_70 = arith.muli %arg1, %mul3A_69 : i32
    %add3A_71 = arith.constant 0 : i32
    %add3A_72 = arith.addi %mul3A_70, %add3A_71 : i32
    "tpu.region"() ({
      %run_scoped3A_109 = tpu.sem_alloc : memref<!tpu.dma_semaphore, #tpu.memory_space<semaphore_mem>>
      %dma_start3A_110 = arith.constant 0 : i32
      %dma_start3A_111 = tpu.memref_slice %arg5[%arg0, %add3A_72, %dma_start3A_110] : memref<2x10240x128xf32, #tpu.memory_space<hbm>> -> memref<1x128x128xf32, #tpu.memory_space<hbm>>
      %dma_start3A_112 = tpu.memref_squeeze %dma_start3A_111 : memref<1x128x128xf32, #tpu.memory_space<hbm>> -> memref<128x128xf32, #tpu.memory_space<hbm>>
      %dma_start3A_113 = arith.constant 0 : i32
      %dma_start3A_114 = tpu.memref_slice %arg5[%arg0, %add3A_72, %dma_start3A_113] : memref<2x10240x128xf32, #tpu.memory_space<hbm>> -> memref<1x128x128xf32, #tpu.memory_space<hbm>>
      %dma_start3A_115 = tpu.memref_squeeze %dma_start3A_114 : memref<1x128x128xf32, #tpu.memory_space<hbm>> -> memref<128x128xf32, #tpu.memory_space<hbm>>
      tpu.enqueue_dma source(%arg13 : memref<128x128xf32, #tpu.memory_space<vmem>>) target(%dma_start3A_115 : memref<128x128xf32, #tpu.memory_space<hbm>>) target_semaphore(%run_scoped3A_109 : memref<!tpu.dma_semaphore, #tpu.memory_space<semaphore_mem>>)
      %dma_wait3A = arith.constant 0 : i32
      %dma_wait3A_116 = tpu.memref_slice %arg5[%arg0, %add3A_72, %dma_wait3A] : memref<2x10240x128xf32, #tpu.memory_space<hbm>> -> memref<1x128x128xf32, #tpu.memory_space<hbm>>
      %dma_wait3A_117 = tpu.memref_squeeze %dma_wait3A_116 : memref<1x128x128xf32, #tpu.memory_space<hbm>> -> memref<128x128xf32, #tpu.memory_space<hbm>>
      %dma_wait3A_118 = arith.constant 0 : i32
      %dma_wait3A_119 = tpu.memref_slice %arg5[%arg0, %add3A_72, %dma_wait3A_118] : memref<2x10240x128xf32, #tpu.memory_space<hbm>> -> memref<1x128x128xf32, #tpu.memory_space<hbm>>
      %dma_wait3A_120 = tpu.memref_squeeze %dma_wait3A_119 : memref<1x128x128xf32, #tpu.memory_space<hbm>> -> memref<128x128xf32, #tpu.memory_space<hbm>>
      tpu.wait_dma2 semaphore(%run_scoped3A_109 : memref<!tpu.dma_semaphore, #tpu.memory_space<semaphore_mem>>) src(%arg13 : memref<128x128xf32, #tpu.memory_space<vmem>>) dst(%dma_wait3A_120 : memref<128x128xf32, #tpu.memory_space<hbm>>)
      tpu.yield
    }) : () -> ()
    %mul3A_73 = arith.constant 640 : i32
    %mul3A_74 = arith.muli %arg1, %mul3A_73 : i32
    %add3A_75 = arith.constant 128 : i32
    %add3A_76 = arith.addi %mul3A_74, %add3A_75 : i32
    "tpu.region"() ({
      %run_scoped3A_109 = tpu.sem_alloc : memref<!tpu.dma_semaphore, #tpu.memory_space<semaphore_mem>>
      %dma_start3A_110 = arith.constant 0 : i32
      %dma_start3A_111 = tpu.memref_slice %arg7[%add3A_76, %dma_start3A_110] : memref<10240x128xf32, #tpu.memory_space<vmem_shared>> -> memref<128x128xf32, #tpu.memory_space<vmem_shared>>
      %dma_start3A_112 = arith.constant 0 : i32
      %dma_start3A_113 = tpu.memref_slice %arg7[%add3A_76, %dma_start3A_112] : memref<10240x128xf32, #tpu.memory_space<vmem_shared>> -> memref<128x128xf32, #tpu.memory_space<vmem_shared>>
      tpu.enqueue_dma source(%dma_start3A_113 : memref<128x128xf32, #tpu.memory_space<vmem_shared>>) target(%arg13 : memref<128x128xf32, #tpu.memory_space<vmem>>) target_semaphore(%run_scoped3A_109 : memref<!tpu.dma_semaphore, #tpu.memory_space<semaphore_mem>>)
      %dma_wait3A = arith.constant 0 : i32
      %dma_wait3A_114 = tpu.memref_slice %arg7[%add3A_76, %dma_wait3A] : memref<10240x128xf32, #tpu.memory_space<vmem_shared>> -> memref<128x128xf32, #tpu.memory_space<vmem_shared>>
      %dma_wait3A_115 = arith.constant 0 : i32
      %dma_wait3A_116 = tpu.memref_slice %arg7[%add3A_76, %dma_wait3A_115] : memref<10240x128xf32, #tpu.memory_space<vmem_shared>> -> memref<128x128xf32, #tpu.memory_space<vmem_shared>>
      tpu.wait_dma2 semaphore(%run_scoped3A_109 : memref<!tpu.dma_semaphore, #tpu.memory_space<semaphore_mem>>) src(%dma_wait3A_116 : memref<128x128xf32, #tpu.memory_space<vmem_shared>>) dst(%arg13 : memref<128x128xf32, #tpu.memory_space<vmem>>)
      tpu.yield
    }) : () -> ()
    %mul3A_77 = arith.constant 640 : i32
    %mul3A_78 = arith.muli %arg1, %mul3A_77 : i32
    %add3A_79 = arith.constant 128 : i32
    %add3A_80 = arith.addi %mul3A_78, %add3A_79 : i32
    "tpu.region"() ({
      %run_scoped3A_109 = tpu.sem_alloc : memref<!tpu.dma_semaphore, #tpu.memory_space<semaphore_mem>>
      %dma_start3A_110 = arith.constant 0 : i32
      %dma_start3A_111 = tpu.memref_slice %arg5[%arg0, %add3A_80, %dma_start3A_110] : memref<2x10240x128xf32, #tpu.memory_space<hbm>> -> memref<1x128x128xf32, #tpu.memory_space<hbm>>
      %dma_start3A_112 = tpu.memref_squeeze %dma_start3A_111 : memref<1x128x128xf32, #tpu.memory_space<hbm>> -> memref<128x128xf32, #tpu.memory_space<hbm>>
      %dma_start3A_113 = arith.constant 0 : i32
      %dma_start3A_114 = tpu.memref_slice %arg5[%arg0, %add3A_80, %dma_start3A_113] : memref<2x10240x128xf32, #tpu.memory_space<hbm>> -> memref<1x128x128xf32, #tpu.memory_space<hbm>>
      %dma_start3A_115 = tpu.memref_squeeze %dma_start3A_114 : memref<1x128x128xf32, #tpu.memory_space<hbm>> -> memref<128x128xf32, #tpu.memory_space<hbm>>
      tpu.enqueue_dma source(%arg13 : memref<128x128xf32, #tpu.memory_space<vmem>>) target(%dma_start3A_115 : memref<128x128xf32, #tpu.memory_space<hbm>>) target_semaphore(%run_scoped3A_109 : memref<!tpu.dma_semaphore, #tpu.memory_space<semaphore_mem>>)
      %dma_wait3A = arith.constant 0 : i32
      %dma_wait3A_116 = tpu.memref_slice %arg5[%arg0, %add3A_80, %dma_wait3A] : memref<2x10240x128xf32, #tpu.memory_space<hbm>> -> memref<1x128x128xf32, #tpu.memory_space<hbm>>
      %dma_wait3A_117 = tpu.memref_squeeze %dma_wait3A_116 : memref<1x128x128xf32, #tpu.memory_space<hbm>> -> memref<128x128xf32, #tpu.memory_space<hbm>>
      %dma_wait3A_118 = arith.constant 0 : i32
      %dma_wait3A_119 = tpu.memref_slice %arg5[%arg0, %add3A_80, %dma_wait3A_118] : memref<2x10240x128xf32, #tpu.memory_space<hbm>> -> memref<1x128x128xf32, #tpu.memory_space<hbm>>
      %dma_wait3A_120 = tpu.memref_squeeze %dma_wait3A_119 : memref<1x128x128xf32, #tpu.memory_space<hbm>> -> memref<128x128xf32, #tpu.memory_space<hbm>>
      tpu.wait_dma2 semaphore(%run_scoped3A_109 : memref<!tpu.dma_semaphore, #tpu.memory_space<semaphore_mem>>) src(%arg13 : memref<128x128xf32, #tpu.memory_space<vmem>>) dst(%dma_wait3A_120 : memref<128x128xf32, #tpu.memory_space<hbm>>)
      tpu.yield
    }) : () -> ()
    %mul3A_81 = arith.constant 640 : i32
    %mul3A_82 = arith.muli %arg1, %mul3A_81 : i32
    %add3A_83 = arith.constant 256 : i32
    %add3A_84 = arith.addi %mul3A_82, %add3A_83 : i32
    "tpu.region"() ({
      %run_scoped3A_109 = tpu.sem_alloc : memref<!tpu.dma_semaphore, #tpu.memory_space<semaphore_mem>>
      %dma_start3A_110 = arith.constant 0 : i32
      %dma_start3A_111 = tpu.memref_slice %arg7[%add3A_84, %dma_start3A_110] : memref<10240x128xf32, #tpu.memory_space<vmem_shared>> -> memref<128x128xf32, #tpu.memory_space<vmem_shared>>
      %dma_start3A_112 = arith.constant 0 : i32
      %dma_start3A_113 = tpu.memref_slice %arg7[%add3A_84, %dma_start3A_112] : memref<10240x128xf32, #tpu.memory_space<vmem_shared>> -> memref<128x128xf32, #tpu.memory_space<vmem_shared>>
      tpu.enqueue_dma source(%dma_start3A_113 : memref<128x128xf32, #tpu.memory_space<vmem_shared>>) target(%arg13 : memref<128x128xf32, #tpu.memory_space<vmem>>) target_semaphore(%run_scoped3A_109 : memref<!tpu.dma_semaphore, #tpu.memory_space<semaphore_mem>>)
      %dma_wait3A = arith.constant 0 : i32
      %dma_wait3A_114 = tpu.memref_slice %arg7[%add3A_84, %dma_wait3A] : memref<10240x128xf32, #tpu.memory_space<vmem_shared>> -> memref<128x128xf32, #tpu.memory_space<vmem_shared>>
      %dma_wait3A_115 = arith.constant 0 : i32
      %dma_wait3A_116 = tpu.memref_slice %arg7[%add3A_84, %dma_wait3A_115] : memref<10240x128xf32, #tpu.memory_space<vmem_shared>> -> memref<128x128xf32, #tpu.memory_space<vmem_shared>>
      tpu.wait_dma2 semaphore(%run_scoped3A_109 : memref<!tpu.dma_semaphore, #tpu.memory_space<semaphore_mem>>) src(%dma_wait3A_116 : memref<128x128xf32, #tpu.memory_space<vmem_shared>>) dst(%arg13 : memref<128x128xf32, #tpu.memory_space<vmem>>)
      tpu.yield
    }) : () -> ()
    %mul3A_85 = arith.constant 640 : i32
    %mul3A_86 = arith.muli %arg1, %mul3A_85 : i32
    %add3A_87 = arith.constant 256 : i32
    %add3A_88 = arith.addi %mul3A_86, %add3A_87 : i32
    "tpu.region"() ({
      %run_scoped3A_109 = tpu.sem_alloc : memref<!tpu.dma_semaphore, #tpu.memory_space<semaphore_mem>>
      %dma_start3A_110 = arith.constant 0 : i32
      %dma_start3A_111 = tpu.memref_slice %arg5[%arg0, %add3A_88, %dma_start3A_110] : memref<2x10240x128xf32, #tpu.memory_space<hbm>> -> memref<1x128x128xf32, #tpu.memory_space<hbm>>
      %dma_start3A_112 = tpu.memref_squeeze %dma_start3A_111 : memref<1x128x128xf32, #tpu.memory_space<hbm>> -> memref<128x128xf32, #tpu.memory_space<hbm>>
      %dma_start3A_113 = arith.constant 0 : i32
      %dma_start3A_114 = tpu.memref_slice %arg5[%arg0, %add3A_88, %dma_start3A_113] : memref<2x10240x128xf32, #tpu.memory_space<hbm>> -> memref<1x128x128xf32, #tpu.memory_space<hbm>>
      %dma_start3A_115 = tpu.memref_squeeze %dma_start3A_114 : memref<1x128x128xf32, #tpu.memory_space<hbm>> -> memref<128x128xf32, #tpu.memory_space<hbm>>
      tpu.enqueue_dma source(%arg13 : memref<128x128xf32, #tpu.memory_space<vmem>>) target(%dma_start3A_115 : memref<128x128xf32, #tpu.memory_space<hbm>>) target_semaphore(%run_scoped3A_109 : memref<!tpu.dma_semaphore, #tpu.memory_space<semaphore_mem>>)
      %dma_wait3A = arith.constant 0 : i32
      %dma_wait3A_116 = tpu.memref_slice %arg5[%arg0, %add3A_88, %dma_wait3A] : memref<2x10240x128xf32, #tpu.memory_space<hbm>> -> memref<1x128x128xf32, #tpu.memory_space<hbm>>
      %dma_wait3A_117 = tpu.memref_squeeze %dma_wait3A_116 : memref<1x128x128xf32, #tpu.memory_space<hbm>> -> memref<128x128xf32, #tpu.memory_space<hbm>>
      %dma_wait3A_118 = arith.constant 0 : i32
      %dma_wait3A_119 = tpu.memref_slice %arg5[%arg0, %add3A_88, %dma_wait3A_118] : memref<2x10240x128xf32, #tpu.memory_space<hbm>> -> memref<1x128x128xf32, #tpu.memory_space<hbm>>
      %dma_wait3A_120 = tpu.memref_squeeze %dma_wait3A_119 : memref<1x128x128xf32, #tpu.memory_space<hbm>> -> memref<128x128xf32, #tpu.memory_space<hbm>>
      tpu.wait_dma2 semaphore(%run_scoped3A_109 : memref<!tpu.dma_semaphore, #tpu.memory_space<semaphore_mem>>) src(%arg13 : memref<128x128xf32, #tpu.memory_space<vmem>>) dst(%dma_wait3A_120 : memref<128x128xf32, #tpu.memory_space<hbm>>)
      tpu.yield
    }) : () -> ()
    %mul3A_89 = arith.constant 640 : i32
    %mul3A_90 = arith.muli %arg1, %mul3A_89 : i32
    %add3A_91 = arith.constant 384 : i32
    %add3A_92 = arith.addi %mul3A_90, %add3A_91 : i32
    "tpu.region"() ({
      %run_scoped3A_109 = tpu.sem_alloc : memref<!tpu.dma_semaphore, #tpu.memory_space<semaphore_mem>>
      %dma_start3A_110 = arith.constant 0 : i32
      %dma_start3A_111 = tpu.memref_slice %arg7[%add3A_92, %dma_start3A_110] : memref<10240x128xf32, #tpu.memory_space<vmem_shared>> -> memref<128x128xf32, #tpu.memory_space<vmem_shared>>
      %dma_start3A_112 = arith.constant 0 : i32
      %dma_start3A_113 = tpu.memref_slice %arg7[%add3A_92, %dma_start3A_112] : memref<10240x128xf32, #tpu.memory_space<vmem_shared>> -> memref<128x128xf32, #tpu.memory_space<vmem_shared>>
      tpu.enqueue_dma source(%dma_start3A_113 : memref<128x128xf32, #tpu.memory_space<vmem_shared>>) target(%arg13 : memref<128x128xf32, #tpu.memory_space<vmem>>) target_semaphore(%run_scoped3A_109 : memref<!tpu.dma_semaphore, #tpu.memory_space<semaphore_mem>>)
      %dma_wait3A = arith.constant 0 : i32
      %dma_wait3A_114 = tpu.memref_slice %arg7[%add3A_92, %dma_wait3A] : memref<10240x128xf32, #tpu.memory_space<vmem_shared>> -> memref<128x128xf32, #tpu.memory_space<vmem_shared>>
      %dma_wait3A_115 = arith.constant 0 : i32
      %dma_wait3A_116 = tpu.memref_slice %arg7[%add3A_92, %dma_wait3A_115] : memref<10240x128xf32, #tpu.memory_space<vmem_shared>> -> memref<128x128xf32, #tpu.memory_space<vmem_shared>>
      tpu.wait_dma2 semaphore(%run_scoped3A_109 : memref<!tpu.dma_semaphore, #tpu.memory_space<semaphore_mem>>) src(%dma_wait3A_116 : memref<128x128xf32, #tpu.memory_space<vmem_shared>>) dst(%arg13 : memref<128x128xf32, #tpu.memory_space<vmem>>)
      tpu.yield
    }) : () -> ()
    %mul3A_93 = arith.constant 640 : i32
    %mul3A_94 = arith.muli %arg1, %mul3A_93 : i32
    %add3A_95 = arith.constant 384 : i32
    %add3A_96 = arith.addi %mul3A_94, %add3A_95 : i32
    "tpu.region"() ({
      %run_scoped3A_109 = tpu.sem_alloc : memref<!tpu.dma_semaphore, #tpu.memory_space<semaphore_mem>>
      %dma_start3A_110 = arith.constant 0 : i32
      %dma_start3A_111 = tpu.memref_slice %arg5[%arg0, %add3A_96, %dma_start3A_110] : memref<2x10240x128xf32, #tpu.memory_space<hbm>> -> memref<1x128x128xf32, #tpu.memory_space<hbm>>
      %dma_start3A_112 = tpu.memref_squeeze %dma_start3A_111 : memref<1x128x128xf32, #tpu.memory_space<hbm>> -> memref<128x128xf32, #tpu.memory_space<hbm>>
      %dma_start3A_113 = arith.constant 0 : i32
      %dma_start3A_114 = tpu.memref_slice %arg5[%arg0, %add3A_96, %dma_start3A_113] : memref<2x10240x128xf32, #tpu.memory_space<hbm>> -> memref<1x128x128xf32, #tpu.memory_space<hbm>>
      %dma_start3A_115 = tpu.memref_squeeze %dma_start3A_114 : memref<1x128x128xf32, #tpu.memory_space<hbm>> -> memref<128x128xf32, #tpu.memory_space<hbm>>
      tpu.enqueue_dma source(%arg13 : memref<128x128xf32, #tpu.memory_space<vmem>>) target(%dma_start3A_115 : memref<128x128xf32, #tpu.memory_space<hbm>>) target_semaphore(%run_scoped3A_109 : memref<!tpu.dma_semaphore, #tpu.memory_space<semaphore_mem>>)
      %dma_wait3A = arith.constant 0 : i32
      %dma_wait3A_116 = tpu.memref_slice %arg5[%arg0, %add3A_96, %dma_wait3A] : memref<2x10240x128xf32, #tpu.memory_space<hbm>> -> memref<1x128x128xf32, #tpu.memory_space<hbm>>
      %dma_wait3A_117 = tpu.memref_squeeze %dma_wait3A_116 : memref<1x128x128xf32, #tpu.memory_space<hbm>> -> memref<128x128xf32, #tpu.memory_space<hbm>>
      %dma_wait3A_118 = arith.constant 0 : i32
      %dma_wait3A_119 = tpu.memref_slice %arg5[%arg0, %add3A_96, %dma_wait3A_118] : memref<2x10240x128xf32, #tpu.memory_space<hbm>> -> memref<1x128x128xf32, #tpu.memory_space<hbm>>
      %dma_wait3A_120 = tpu.memref_squeeze %dma_wait3A_119 : memref<1x128x128xf32, #tpu.memory_space<hbm>> -> memref<128x128xf32, #tpu.memory_space<hbm>>
      tpu.wait_dma2 semaphore(%run_scoped3A_109 : memref<!tpu.dma_semaphore, #tpu.memory_space<semaphore_mem>>) src(%arg13 : memref<128x128xf32, #tpu.memory_space<vmem>>) dst(%dma_wait3A_120 : memref<128x128xf32, #tpu.memory_space<hbm>>)
      tpu.yield
    }) : () -> ()
    %mul3A_97 = arith.constant 640 : i32
    %mul3A_98 = arith.muli %arg1, %mul3A_97 : i32
    %add3A_99 = arith.constant 512 : i32
    %add3A_100 = arith.addi %mul3A_98, %add3A_99 : i32
    "tpu.region"() ({
      %run_scoped3A_109 = tpu.sem_alloc : memref<!tpu.dma_semaphore, #tpu.memory_space<semaphore_mem>>
      %dma_start3A_110 = arith.constant 0 : i32
      %dma_start3A_111 = tpu.memref_slice %arg7[%add3A_100, %dma_start3A_110] : memref<10240x128xf32, #tpu.memory_space<vmem_shared>> -> memref<128x128xf32, #tpu.memory_space<vmem_shared>>
      %dma_start3A_112 = arith.constant 0 : i32
      %dma_start3A_113 = tpu.memref_slice %arg7[%add3A_100, %dma_start3A_112] : memref<10240x128xf32, #tpu.memory_space<vmem_shared>> -> memref<128x128xf32, #tpu.memory_space<vmem_shared>>
      tpu.enqueue_dma source(%dma_start3A_113 : memref<128x128xf32, #tpu.memory_space<vmem_shared>>) target(%arg13 : memref<128x128xf32, #tpu.memory_space<vmem>>) target_semaphore(%run_scoped3A_109 : memref<!tpu.dma_semaphore, #tpu.memory_space<semaphore_mem>>)
      %dma_wait3A = arith.constant 0 : i32
      %dma_wait3A_114 = tpu.memref_slice %arg7[%add3A_100, %dma_wait3A] : memref<10240x128xf32, #tpu.memory_space<vmem_shared>> -> memref<128x128xf32, #tpu.memory_space<vmem_shared>>
      %dma_wait3A_115 = arith.constant 0 : i32
      %dma_wait3A_116 = tpu.memref_slice %arg7[%add3A_100, %dma_wait3A_115] : memref<10240x128xf32, #tpu.memory_space<vmem_shared>> -> memref<128x128xf32, #tpu.memory_space<vmem_shared>>
      tpu.wait_dma2 semaphore(%run_scoped3A_109 : memref<!tpu.dma_semaphore, #tpu.memory_space<semaphore_mem>>) src(%dma_wait3A_116 : memref<128x128xf32, #tpu.memory_space<vmem_shared>>) dst(%arg13 : memref<128x128xf32, #tpu.memory_space<vmem>>)
      tpu.yield
    }) : () -> ()
    %mul3A_101 = arith.constant 640 : i32
    %mul3A_102 = arith.muli %arg1, %mul3A_101 : i32
    %add3A_103 = arith.constant 512 : i32
    %add3A_104 = arith.addi %mul3A_102, %add3A_103 : i32
    "tpu.region"() ({
      %run_scoped3A_109 = tpu.sem_alloc : memref<!tpu.dma_semaphore, #tpu.memory_space<semaphore_mem>>
      %dma_start3A_110 = arith.constant 0 : i32
      %dma_start3A_111 = tpu.memref_slice %arg5[%arg0, %add3A_104, %dma_start3A_110] : memref<2x10240x128xf32, #tpu.memory_space<hbm>> -> memref<1x128x128xf32, #tpu.memory_space<hbm>>
      %dma_start3A_112 = tpu.memref_squeeze %dma_start3A_111 : memref<1x128x128xf32, #tpu.memory_space<hbm>> -> memref<128x128xf32, #tpu.memory_space<hbm>>
      %dma_start3A_113 = arith.constant 0 : i32
      %dma_start3A_114 = tpu.memref_slice %arg5[%arg0, %add3A_104, %dma_start3A_113] : memref<2x10240x128xf32, #tpu.memory_space<hbm>> -> memref<1x128x128xf32, #tpu.memory_space<hbm>>
      %dma_start3A_115 = tpu.memref_squeeze %dma_start3A_114 : memref<1x128x128xf32, #tpu.memory_space<hbm>> -> memref<128x128xf32, #tpu.memory_space<hbm>>
      tpu.enqueue_dma source(%arg13 : memref<128x128xf32, #tpu.memory_space<vmem>>) target(%dma_start3A_115 : memref<128x128xf32, #tpu.memory_space<hbm>>) target_semaphore(%run_scoped3A_109 : memref<!tpu.dma_semaphore, #tpu.memory_space<semaphore_mem>>)
      %dma_wait3A = arith.constant 0 : i32
      %dma_wait3A_116 = tpu.memref_slice %arg5[%arg0, %add3A_104, %dma_wait3A] : memref<2x10240x128xf32, #tpu.memory_space<hbm>> -> memref<1x128x128xf32, #tpu.memory_space<hbm>>
      %dma_wait3A_117 = tpu.memref_squeeze %dma_wait3A_116 : memref<1x128x128xf32, #tpu.memory_space<hbm>> -> memref<128x128xf32, #tpu.memory_space<hbm>>
      %dma_wait3A_118 = arith.constant 0 : i32
      %dma_wait3A_119 = tpu.memref_slice %arg5[%arg0, %add3A_104, %dma_wait3A_118] : memref<2x10240x128xf32, #tpu.memory_space<hbm>> -> memref<1x128x128xf32, #tpu.memory_space<hbm>>
      %dma_wait3A_120 = tpu.memref_squeeze %dma_wait3A_119 : memref<1x128x128xf32, #tpu.memory_space<hbm>> -> memref<128x128xf32, #tpu.memory_space<hbm>>
      tpu.wait_dma2 semaphore(%run_scoped3A_109 : memref<!tpu.dma_semaphore, #tpu.memory_space<semaphore_mem>>) src(%arg13 : memref<128x128xf32, #tpu.memory_space<vmem>>) dst(%dma_wait3A_120 : memref<128x128xf32, #tpu.memory_space<hbm>>)
      tpu.yield
    }) : () -> ()
    %mul3A_105 = arith.constant 640 : i32
    %mul3A_106 = arith.muli %arg1, %mul3A_105 : i32
    "tpu.region"() ({
      %run_scoped3A_109 = tpu.sem_alloc : memref<!tpu.dma_semaphore, #tpu.memory_space<semaphore_mem>>
      %dma_start3A_110 = tpu.memref_slice %arg8[%mul3A_106] : memref<10240xf32, #tpu.memory_space<vmem_shared>> -> memref<640xf32, #tpu.memory_space<vmem_shared>>
      %dma_start3A_111 = tpu.memref_slice %arg8[%mul3A_106] : memref<10240xf32, #tpu.memory_space<vmem_shared>> -> memref<640xf32, #tpu.memory_space<vmem_shared>>
      tpu.enqueue_dma source(%dma_start3A_111 : memref<640xf32, #tpu.memory_space<vmem_shared>>) target(%arg15 : memref<640xf32, #tpu.memory_space<vmem>>) target_semaphore(%run_scoped3A_109 : memref<!tpu.dma_semaphore, #tpu.memory_space<semaphore_mem>>)
      %dma_wait3A = tpu.memref_slice %arg8[%mul3A_106] : memref<10240xf32, #tpu.memory_space<vmem_shared>> -> memref<640xf32, #tpu.memory_space<vmem_shared>>
      %dma_wait3A_112 = tpu.memref_slice %arg8[%mul3A_106] : memref<10240xf32, #tpu.memory_space<vmem_shared>> -> memref<640xf32, #tpu.memory_space<vmem_shared>>
      tpu.wait_dma2 semaphore(%run_scoped3A_109 : memref<!tpu.dma_semaphore, #tpu.memory_space<semaphore_mem>>) src(%dma_wait3A_112 : memref<640xf32, #tpu.memory_space<vmem_shared>>) dst(%arg15 : memref<640xf32, #tpu.memory_space<vmem>>)
      tpu.yield
    }) : () -> ()
    %mul3A_107 = arith.constant 640 : i32
    %mul3A_108 = arith.muli %arg1, %mul3A_107 : i32
    "tpu.region"() ({
      %run_scoped3A_109 = tpu.sem_alloc : memref<!tpu.dma_semaphore, #tpu.memory_space<semaphore_mem>>
      %dma_start3A_110 = tpu.memref_slice %arg6[%arg0, %mul3A_108] : memref<2x10240xf32, #tpu.memory_space<hbm>> -> memref<1x640xf32, #tpu.memory_space<hbm>>
      %dma_start3A_111 = tpu.memref_squeeze %dma_start3A_110 : memref<1x640xf32, #tpu.memory_space<hbm>> -> memref<640xf32, #tpu.memory_space<hbm>>
      %dma_start3A_112 = tpu.memref_slice %arg6[%arg0, %mul3A_108] : memref<2x10240xf32, #tpu.memory_space<hbm>> -> memref<1x640xf32, #tpu.memory_space<hbm>>
      %dma_start3A_113 = tpu.memref_squeeze %dma_start3A_112 : memref<1x640xf32, #tpu.memory_space<hbm>> -> memref<640xf32, #tpu.memory_space<hbm>>
      tpu.enqueue_dma source(%arg15 : memref<640xf32, #tpu.memory_space<vmem>>) target(%dma_start3A_113 : memref<640xf32, #tpu.memory_space<hbm>>) target_semaphore(%run_scoped3A_109 : memref<!tpu.dma_semaphore, #tpu.memory_space<semaphore_mem>>)
      %dma_wait3A = tpu.memref_slice %arg6[%arg0, %mul3A_108] : memref<2x10240xf32, #tpu.memory_space<hbm>> -> memref<1x640xf32, #tpu.memory_space<hbm>>
      %dma_wait3A_114 = tpu.memref_squeeze %dma_wait3A : memref<1x640xf32, #tpu.memory_space<hbm>> -> memref<640xf32, #tpu.memory_space<hbm>>
      %dma_wait3A_115 = tpu.memref_slice %arg6[%arg0, %mul3A_108] : memref<2x10240xf32, #tpu.memory_space<hbm>> -> memref<1x640xf32, #tpu.memory_space<hbm>>
      %dma_wait3A_116 = tpu.memref_squeeze %dma_wait3A_115 : memref<1x640xf32, #tpu.memory_space<hbm>> -> memref<640xf32, #tpu.memory_space<hbm>>
      tpu.wait_dma2 semaphore(%run_scoped3A_109 : memref<!tpu.dma_semaphore, #tpu.memory_space<semaphore_mem>>) src(%arg15 : memref<640xf32, #tpu.memory_space<vmem>>) dst(%dma_wait3A_116 : memref<640xf32, #tpu.memory_space<hbm>>)
      tpu.yield
    }) : () -> ()
    return
  }
}

module attributes {stable_mosaic.version = 14 : i64} {
  func.func @_mm_body(%arg0: i32, %arg1: i32, %arg2: memref<1x2048x128xf32, #tpu.memory_space<vmem>>, %arg3: memref<1x128x128xf32, #tpu.memory_space<vmem>>, %arg4: memref<1x128x128xf32, #tpu.memory_space<vmem>>, %arg5: memref<1x1x128xf32, #tpu.memory_space<vmem>>, %arg6: memref<1x2048x128xf32, #tpu.memory_space<vmem>>, %arg7: memref<1x2048x128xf32, #tpu.memory_space<vmem>>) attributes {dimension_semantics = [#tpu.dimension_semantics<arbitrary>, #tpu.dimension_semantics<arbitrary>], iteration_bounds = array<i64: 2, 5>, scalar_prefetch = 0 : i64, scratch_operands = 0 : i64, tpu.core_type = #tpu.core_type<tc>, window_params = [{transform_indices = @transform_0, window_bounds = array<i64: 1, 2048, 128>}, {transform_indices = @transform_1, window_bounds = array<i64: 1, 128, 128>}, {transform_indices = @transform_2, window_bounds = array<i64: 1, 128, 128>}, {transform_indices = @transform_3, window_bounds = array<i64: 1, 1, 128>}, {transform_indices = @transform_4, window_bounds = array<i64: 1, 2048, 128>}, {transform_indices = @transform_5, window_bounds = array<i64: 1, 2048, 128>}]} {
    %get3A = arith.constant 0 : index
    %get3A_0 = arith.constant 0 : index
    %get3A_1 = arith.constant 0 : index
    %get3A_2 = vector.load %arg2[%get3A, %get3A_0, %get3A_1] : memref<1x2048x128xf32, #tpu.memory_space<vmem>>, vector<1x2048x128xf32>
    %get3A_3 = vector.shape_cast %get3A_2 : vector<1x2048x128xf32> to vector<2048x128xf32>
    %get3A_4 = arith.constant 0 : index
    %get3A_5 = arith.constant 0 : index
    %get3A_6 = arith.constant 0 : index
    %get3A_7 = vector.load %arg3[%get3A_4, %get3A_5, %get3A_6] : memref<1x128x128xf32, #tpu.memory_space<vmem>>, vector<1x128x128xf32>
    %get3A_8 = vector.shape_cast %get3A_7 : vector<1x128x128xf32> to vector<128x128xf32>
    %dot_general3A = arith.constant dense<0.000000e+00> : vector<2048x128xf32>
    %dot_general3A_9 = tpu.matmul %get3A_3, %get3A_8, %dot_general3A {dimension_numbers = #tpu.dot_dimension_numbers<[1], [0], [0], [1], [0, 0, 1, 1], [], []>, transpose_lhs_hint = false} : vector<2048x128xf32>, vector<128x128xf32>, vector<2048x128xf32> -> vector<2048x128xf32>
    %swap3A = arith.constant 0 : index
    %swap3A_10 = arith.constant 0 : index
    %swap3A_11 = arith.constant 0 : index
    %swap3A_12 = vector.load %arg6[%swap3A, %swap3A_10, %swap3A_11] : memref<1x2048x128xf32, #tpu.memory_space<vmem>>, vector<1x2048x128xf32>
    %swap3A_13 = vector.shape_cast %swap3A_12 : vector<1x2048x128xf32> to vector<2048x128xf32>
    %swap3A_14 = vector.shape_cast %dot_general3A_9 : vector<2048x128xf32> to vector<1x2048x128xf32>
    tpu.vector_store %arg6[%swap3A, %swap3A_10, %swap3A_11], %swap3A_14 {strides = array<i32>} : memref<1x2048x128xf32, #tpu.memory_space<vmem>>, vector<1x2048x128xf32>,
    %get3A_15 = arith.constant 0 : index
    %get3A_16 = arith.constant 0 : index
    %get3A_17 = arith.constant 0 : index
    %get3A_18 = vector.load %arg4[%get3A_15, %get3A_16, %get3A_17] : memref<1x128x128xf32, #tpu.memory_space<vmem>>, vector<1x128x128xf32>
    %get3A_19 = vector.shape_cast %get3A_18 : vector<1x128x128xf32> to vector<128x128xf32>
    %dot_general3A_20 = arith.constant dense<0.000000e+00> : vector<2048x128xf32>
    %dot_general3A_21 = tpu.matmul %get3A_3, %get3A_19, %dot_general3A_20 {dimension_numbers = #tpu.dot_dimension_numbers<[1], [0], [0], [1], [0, 0, 1, 1], [], []>, transpose_lhs_hint = false} : vector<2048x128xf32>, vector<128x128xf32>, vector<2048x128xf32> -> vector<2048x128xf32>
    %get3A_22 = arith.constant 0 : index
    %get3A_23 = arith.constant 0 : index
    %get3A_24 = arith.constant 0 : index
    %get3A_25 = vector.load %arg5[%get3A_22, %get3A_23, %get3A_24] : memref<1x1x128xf32, #tpu.memory_space<vmem>>, vector<1x1x128xf32>
    %get3A_26 = vector.shape_cast %get3A_25 : vector<1x1x128xf32> to vector<1x128xf32>
    %add3A = vector.broadcast %get3A_26 : vector<1x128xf32> to vector<2048x128xf32>
    %add3A_27 = arith.addf %dot_general3A_21, %add3A : vector<2048x128xf32>
    %swap3A_28 = arith.constant 0 : index
    %swap3A_29 = arith.constant 0 : index
    %swap3A_30 = arith.constant 0 : index
    %swap3A_31 = vector.load %arg7[%swap3A_28, %swap3A_29, %swap3A_30] : memref<1x2048x128xf32, #tpu.memory_space<vmem>>, vector<1x2048x128xf32>
    %swap3A_32 = vector.shape_cast %swap3A_31 : vector<1x2048x128xf32> to vector<2048x128xf32>
    %swap3A_33 = vector.shape_cast %add3A_27 : vector<2048x128xf32> to vector<1x2048x128xf32>
    tpu.vector_store %arg7[%swap3A_28, %swap3A_29, %swap3A_30], %swap3A_33 {strides = array<i32>} : memref<1x2048x128xf32, #tpu.memory_space<vmem>>, vector<1x2048x128xf32>,
    return
  }
  func.func @transform_0(%arg0: i32, %arg1: i32) -> (i32, i32, i32) {
    %c0_i32 = arith.constant 0 : i32
    %c0_i32_0 = arith.constant 0 : i32
    return %arg0, %arg1, %c0_i32 : i32, i32, i32
  }
  func.func @transform_1(%arg0: i32, %arg1: i32) -> (i32, i32, i32) {
    %c0_i32 = arith.constant 0 : i32
    %c0_i32_0 = arith.constant 0 : i32
    %c0_i32_1 = arith.constant 0 : i32
    return %arg0, %c0_i32, %c0_i32_0 : i32, i32, i32
  }
  func.func @transform_2(%arg0: i32, %arg1: i32) -> (i32, i32, i32) {
    %c0_i32 = arith.constant 0 : i32
    %c0_i32_0 = arith.constant 0 : i32
    %c0_i32_1 = arith.constant 0 : i32
    return %arg0, %c0_i32, %c0_i32_0 : i32, i32, i32
  }
  func.func @transform_3(%arg0: i32, %arg1: i32) -> (i32, i32, i32) {
    %c0_i32 = arith.constant 0 : i32
    %c0_i32_0 = arith.constant 0 : i32
    %c0_i32_1 = arith.constant 0 : i32
    return %arg0, %c0_i32, %c0_i32_0 : i32, i32, i32
  }
  func.func @transform_4(%arg0: i32, %arg1: i32) -> (i32, i32, i32) {
    %c0_i32 = arith.constant 0 : i32
    %c0_i32_0 = arith.constant 0 : i32
    return %arg0, %arg1, %c0_i32 : i32, i32, i32
  }
  func.func @transform_5(%arg0: i32, %arg1: i32) -> (i32, i32, i32) {
    %c0_i32 = arith.constant 0 : i32
    %c0_i32_0 = arith.constant 0 : i32
    return %arg0, %arg1, %c0_i32 : i32, i32, i32
  }
}

module attributes {stable_mosaic.version = 14 : i64} {
  func.func @_post_body(%arg0: i32, %arg1: memref<1x1024x128xf32, #tpu.memory_space<vmem>>, %arg2: memref<1x1x1024xf32, #tpu.memory_space<vmem>>, %arg3: memref<1x1024x128xf32, #tpu.memory_space<vmem>>, %arg4: memref<128x128xf32, #tpu.memory_space<vmem>>, %arg5: memref<128xf32, #tpu.memory_space<vmem>>, %arg6: memref<1x128xf32, #tpu.memory_space<vmem>>, %arg7: memref<1000x128xf32, #tpu.memory_space<vmem>>, %arg8: memref<2x10240x128xf32, #tpu.memory_space<vmem>>, %arg9: memref<2xf32, #tpu.memory_space<smem>>) attributes {dimension_semantics = [#tpu.dimension_semantics<arbitrary>], iteration_bounds = array<i64: 30>, scalar_prefetch = 0 : i64, scratch_operands = 2 : i64, tpu.core_type = #tpu.core_type<tc>, window_params = [{transform_indices = @transform_0, window_bounds = array<i64: 1, 1024, 128>}, {transform_indices = @transform_1, window_bounds = array<i64: 1, 1, 1024>}, {transform_indices = @transform_2, window_bounds = array<i64: 1, 1024, 128>}, {pipeline_mode = #tpu.pipeline_mode<synchronous>, transform_indices = @transform_3, window_bounds = array<i64: 128, 128>}, {pipeline_mode = #tpu.pipeline_mode<synchronous>, transform_indices = @transform_4, window_bounds = array<i64: 128>}, {pipeline_mode = #tpu.pipeline_mode<synchronous>, transform_indices = @transform_5, window_bounds = array<i64: 1, 128>}, {transform_indices = @transform_6, window_bounds = array<i64: 1000, 128>}]} {
    %lt3A = arith.constant 20 : i32
    %lt3A_0 = arith.cmpi slt, %arg0, %lt3A : i32
    %convert_element_type3A = arith.extui %lt3A_0 : i1 to i32
    %cond3A = arith.constant 0 : i32
    %cond3A_1 = arith.cmpi ne, %convert_element_type3A, %cond3A : i32
    scf.if %cond3A_1 {
      %jit3A = arith.constant 10 : i32
      %eq3A = arith.constant 0 : i32
      %eq3A_6 = arith.cmpi eq, %jit3A, %eq3A : i32
      %jit3A_7 = arith.constant 1 : i32
      %select_n3A = arith.select %eq3A_6, %jit3A_7, %jit3A : i32
      %rem3A = arith.remsi %arg0, %select_n3A : i32
      %ne3A = arith.constant 0 : i32
      %ne3A_8 = arith.cmpi ne, %rem3A, %ne3A : i32
      %lt3A_9 = arith.constant 0 : i32
      %lt3A_10 = arith.cmpi slt, %rem3A, %lt3A_9 : i32
      %lt3A_11 = arith.constant 0 : i32
      %lt3A_12 = arith.cmpi slt, %select_n3A, %lt3A_11 : i32
      %ne3A_13 = arith.xori %lt3A_10, %lt3A_12 : i1
      %and3A = arith.andi %ne3A_13, %ne3A_8 : i1
      %add3A = arith.addi %rem3A, %select_n3A : i32
      %select_n3A_14 = arith.select %and3A, %add3A, %rem3A : i32
      %get3A = arith.constant 0 : index
      %get3A_15 = arith.constant 0 : index
      %get3A_16 = arith.constant 0 : index
      %get3A_17 = vector.load %arg2[%get3A, %get3A_15, %get3A_16] : memref<1x1x1024xf32, #tpu.memory_space<vmem>>, vector<1x1x1024xf32>
      %get3A_18 = vector.shape_cast %get3A_17 : vector<1x1x1024xf32> to vector<1x1024xf32>
      %transpose3A = tpu.transpose %get3A_18, [1, 0] : vector<1x1024xf32> -> vector<1024x1xf32>
      %max3A = arith.constant 1.000000e+00 : f32
      %max3A_19 = vector.broadcast %max3A : f32 to vector<1024x1xf32>
      %max3A_20 = arith.maximumf %transpose3A, %max3A_19 : vector<1024x1xf32>
      %get3A_21 = arith.constant 0 : index
      %get3A_22 = arith.constant 0 : index
      %get3A_23 = arith.constant 0 : index
      %get3A_24 = vector.load %arg1[%get3A_21, %get3A_22, %get3A_23] : memref<1x1024x128xf32, #tpu.memory_space<vmem>>, vector<1x1024x128xf32>
      %get3A_25 = vector.shape_cast %get3A_24 : vector<1x1024x128xf32> to vector<1024x128xf32>
      %div3A = vector.broadcast %max3A_20 : vector<1024x1xf32> to vector<1024x128xf32>
      %div3A_26 = arith.divf %get3A_25, %div3A : vector<1024x128xf32>
      %get3A_27 = arith.constant 0 : index
      %get3A_28 = arith.constant 0 : index
      %get3A_29 = arith.constant 0 : index
      %get3A_30 = vector.load %arg3[%get3A_27, %get3A_28, %get3A_29] : memref<1x1024x128xf32, #tpu.memory_space<vmem>>, vector<1x1024x128xf32>
      %get3A_31 = vector.shape_cast %get3A_30 : vector<1x1024x128xf32> to vector<1024x128xf32>
      %add3A_32 = arith.addf %div3A_26, %get3A_31 : vector<1024x128xf32>
      %max3A_33 = arith.constant 0.000000e+00 : f32
      %max3A_34 = vector.broadcast %max3A_33 : f32 to vector<1024x128xf32>
      %max3A_35 = arith.maximumf %add3A_32, %max3A_34 : vector<1024x128xf32>
      %get3A_36 = arith.constant 0 : index
      %get3A_37 = arith.constant 0 : index
      %get3A_38 = vector.load %arg4[%get3A_36, %get3A_37] : memref<128x128xf32, #tpu.memory_space<vmem>>, vector<128x128xf32>
      %dot_general3A = arith.constant dense<0.000000e+00> : vector<1024x128xf32>
      %dot_general3A_39 = tpu.matmul %max3A_35, %get3A_38, %dot_general3A {dimension_numbers = #tpu.dot_dimension_numbers<[1], [1], [0], [0], [0, 0, 1, 0], [], []>, transpose_lhs_hint = false} : vector<1024x128xf32>, vector<128x128xf32>, vector<1024x128xf32> -> vector<1024x128xf32>
      %get3A_40 = arith.constant 0 : index
      %get3A_41 = vector.load %arg5[%get3A_40] : memref<128xf32, #tpu.memory_space<vmem>>, vector<128xf32>
      %broadcast_in_dim3A = vector.shape_cast %get3A_41 : vector<128xf32> to vector<1x128xf32>
      %add3A_42 = vector.broadcast %broadcast_in_dim3A : vector<1x128xf32> to vector<1024x128xf32>
      %add3A_43 = arith.addf %dot_general3A_39, %add3A_42 : vector<1024x128xf32>
      %tanh3A = math.tanh %add3A_43 : vector<1024x128xf32>
      %mul3A = arith.constant 1024 : i32
      %mul3A_44 = arith.muli %select_n3A_14, %mul3A : i32
      %iota3A = tpu.iota {dimensions = array<i32: 0>} : vector<1024x1xi32>
      %add3A_45 = vector.broadcast %mul3A_44 : i32 to vector<1024x1xi32>
      %add3A_46 = arith.addi %add3A_45, %iota3A : vector<1024x1xi32>
      %lt3A_47 = arith.constant 10000 : i32
      %lt3A_48 = vector.broadcast %lt3A_47 : i32 to vector<1024x1xi32>
      %lt3A_49 = arith.cmpi slt, %add3A_46, %lt3A_48 : vector<1024x1xi32>
      %convert_element_type3A_50 = arith.extui %lt3A_49 : vector<1024x1xi1> to vector<1024x1xi32>
      %convert_element_type3A_51 = arith.sitofp %convert_element_type3A_50 : vector<1024x1xi32> to vector<1024x1xf32>
      %get3A_52 = arith.constant 0 : index
      %get3A_53 = arith.constant 0 : index
      %get3A_54 = vector.load %arg6[%get3A_52, %get3A_53] : memref<1x128xf32, #tpu.memory_space<vmem>>, vector<1x128xf32>
      %squeeze3A = vector.shape_cast %get3A_54 : vector<1x128xf32> to vector<128xf32>
      %broadcast_in_dim3A_55 = vector.shape_cast %squeeze3A : vector<128xf32> to vector<1x128xf32>
      %mul3A_56 = vector.broadcast %broadcast_in_dim3A_55 : vector<1x128xf32> to vector<1024x128xf32>
      %mul3A_57 = arith.mulf %tanh3A, %mul3A_56 : vector<1024x128xf32>
      %mul3A_58 = vector.broadcast %convert_element_type3A_51 : vector<1024x1xf32> to vector<1024x128xf32>
      %mul3A_59 = arith.mulf %mul3A_57, %mul3A_58 : vector<1024x128xf32>
      %reduce_sum3A = vector.shape_cast %mul3A_59 : vector<1024x128xf32> to vector<1x1024x128xf32>
      %reduce_sum3A_60 = arith.constant dense<0.000000e+00> : vector<1xf32>
      %reduce_sum3A_61 = vector.multi_reduction <add>, %reduce_sum3A, %reduce_sum3A_60 [1, 2] : vector<1x1024x128xf32> to vector<1xf32>
      %reduce_sum3A_62 = vector.shape_cast %reduce_sum3A_61 : vector<1xf32> to vector<1x1x1xf32>
      %reduce_sum3A_63 = vector.extract %reduce_sum3A_62[0, 0, 0] : f32 from vector<1x1x1xf32>
      %mul3A_64 = arith.constant 1024 : i32
      %mul3A_65 = arith.muli %select_n3A_14, %mul3A_64 : i32
      %multiple_of3A = tpu.assume_multiple %mul3A_65, 1024 : i32
      %lt3A_66 = arith.constant 10 : i32
      %lt3A_67 = arith.cmpi slt, %arg0, %lt3A_66 : i32
      %convert_element_type3A_68 = arith.extui %lt3A_67 : i1 to i32
      %cond3A_69 = arith.constant 0 : i32
      %cond3A_70 = arith.cmpi ne, %convert_element_type3A_68, %cond3A_69 : i32
      scf.if %cond3A_70 {
        %swap3A = arith.constant 0 : index
        %swap3A_76 = arith.index_cast %multiple_of3A : i32 to index
        %swap3A_77 = arith.constant 0 : index
        %swap3A_78 = vector.load %arg8[%swap3A, %swap3A_76, %swap3A_77] : memref<2x10240x128xf32, #tpu.memory_space<vmem>>, vector<1x1024x128xf32>
        %swap3A_79 = vector.shape_cast %swap3A_78 : vector<1x1024x128xf32> to vector<1024x128xf32>
        %swap3A_80 = vector.shape_cast %max3A_35 : vector<1024x128xf32> to vector<1x1024x128xf32>
        tpu.vector_store %arg8[%swap3A, %swap3A_76, %swap3A_77], %swap3A_80 {strides = array<i32>} : memref<2x10240x128xf32, #tpu.memory_space<vmem>>, vector<1x1024x128xf32>,
        %eq3A_81 = arith.constant 0 : i32
        %eq3A_82 = arith.cmpi eq, %select_n3A_14, %eq3A_81 : i32
        %get3A_83 = arith.constant 0 : index
        %get3A_84 = memref.load %arg9[%get3A_83] : memref<2xf32, #tpu.memory_space<smem>>
        %jit3A_85 = arith.constant 0.000000e+00 : f32
        %select_n3A_86 = arith.select %eq3A_82, %jit3A_85, %get3A_84 : f32
        %add3A_87 = arith.addf %select_n3A_86, %reduce_sum3A_63 : f32
        %swap3A_88 = arith.constant 0 : index
        %swap3A_89 = memref.load %arg9[%swap3A_88] : memref<2xf32, #tpu.memory_space<smem>>
        memref.store %add3A_87, %arg9[%swap3A_88] : memref<2xf32, #tpu.memory_space<smem>>
      } else {
      }
      %ge3A_71 = arith.constant 10 : i32
      %ge3A_72 = arith.cmpi sge, %arg0, %ge3A_71 : i32
      %convert_element_type3A_73 = arith.extui %ge3A_72 : i1 to i32
      %cond3A_74 = arith.constant 0 : i32
      %cond3A_75 = arith.cmpi ne, %convert_element_type3A_73, %cond3A_74 : i32
      scf.if %cond3A_75 {
        %swap3A = arith.constant 1 : index
        %swap3A_76 = arith.index_cast %multiple_of3A : i32 to index
        %swap3A_77 = arith.constant 0 : index
        %swap3A_78 = vector.load %arg8[%swap3A, %swap3A_76, %swap3A_77] : memref<2x10240x128xf32, #tpu.memory_space<vmem>>, vector<1x1024x128xf32>
        %swap3A_79 = vector.shape_cast %swap3A_78 : vector<1x1024x128xf32> to vector<1024x128xf32>
        %swap3A_80 = vector.shape_cast %max3A_35 : vector<1024x128xf32> to vector<1x1024x128xf32>
        tpu.vector_store %arg8[%swap3A, %swap3A_76, %swap3A_77], %swap3A_80 {strides = array<i32>} : memref<2x10240x128xf32, #tpu.memory_space<vmem>>, vector<1x1024x128xf32>,
        %eq3A_81 = arith.constant 0 : i32
        %eq3A_82 = arith.cmpi eq, %select_n3A_14, %eq3A_81 : i32
        %get3A_83 = arith.constant 1 : index
        %get3A_84 = memref.load %arg9[%get3A_83] : memref<2xf32, #tpu.memory_space<smem>>
        %jit3A_85 = arith.constant 0.000000e+00 : f32
        %select_n3A_86 = arith.select %eq3A_82, %jit3A_85, %get3A_84 : f32
        %add3A_87 = arith.addf %select_n3A_86, %reduce_sum3A_63 : f32
        %swap3A_88 = arith.constant 1 : index
        %swap3A_89 = memref.load %arg9[%swap3A_88] : memref<2xf32, #tpu.memory_space<smem>>
        memref.store %add3A_87, %arg9[%swap3A_88] : memref<2xf32, #tpu.memory_space<smem>>
      } else {
      }
    } else {
    }
    %ge3A = arith.constant 20 : i32
    %ge3A_2 = arith.cmpi sge, %arg0, %ge3A : i32
    %convert_element_type3A_3 = arith.extui %ge3A_2 : i1 to i32
    %cond3A_4 = arith.constant 0 : i32
    %cond3A_5 = arith.cmpi ne, %convert_element_type3A_3, %cond3A_4 : i32
    scf.if %cond3A_5 {
      %sub3A = arith.constant 20 : i32
      %sub3A_6 = arith.subi %arg0, %sub3A : i32
      %mul3A = arith.constant 1000 : i32
      %mul3A_7 = arith.muli %sub3A_6, %mul3A : i32
      %multiple_of3A = tpu.assume_multiple %mul3A_7, 1000 : i32
      %get3A = arith.constant 0 : index
      %get3A_8 = memref.load %arg9[%get3A] : memref<2xf32, #tpu.memory_space<smem>>
      %div3A = arith.constant 1.000000e+04 : f32
      %div3A_9 = arith.divf %get3A_8, %div3A : f32
      %get3A_10 = arith.constant 1 : index
      %get3A_11 = memref.load %arg9[%get3A_10] : memref<2xf32, #tpu.memory_space<smem>>
      %div3A_12 = arith.constant 1.000000e+04 : f32
      %div3A_13 = arith.divf %get3A_11, %div3A_12 : f32
      %max3A = arith.maximumf %div3A_9, %div3A_13 : f32
      %sub3A_14 = arith.subf %div3A_9, %max3A : f32
      %exp3A = math.exp %sub3A_14 : f32
      %sub3A_15 = arith.subf %div3A_13, %max3A : f32
      %exp3A_16 = math.exp %sub3A_15 : f32
      %add3A = arith.addf %exp3A, %exp3A_16 : f32
      %div3A_17 = arith.divf %exp3A, %add3A : f32
      %get3A_18 = arith.constant 0 : index
      %get3A_19 = arith.index_cast %multiple_of3A : i32 to index
      %get3A_20 = arith.constant 0 : index
      %get3A_21 = vector.load %arg8[%get3A_18, %get3A_19, %get3A_20] : memref<2x10240x128xf32, #tpu.memory_space<vmem>>, vector<1x1000x128xf32>
      %get3A_22 = vector.shape_cast %get3A_21 : vector<1x1000x128xf32> to vector<1000x128xf32>
      %mul3A_23 = vector.broadcast %div3A_17 : f32 to vector<1000x128xf32>
      %mul3A_24 = arith.mulf %mul3A_23, %get3A_22 : vector<1000x128xf32>
      %sub3A_25 = arith.constant 1.000000e+00 : f32
      %sub3A_26 = arith.subf %sub3A_25, %div3A_17 : f32
      %get3A_27 = arith.constant 1 : index
      %get3A_28 = arith.index_cast %multiple_of3A : i32 to index
      %get3A_29 = arith.constant 0 : index
      %get3A_30 = vector.load %arg8[%get3A_27, %get3A_28, %get3A_29] : memref<2x10240x128xf32, #tpu.memory_space<vmem>>, vector<1x1000x128xf32>
      %get3A_31 = vector.shape_cast %get3A_30 : vector<1x1000x128xf32> to vector<1000x128xf32>
      %mul3A_32 = vector.broadcast %sub3A_26 : f32 to vector<1000x128xf32>
      %mul3A_33 = arith.mulf %mul3A_32, %get3A_31 : vector<1000x128xf32>
      %add3A_34 = arith.addf %mul3A_24, %mul3A_33 : vector<1000x128xf32>
      %swap3A = arith.constant 0 : index
      %swap3A_35 = arith.constant 0 : index
      %swap3A_36 = vector.load %arg7[%swap3A, %swap3A_35] : memref<1000x128xf32, #tpu.memory_space<vmem>>, vector<1000x128xf32>
      tpu.vector_store %arg7[%swap3A, %swap3A_35], %add3A_34 {strides = array<i32>} : memref<1000x128xf32, #tpu.memory_space<vmem>>, vector<1000x128xf32>,
    } else {
    }
    return
  }
  func.func @transform_0(%arg0: i32) -> (i32, i32, i32) {
    %lt3A = arith.constant 20 : i32
    %lt3A_0 = arith.cmpi slt, %arg0, %lt3A : i32
    %jit3A = arith.constant 10 : i32
    %div3A = arith.divsi %arg0, %jit3A : i32
    %sign3A = arith.constant 0 : i32
    %sign3A_1 = arith.cmpi sgt, %arg0, %sign3A : i32
    %sign3A_2 = arith.extui %sign3A_1 : i1 to i32
    %sign3A_3 = arith.constant 0 : i32
    %sign3A_4 = arith.cmpi slt, %arg0, %sign3A_3 : i32
    %sign3A_5 = arith.extui %sign3A_4 : i1 to i32
    %sign3A_6 = arith.subi %sign3A_2, %sign3A_5 : i32
    %sign3A_7 = arith.constant 0 : i32
    %sign3A_8 = arith.cmpi sgt, %jit3A, %sign3A_7 : i32
    %sign3A_9 = arith.extui %sign3A_8 : i1 to i32
    %sign3A_10 = arith.constant 0 : i32
    %sign3A_11 = arith.cmpi slt, %jit3A, %sign3A_10 : i32
    %sign3A_12 = arith.extui %sign3A_11 : i1 to i32
    %sign3A_13 = arith.subi %sign3A_9, %sign3A_12 : i32
    %ne3A = arith.cmpi ne, %sign3A_6, %sign3A_13 : i32
    %rem3A = arith.remsi %arg0, %jit3A : i32
    %ne3A_14 = arith.constant 0 : i32
    %ne3A_15 = arith.cmpi ne, %rem3A, %ne3A_14 : i32
    %and3A = arith.andi %ne3A, %ne3A_15 : i1
    %sub3A = arith.constant 1 : i32
    %sub3A_16 = arith.subi %div3A, %sub3A : i32
    %select_n3A = arith.select %and3A, %sub3A_16, %div3A : i32
    %jit3A_17 = arith.constant 0 : i32
    %select_n3A_18 = arith.select %lt3A_0, %select_n3A, %jit3A_17 : i32
    %lt3A_19 = arith.constant 20 : i32
    %lt3A_20 = arith.cmpi slt, %arg0, %lt3A_19 : i32
    %jit3A_21 = arith.constant 10 : i32
    %eq3A = arith.constant 0 : i32
    %eq3A_22 = arith.cmpi eq, %jit3A_21, %eq3A : i32
    %jit3A_23 = arith.constant 1 : i32
    %select_n3A_24 = arith.select %eq3A_22, %jit3A_23, %jit3A_21 : i32
    %rem3A_25 = arith.remsi %arg0, %select_n3A_24 : i32
    %ne3A_26 = arith.constant 0 : i32
    %ne3A_27 = arith.cmpi ne, %rem3A_25, %ne3A_26 : i32
    %lt3A_28 = arith.constant 0 : i32
    %lt3A_29 = arith.cmpi slt, %rem3A_25, %lt3A_28 : i32
    %lt3A_30 = arith.constant 0 : i32
    %lt3A_31 = arith.cmpi slt, %select_n3A_24, %lt3A_30 : i32
    %ne3A_32 = arith.xori %lt3A_29, %lt3A_31 : i1
    %and3A_33 = arith.andi %ne3A_32, %ne3A_27 : i1
    %add3A = arith.addi %rem3A_25, %select_n3A_24 : i32
    %select_n3A_34 = arith.select %and3A_33, %add3A, %rem3A_25 : i32
    %jit3A_35 = arith.constant 0 : i32
    %select_n3A_36 = arith.select %lt3A_20, %select_n3A_34, %jit3A_35 : i32
    %c0_i32 = arith.constant 0 : i32
    %c0_i32_37 = arith.constant 0 : i32
    return %select_n3A_18, %select_n3A_36, %c0_i32 : i32, i32, i32
  }
  func.func @transform_1(%arg0: i32) -> (i32, i32, i32) {
    %lt3A = arith.constant 20 : i32
    %lt3A_0 = arith.cmpi slt, %arg0, %lt3A : i32
    %jit3A = arith.constant 0 : i32
    %select_n3A = arith.select %lt3A_0, %arg0, %jit3A : i32
    %c0_i32 = arith.constant 0 : i32
    %c0_i32_1 = arith.constant 0 : i32
    %c0_i32_2 = arith.constant 0 : i32
    return %select_n3A, %c0_i32, %c0_i32_1 : i32, i32, i32
  }
  func.func @transform_2(%arg0: i32) -> (i32, i32, i32) {
    %lt3A = arith.constant 20 : i32
    %lt3A_0 = arith.cmpi slt, %arg0, %lt3A : i32
    %jit3A = arith.constant 10 : i32
    %div3A = arith.divsi %arg0, %jit3A : i32
    %sign3A = arith.constant 0 : i32
    %sign3A_1 = arith.cmpi sgt, %arg0, %sign3A : i32
    %sign3A_2 = arith.extui %sign3A_1 : i1 to i32
    %sign3A_3 = arith.constant 0 : i32
    %sign3A_4 = arith.cmpi slt, %arg0, %sign3A_3 : i32
    %sign3A_5 = arith.extui %sign3A_4 : i1 to i32
    %sign3A_6 = arith.subi %sign3A_2, %sign3A_5 : i32
    %sign3A_7 = arith.constant 0 : i32
    %sign3A_8 = arith.cmpi sgt, %jit3A, %sign3A_7 : i32
    %sign3A_9 = arith.extui %sign3A_8 : i1 to i32
    %sign3A_10 = arith.constant 0 : i32
    %sign3A_11 = arith.cmpi slt, %jit3A, %sign3A_10 : i32
    %sign3A_12 = arith.extui %sign3A_11 : i1 to i32
    %sign3A_13 = arith.subi %sign3A_9, %sign3A_12 : i32
    %ne3A = arith.cmpi ne, %sign3A_6, %sign3A_13 : i32
    %rem3A = arith.remsi %arg0, %jit3A : i32
    %ne3A_14 = arith.constant 0 : i32
    %ne3A_15 = arith.cmpi ne, %rem3A, %ne3A_14 : i32
    %and3A = arith.andi %ne3A, %ne3A_15 : i1
    %sub3A = arith.constant 1 : i32
    %sub3A_16 = arith.subi %div3A, %sub3A : i32
    %select_n3A = arith.select %and3A, %sub3A_16, %div3A : i32
    %jit3A_17 = arith.constant 0 : i32
    %select_n3A_18 = arith.select %lt3A_0, %select_n3A, %jit3A_17 : i32
    %lt3A_19 = arith.constant 20 : i32
    %lt3A_20 = arith.cmpi slt, %arg0, %lt3A_19 : i32
    %jit3A_21 = arith.constant 10 : i32
    %eq3A = arith.constant 0 : i32
    %eq3A_22 = arith.cmpi eq, %jit3A_21, %eq3A : i32
    %jit3A_23 = arith.constant 1 : i32
    %select_n3A_24 = arith.select %eq3A_22, %jit3A_23, %jit3A_21 : i32
    %rem3A_25 = arith.remsi %arg0, %select_n3A_24 : i32
    %ne3A_26 = arith.constant 0 : i32
    %ne3A_27 = arith.cmpi ne, %rem3A_25, %ne3A_26 : i32
    %lt3A_28 = arith.constant 0 : i32
    %lt3A_29 = arith.cmpi slt, %rem3A_25, %lt3A_28 : i32
    %lt3A_30 = arith.constant 0 : i32
    %lt3A_31 = arith.cmpi slt, %select_n3A_24, %lt3A_30 : i32
    %ne3A_32 = arith.xori %lt3A_29, %lt3A_31 : i1
    %and3A_33 = arith.andi %ne3A_32, %ne3A_27 : i1
    %add3A = arith.addi %rem3A_25, %select_n3A_24 : i32
    %select_n3A_34 = arith.select %and3A_33, %add3A, %rem3A_25 : i32
    %jit3A_35 = arith.constant 0 : i32
    %select_n3A_36 = arith.select %lt3A_20, %select_n3A_34, %jit3A_35 : i32
    %c0_i32 = arith.constant 0 : i32
    %c0_i32_37 = arith.constant 0 : i32
    return %select_n3A_18, %select_n3A_36, %c0_i32 : i32, i32, i32
  }
  func.func @transform_3(%arg0: i32) -> (i32, i32) {
    %c0_i32 = arith.constant 0 : i32
    %c0_i32_0 = arith.constant 0 : i32
    %c0_i32_1 = arith.constant 0 : i32
    return %c0_i32, %c0_i32_0 : i32, i32
  }
  func.func @transform_4(%arg0: i32) -> i32 {
    %c0_i32 = arith.constant 0 : i32
    %c0_i32_0 = arith.constant 0 : i32
    return %c0_i32 : i32
  }
  func.func @transform_5(%arg0: i32) -> (i32, i32) {
    %c0_i32 = arith.constant 0 : i32
    %c0_i32_0 = arith.constant 0 : i32
    %c0_i32_1 = arith.constant 0 : i32
    return %c0_i32, %c0_i32_0 : i32, i32
  }
  func.func @transform_6(%arg0: i32) -> (i32, i32) {
    %ge3A = arith.constant 20 : i32
    %ge3A_0 = arith.cmpi sge, %arg0, %ge3A : i32
    %sub3A = arith.constant 20 : i32
    %sub3A_1 = arith.subi %arg0, %sub3A : i32
    %jit3A = arith.constant 0 : i32
    %select_n3A = arith.select %ge3A_0, %sub3A_1, %jit3A : i32
    %c0_i32 = arith.constant 0 : i32
    %c0_i32_2 = arith.constant 0 : i32
    return %select_n3A, %c0_i32 : i32, i32
  }
}

</mosaic_0001>

<sc_bundles>
// kernel: kernel.6.cloned.1.call-start
scs
__scs_entry_jumppad:
0x0: {  	(pc) =	sbr.rel $0x88, $3  }
0x1: {  	(tag) =	ssettag $0x0;
	lr =	simm.s32 $0x1  }
0x2: {  	[smem:$0x3F93] =	sst lr;
	_ =	strace $0xD0000000  }
0x3: {  	_ = 	snop  }
0x4: {  	_ = 	snop  }
0x5: {  	_ = 	snop  }
0x6: {  	_ = 	snop  }
0x7: {  	_ = 	snop  }
__scs_overlays_trampoline_lowered:
0x8: {  	[smem:$0x3FA2] =	sst s0  }
0x9: {  	[smem:$0x3FA3] =	sst s1  }
0xa: {  	[smem:$0x3FA4] =	sst s2  }
0xb: {  	[smem:$0x3FA5] =	sst s3  }
0xc: {  	[smem:$0x3FA6] =	sst s4  }
0xd: {  	[smem:$0x3FA7] =	sst s5  }
0xe: {  	[smem:$0x3FA8] =	sst s6  }
0xf: {  	[smem:$0x3FA9] =	sst s7  }
0x10: {  	[smem:$0x3FAA] =	sst s8  }
0x11: {  	[smem:$0x3FAB] =	sst s9;
	s0 =	simm.s32 @!p0 $0x0  }
0x12: {  	s1 =	sld [smem:$0x3F91];
	s0 =	simm.s32 @p0 $0x1  }
0x13: {  	[smem:$0x3FAC] =	sst s0;
	s0 =	simm.s32 @!p1 $0x0  }
0x14: {  	s2 =	sld [smem:$0x3F90];
	s0 =	simm.s32 @p1 $0x1  }
0x15: {  	[smem:$0x3FAD] =	sst s0;
	s0 =	simm.s32 @!p2 $0x0  }
0x16: {  	s3 =	sld [smem:$0x3FDB];
	s0 =	simm.s32 @p2 $0x1  }
0x17: {  	s4 =	simm.s32 $0x1BF5;
	[smem:$0x3FAF] =	sst s0  }
0x18: {  	s0 =	sld [smem:$0x3F92];
	_ =	swait.ge [sflag:s4], $0x0  }
0x19: {  	s7 =	sld [smem:$0x3F93]  }
0x1a: {  	s8 =	sadd.s32 $0xFFFFE003, lr  }
0x1b: {  	s9 =	sadd.s32 $0xFFFFFEF7, lr;
	s5 =	simm.s32 $0xFFFFFFFF;
	p2 =	slt.u32 s8, $0xFFFFF086  }
0x1c: {  	p1 =	slt.u32 s9, $0xF7A;
	s5 =	simm.s32 @!p2 $0x0  }
0x1d: {  	s5 =	simm.s32 @p1 $0x1;
	p0 =	seq.s32 s7, s2  }
0x1e: {  	s7 =	smul.u32 @!p0 $0xF7A, s2;
	p2 =	seq.s32 @!p0 s5, $0x0  }
0x1f: {  	s9 =	smul.u32 $0xF7A, s1;
	s8 =	simm.s32 @!p0 $0x1BF5;
	p2 =	por !p2, p0  }
0x20: {  	[sflag:s8] =	ssyncset.s32 @!p0 $0xFFFFF086;
	s6 =	sadd.s32 @!p0 s3, s7;
	s7 =	simm.s32 @!p0 $0x108  }
0x21: {  	s3 =	sadd.s32 s3, s9;
	s6 =	sadd.s32 @!p0 $0x88, s6;
	s7 =	simm.s32 @p2 $0x1082  }
0x22: {  	[simem:s7], [sflag:s8] =	dma.local @!p0 [hbm:s6], $0xF7A  }
0x23: {  	s9 =	sor.u32 $0xD0000000, s2;
	s6 =	simm.s32 $0x108;
	_ =	swait.ge @!p0 [sflag:s8], $0x0  }
0x24: {  	s3 =	sadd.s32 $0x88, s3;
	s6 =	simm.s32 @!p1 $0x1082;
	[sflag:s4] =	ssyncset.s32 $0xFFFFF086  }
0x25: {  	[simem:s6], [sflag:s4] =	dma.local [hbm:s3], $0xF7A  }
0x26: {  	[smem:$0x3F93] =	sst s1;
	(tag) =	ssettag s2;
	_ =	strace s9  }
0x27: {  	s1 =	sld [smem:$0x3FA3]  }
0x28: {  	s2 =	sld [smem:$0x3FA4]  }
0x29: {  	s4 =	sld [smem:$0x3FA6]  }
0x2a: {  	p0 =	seq.s32 s5, $0x0;
	s5 =	sld [smem:$0x3FA7]  }
0x2b: {  	s6 =	sld [smem:$0x3FA8]  }
0x2c: {  	s7 =	sld [smem:$0x3FA9]  }
0x2d: {  	s3 =	simm.s32 $0x108;
	s8 =	sld [smem:$0x3FAA]  }
0x2e: {  	s3 =	simm.s32 @!p0 $0x1082;
	s9 =	sld [smem:$0x3FAB]  }
0x2f: {  	lr =	sadd.s32 s0, s3;
	s0 =	sld [smem:$0x3FA2]  }
0x30: {  	s3 =	sld [smem:$0x3FA5]  }
0x31: {  	[smem:$0x3FAE] =	sst s10  }
0x32: {  	s10 =	sld [smem:$0x3FAC];
	_ =	sdelay $0x3  }
0x33: {  	p0 =	seq.s32 s10, $0x1;
	s10 =	sld [smem:$0x3FAE];
	_ =	sdelay $0x3  }
0x34: {  	[smem:$0x3FAE] =	sst s10  }
0x35: {  	s10 =	sld [smem:$0x3FAD];
	_ =	sdelay $0x3  }
0x36: {  	p1 =	seq.s32 s10, $0x1;
	s10 =	sld [smem:$0x3FAE];
	_ =	sdelay $0x3  }
0x37: {  	[smem:$0x3FAE] =	sst s10  }
0x38: {  	s10 =	sld [smem:$0x3FAF]  }
0x39: {  	_ = 	snop;
	(pc) =	sbr.ind lr, $3  }
0x3a: {  	_ = 	snop  }
0x3b: {  	_ = 	snop  }
0x3c: {  	p2 =	seq.s32 s10, $0x1;
	s10 =	sld [smem:$0x3FAE]  }
0x3d: {  	_ =	shalt  }
0x3e: {  	_ =	shalt  }
0x3f: {  	_ =	shalt  }
0x40: {  	_ =	shalt  }
0x41: {  	_ =	shalt  }
0x42: {  	_ =	shalt  }
0x43: {  	_ =	shalt  }
0x44: {  	_ =	shalt  }
0x45: {  	_ =	shalt  }
0x46: {  	_ =	shalt  }
0x47: {  	_ =	shalt  }
0x48: {  	_ =	shalt  }
0x49: {  	_ =	shalt  }
0x4a: {  	_ =	shalt  }
0x4b: {  	_ =	shalt  }
0x4c: {  	_ =	shalt  }
0x4d: {  	_ =	shalt  }
0x4e: {  	_ =	shalt  }
0x4f: {  	_ =	shalt  }
0x50: {  	_ =	shalt  }
0x51: {  	_ =	shalt  }
0x52: {  	_ =	shalt  }
0x53: {  	_ =	shalt  }
0x54: {  	_ =	shalt  }
0x55: {  	_ =	shalt  }
0x56: {  	_ =	shalt  }
0x57: {  	_ =	shalt  }
0x58: {  	_ =	shalt  }
0x59: {  	_ =	shalt  }
0x5a: {  	_ =	shalt  }
0x5b: {  	_ =	shalt  }
0x5c: {  	_ =	shalt  }
0x5d: {  	_ =	shalt  }
0x5e: {  	_ =	shalt  }
0x5f: {  	_ =	shalt  }
0x60: {  	_ =	shalt  }
0x61: {  	_ =	shalt  }
0x62: {  	_ =	shalt  }
0x63: {  	_ =	shalt  }
0x64: {  	_ =	shalt  }
0x65: {  	_ =	shalt  }
0x66: {  	_ =	shalt  }
0x67: {  	_ =	shalt  }
0x68: {  	_ =	shalt  }
0x69: {  	_ =	shalt  }
0x6a: {  	_ =	shalt  }
0x6b: {  	_ =	shalt  }
0x6c: {  	_ =	shalt  }
0x6d: {  	_ =	shalt  }
0x6e: {  	_ =	shalt  }
0x6f: {  	_ =	shalt  }
0x70: {  	_ =	shalt  }
0x71: {  	_ =	shalt  }
0x72: {  	_ =	shalt  }
0x73: {  	_ =	shalt  }
0x74: {  	_ =	shalt  }
0x75: {  	_ =	shalt  }
0x76: {  	_ =	shalt  }
0x77: {  	_ =	shalt  }
0x78: {  	_ =	shalt  }
0x79: {  	_ =	shalt  }
0x7a: {  	_ =	shalt  }
0x7b: {  	_ =	shalt  }
0x7c: {  	_ =	shalt  }
0x7d: {  	_ =	shalt  }
0x7e: {  	_ =	shalt  }
0x7f: {  	_ =	shalt  }
0x80: {  	_ =	shalt  }
0x81: {  	_ =	shalt  }
0x82: {  	_ =	shalt  }
0x83: {  	_ =	shalt  }
0x84: {  	_ =	shalt  }
0x85: {  	_ =	shalt  }
0x86: {  	_ =	shalt  }
0x87: {  	_ =	shalt  }
.Lfunc_end0:
.L_simem_size_0:
called_computation_lowered:
.L_overlay_start_0:
0x88: {  	s2 =	sld [smem:$0x3FD9]  }
0x89: {  	s3 =	sld [smem:$0x3FFE];
	_ =	sdelay $0x1  }
0x8a: {  	s1 =	srdreg.scid  }
0x8b: {  	s0 =	sand.u32 $0x1, s1  }
0x8c: {  	s17 =	sshll.u32 s0, $0xA;
	s2 =	sadd.s32 s3, s2  }
0x8d: {  	s2 =	sadd.s32 s2, s17  }
0x8e: {  	[smem:$0x3FBA] =	sst s2  }
0x8f: {  	_ = 	snop  }
0x90: {  	s2 =	sld [smem:$0x3FC9];
	(tm) =	ssettm $0x1  }
0x91: {  	s18 =	sld [smem:$0x3FFB];
	_ =	sdelay $0x3  }
0x92: {  	_ =	strace s18  }
0x93: {  	s3 =	sld [smem:$0x3FFC];
	_ =	sdelay $0x3  }
0x94: {  	_ =	strace s3  }
0x95: {  	s3 =	sld [smem:$0x3FFD];
	_ =	sdelay $0x3  }
0x96: {  	_ =	strace s3  }
0x97: {  	_ =	strace $0x8FFFFFFF  }
0x98: {  	s19 =	sld [smem:$0x3FDB];
	_ =	sdelay $0x1  }
0x99: {  	s4 =	simm.s32 $_scs_section_size  }
0x9a: {  	s5 =	simm.s32 $_size__tile_overlayer_lowered;
	s6 =	simm.s32 $_tile_overlayer_lowered  }
0x9b: {  	s22 =	simm.s32 $0x1BFF;
	s21 =	sshll.u32 s6, $0x1;
	s3 =	sadd.s32 s4, s19  }
0x9c: {  	s7 =	simm.s32 $0x0;
	s20 =	sshll.u32 s5, $0x1;
	s5 =	sadd.s32 s21, s3  }
0x9d: {  	[timem:s7], [sflag:s22] =	dma.local [hbm:s5], s20  }
0x9e: {  	_ =	swait.ge [sflag:s22], s20  }
0x9f: {  	s4 =	ssub.s32 $0x0, s20;
	[sflag:s22] =	ssyncset.done $0x0  }
0xa0: {  	[sflag:s22] =	ssyncadd.s32 s4;
	_ =	sdelay $0x1  }
0xa1: {  	s23 =	simm.s32 $0x1B8B  }
0xa2: {  	_ =	swait.ge [sflag:s23], $0x1  }
0xa3: {  	[sflag:s23] =	ssyncset.done $0x0  }
0xa4: {  	s25 =	simm.s32 $0x1B8E;
	s24 =	sld [smem:$0x3FFE];
	[sflag:s23] =	ssyncadd.s32 $0xFFFFFFFF  }
0xa5: {  	s26 =	simm.s32 $execute0_lowered;
	[smem:$0x3FD2] =	sst s25  }
0xa6: {  	s5 =	sshll.u32 s26, $0x1;
	_ =	strace $0x80000046;
	[dreg:$0x1] =	wrdreg $0xFFFFFFFF  }
0xa7: {  	s28 =	simm.s32 $_size_execute0_lowered;
	s3 =	sadd.s32 s3, s5;
	[dreg:$0x0] =	wrdreg $0x0  }
0xa8: {  	s5 =	sshll.u32 s28, $0x1;
	[dreg:$0x2] =	wrdreg s3  }
0xa9: {  	[dreg:$0x3] =	wrdreg s5  }
0xaa: {  	[dreg:$0x4] =	wrdreg $0xC0  }
0xab: {  	_ =	task [dreg:s7], $0x5FFFF  }
0xac: {  	[dreg:$0x1] =	wrdreg $0xFFFFFFFF  }
0xad: {  	[dreg:$0x0] =	wrdreg $0x60  }
0xae: {  	[dreg:$0x2] =	wrdreg s2  }
0xaf: {  	[dreg:$0x3] =	wrdreg s24  }
0xb0: {  	[dreg:$0x4] =	wrdreg $0x9  }
0xb1: {  	_ =	task.clear_ibuf [dreg:s7], $0x5FFFF;
	_ =	strace $0x90000046  }
0xb2: {  	s29 =	simm.s32 $0x9;
	_ =	strace $0x80000048  }
0xb3: {  	_ =	swait.ge [sflag:s29], $0x1  }
0xb4: {  	[sflag:s29] =	ssyncadd.s32 $0xFFFFFFFF  }
0xb5: {  	_ =	strace $0x90000048  }
0xb6: {  	_ =	sfence  }
0xb7: {  	s30 =	sld [smem:$0x0];
	_ =	sdelay $0x2  }
0xb8: {  	s31 =	sshll.u32 s1, $0xD;
	s1 =	sshrl.u32 s1, $0x2  }
0xb9: {  	s3 =	sand.u32 $0x4000, s31;
	s1 =	sadd.s32 s1, s30  }
0xba: {  	s0 =	sor.u32 s3, s0;
	s1 =	sshll.u32 s1, $0x11  }
0xbb: {  	s0 =	sor.u32 s1, s0  }
0xbc: {  	s0 =	sadd.s32 $0x8F2B, s0  }
0xbd: {  	[sflag:s0] =	ssyncadd.remote.s32 $0x1  }
0xbe: {  	_ =	sfence.sel $0xFFFF  }
0xbf: {  	[dreg:$0x0] =	wrdreg $0xFFFFFFFF;
	(pc) =	sbr.abs _section_cstart, $3  }
0xc0: {  	[dreg:$0x1] =	wrdreg $0xFFFFFFFF  }
0xc1: {  	_ =	task.clear_ibuf [dreg:s7], $0x2FFFF;
	_ =	strace $0x9FFFFFFF  }
0xc2: {  	(tm) =	ssettm $0x7FFFFFFF  }
0xc3: {  	_ =	shalt  }
tec
execute0_lowered:
.L_overlay_start_1:
0x0: {  	(tag) =	ssettag $0x1  }
0x1: {  	s2 =	rddreg [dreg:$0x0]  }
0x2: {  	s9 =	rddreg [dreg:$0x1]  }
0x3: {  	s1 =	stileid.u32;
	s3 =	srdreg.scid  }
0x4: {  	s0 =	rddreg [dreg:$0x2];
	s4 =	sshll.u32 s1, $0x7;
	s18 =	sand.u32 $0x1, s3  }
0x5: {  	s3 =	simm.s32 $0x0;
	s4 =	sadd.s32 s4, s9;
	s5 =	sshll.u32 s18, $0xB  }
0x6: {  	[smem:$0x7FF] =	sst s3;
	s4 =	sadd.s32 s5, s4  }
0x7: {  	_ =	strace $0x80000047;
	s5 =	sadd.s32 $0x1A00, s4;
	s4 =	simm.s32 $0x3  }
0x8: {  	[tilespmem:s3], [sflag:$0x3] =	stream.linear.gather [hbm4b:s5+s3], $0x280, $0x38;
	[tilespmem:$0x8400] =	vst v63  }
0x9: {  	s6 =	simm.s32 $0x80;
	_ =	swait.ge [sflag:s4], $0x280  }
0xa: {  	s7 =	simm.s32 $0x400;
	s11 =	smul.u32 $0x14000, s1;
	[sflag:s4] =	ssyncset.done $0x0  }
0xb: {  	s8 =	simm.s32 $0x1;
	s10 =	smul.u32 $0x140000, s18;
	[sflag:s4] =	ssyncadd.s32 $0xFFFFFD80  }
0xc: {  	[tilespmem:s7], [sflag:$0x1] =	stream.indirect.gather [hbm4b:s2+s6], $0x80, s3, s6, $0xb8;
	[tilespmem:$0x8400] =	vst v63  }
0xd: {  	s10 =	sadd.s32 s11, s10;
	_ =	swait.ge [sflag:s8], $0x4000  }
0xe: {  	s10 =	sshrl.u32 s10, $0x3;
	[sflag:s8] =	ssyncset.done $0x0  }
0xf: {  	s19 =	sadd.s32 s10, s9;
	s9 =	simm.s32 $0x4400;
	[sflag:s8] =	ssyncadd.s32 $0xFFFFC000  }
0x10: {  	[tilespmem:s9], [sflag:$0x2] =	stream.indirect.gather [hbm4b:s2+s6], $0x80, s6, s6, $0xb8;
	[tilespmem:$0x8400] =	vst v63  }
0x11: {  	s10 =	sadd.s32 $0x2A00, s19  }
0x12: {  	[hbm4b:s10+s3] =	stream.linear.scatter [tilespmem:s7], [sflag:$0x3], $0x4000, $0x38;
	[tilespmem:$0x8400] =	vst v63  }
0x13: {  	_ =	swait.ge [sflag:s4], $0x4000  }
0x14: {  	[sflag:s4] =	ssyncset.done $0x0  }
0x15: {  	s11 =	simm.s32 $0x2;
	[sflag:s4] =	ssyncadd.s32 $0xFFFFC000  }
0x16: {  	_ =	swait.ge [sflag:s11], $0x4000  }
0x17: {  	[sflag:s11] =	ssyncset.done $0x0  }
0x18: {  	s12 =	simm.s32 $0x100;
	[sflag:s11] =	ssyncadd.s32 $0xFFFFC000  }
0x19: {  	[tilespmem:s7], [sflag:$0x1] =	stream.indirect.gather [hbm4b:s2+s6], $0x80, s12, s6, $0xb8;
	[tilespmem:$0x8400] =	vst v63  }
0x1a: {  	s13 =	sadd.s32 $0x3200, s19  }
0x1b: {  	[hbm4b:s13+s3] =	stream.linear.scatter [tilespmem:s9], [sflag:$0x3], $0x4000, $0x38;
	[tilespmem:$0x8400] =	vst v63  }
0x1c: {  	_ =	swait.ge [sflag:s4], $0x4000  }
0x1d: {  	[sflag:s4] =	ssyncset.done $0x0  }
0x1e: {  	[sflag:s4] =	ssyncadd.s32 $0xFFFFC000  }
0x1f: {  	_ =	swait.ge [sflag:s8], $0x4000  }
0x20: {  	[sflag:s8] =	ssyncset.done $0x0  }
0x21: {  	s14 =	simm.s32 $0x180;
	[sflag:s8] =	ssyncadd.s32 $0xFFFFC000  }
0x22: {  	[tilespmem:s9], [sflag:$0x2] =	stream.indirect.gather [hbm4b:s2+s6], $0x80, s14, s6, $0xb8;
	[tilespmem:$0x8400] =	vst v63  }
0x23: {  	s15 =	sadd.s32 $0x3A00, s19  }
0x24: {  	[hbm4b:s15+s3] =	stream.linear.scatter [tilespmem:s7], [sflag:$0x3], $0x4000, $0x38;
	[tilespmem:$0x8400] =	vst v63  }
0x25: {  	_ =	swait.ge [sflag:s4], $0x4000  }
0x26: {  	[sflag:s4] =	ssyncset.done $0x0  }
0x27: {  	[sflag:s4] =	ssyncadd.s32 $0xFFFFC000  }
0x28: {  	_ =	swait.ge [sflag:s11], $0x4000  }
0x29: {  	[sflag:s11] =	ssyncset.done $0x0  }
0x2a: {  	s16 =	simm.s32 $0x200;
	[sflag:s11] =	ssyncadd.s32 $0xFFFFC000  }
0x2b: {  	[tilespmem:s7], [sflag:$0x1] =	stream.indirect.gather [hbm4b:s2+s6], $0x80, s16, s6, $0xb8;
	[tilespmem:$0x8400] =	vst v63  }
0x2c: {  	s18 =	ssub.s32 $0x2, s18;
	s17 =	sadd.s32 $0x4200, s19  }
0x2d: {  	[hbm4b:s17+s3] =	stream.linear.scatter [tilespmem:s9], [sflag:$0x3], $0x4000, $0x38;
	[tilespmem:$0x8400] =	vst v63  }
0x2e: {  	s20 =	sshrl.u32 s18, $0x1;
	_ =	swait.ge [sflag:s4], $0x4000  }
0x2f: {  	s20 =	ssub.s32 s18, s20;
	[sflag:s4] =	ssyncset.done $0x0  }
0x30: {  	s31 =	smax.u32 s20, $0x1;
	[sflag:s4] =	ssyncadd.s32 $0xFFFFC000  }
0x31: {  	p0 =	sne.s32 s31, $0x1;
	_ =	swait.ge [sflag:s8], $0x4000  }
.Ltmp0:
0x32: {  	[sflag:s8] =	ssyncset.done $0x0;
	(pc) =	sbr.rel @!p0 .LBB2_2-.Ltmp0, $4  }
0x33: {  	s18 =	sadd.s32 $0x4A00, s19;
	[sflag:s8] =	ssyncadd.s32 $0xFFFFC000  }
0x34: {  	[hbm4b:s18+s3] =	stream.linear.scatter [tilespmem:s7], [sflag:$0x3], $0x4000, $0x38;
	[tilespmem:$0x8400] =	vst v63  }
0x35: {  	_ =	swait.ge [sflag:s4], $0x4000  }
0x36: {  	s19 =	sadd.s32 $0xFFFFFFFF, s31;
	[sflag:s4] =	ssyncset.done $0x0  }
.LBB2_1:
0x37: {  	p0 =	sne.s32 s19, $0x1;
	s19 =	sadd.s32 $0xFFFFFFFF, s19;
	[sflag:s4] =	ssyncadd.s32 $0xFFFFC000  }
0x38: {  	[tilespmem:s3], [sflag:$0x3] =	stream.linear.gather [hbm4b:s5+s3], $0x280, $0x38;
	[tilespmem:$0x8400] =	vst v63  }
0x39: {  	_ =	swait.ge [sflag:s4], $0x280  }
0x3a: {  	[sflag:s4] =	ssyncset.done $0x0  }
0x3b: {  	[sflag:s4] =	ssyncadd.s32 $0xFFFFFD80  }
0x3c: {  	[tilespmem:s7], [sflag:$0x1] =	stream.indirect.gather [hbm4b:s2+s6], $0x80, s3, s6, $0xb8;
	[tilespmem:$0x8400] =	vst v63  }
0x3d: {  	_ =	swait.ge [sflag:s8], $0x4000  }
0x3e: {  	[sflag:s8] =	ssyncset.done $0x0  }
0x3f: {  	[sflag:s8] =	ssyncadd.s32 $0xFFFFC000  }
0x40: {  	[tilespmem:s9], [sflag:$0x2] =	stream.indirect.gather [hbm4b:s2+s6], $0x80, s6, s6, $0xb8;
	[tilespmem:$0x8400] =	vst v63  }
0x41: {  	_ = 	snop  }
0x42: {  	[hbm4b:s10+s3] =	stream.linear.scatter [tilespmem:s7], [sflag:$0x3], $0x4000, $0x38;
	[tilespmem:$0x8400] =	vst v63  }
0x43: {  	_ =	swait.ge [sflag:s4], $0x4000  }
0x44: {  	[sflag:s4] =	ssyncset.done $0x0  }
0x45: {  	[sflag:s4] =	ssyncadd.s32 $0xFFFFC000  }
0x46: {  	_ =	swait.ge [sflag:s11], $0x4000  }
0x47: {  	[sflag:s11] =	ssyncset.done $0x0  }
0x48: {  	[sflag:s11] =	ssyncadd.s32 $0xFFFFC000  }
0x49: {  	[tilespmem:s7], [sflag:$0x1] =	stream.indirect.gather [hbm4b:s2+s6], $0x80, s12, s6, $0xb8;
	[tilespmem:$0x8400] =	vst v63  }
0x4a: {  	_ = 	snop  }
0x4b: {  	[hbm4b:s13+s3] =	stream.linear.scatter [tilespmem:s9], [sflag:$0x3], $0x4000, $0x38;
	[tilespmem:$0x8400] =	vst v63  }
0x4c: {  	_ =	swait.ge [sflag:s4], $0x4000  }
0x4d: {  	[sflag:s4] =	ssyncset.done $0x0  }
0x4e: {  	[sflag:s4] =	ssyncadd.s32 $0xFFFFC000  }
0x4f: {  	_ =	swait.ge [sflag:s8], $0x4000  }
0x50: {  	[sflag:s8] =	ssyncset.done $0x0  }
0x51: {  	[sflag:s8] =	ssyncadd.s32 $0xFFFFC000  }
0x52: {  	[tilespmem:s9], [sflag:$0x2] =	stream.indirect.gather [hbm4b:s2+s6], $0x80, s14, s6, $0xb8;
	[tilespmem:$0x8400] =	vst v63  }
0x53: {  	_ = 	snop  }
0x54: {  	[hbm4b:s15+s3] =	stream.linear.scatter [tilespmem:s7], [sflag:$0x3], $0x4000, $0x38;
	[tilespmem:$0x8400] =	vst v63  }
0x55: {  	_ =	swait.ge [sflag:s4], $0x4000  }
0x56: {  	[sflag:s4] =	ssyncset.done $0x0  }
0x57: {  	[sflag:s4] =	ssyncadd.s32 $0xFFFFC000  }
0x58: {  	_ =	swait.ge [sflag:s11], $0x4000  }
0x59: {  	[sflag:s11] =	ssyncset.done $0x0  }
0x5a: {  	[sflag:s11] =	ssyncadd.s32 $0xFFFFC000  }
0x5b: {  	[tilespmem:s7], [sflag:$0x1] =	stream.indirect.gather [hbm4b:s2+s6], $0x80, s16, s6, $0xb8;
	[tilespmem:$0x8400] =	vst v63  }
0x5c: {  	_ = 	snop  }
0x5d: {  	[hbm4b:s17+s3] =	stream.linear.scatter [tilespmem:s9], [sflag:$0x3], $0x4000, $0x38;
	[tilespmem:$0x8400] =	vst v63  }
0x5e: {  	_ =	swait.ge [sflag:s4], $0x4000  }
0x5f: {  	[sflag:s4] =	ssyncset.done $0x0  }
0x60: {  	[sflag:s4] =	ssyncadd.s32 $0xFFFFC000  }
0x61: {  	_ =	swait.ge [sflag:s8], $0x4000  }
.Ltmp1:
0x62: {  	[sflag:s8] =	ssyncset.done $0x0;
	(pc) =	sbr.rel @p0 .LBB2_1-.Ltmp1, $4  }
0x63: {  	[sflag:s8] =	ssyncadd.s32 $0xFFFFC000  }
0x64: {  	[hbm4b:s18+s3] =	stream.linear.scatter [tilespmem:s7], [sflag:$0x3], $0x4000, $0x38;
	[tilespmem:$0x8400] =	vst v63  }
0x65: {  	_ =	swait.ge [sflag:s4], $0x4000  }
0x66: {  	[sflag:s4] =	ssyncset.done $0x0  }
.LBB2_2:
0x67: {  	[sflag:s4] =	ssyncadd.s32 $0xFFFFC000  }
0x68: {  	_ =	sfence.sel $0x180000  }
0x69: {  	[bflag:$0x0] =	sbarrier.arrive $0xFFFF  }
0x6a: {  	p0 =	sne.s32 s1, $0x0;
	_ =	strace $0x90000047  }
0x6b: {  	s0 =	sadd.s32 @!p0 $0x100000, s0;
	[bflag:$0x2] =	sbarrier.arrive $0xFFFF  }
0x6c: {  	[sflag:s0] =	ssyncadd.tile.s32 @!p0 $0x1;
	_ =	shalt  }
.Lfunc_end2:
_tile_overlayer_lowered:
.L_overlay_start_2:
0x6d: {  	(tag) =	ssettag $0x2  }
0x6e: {  	s0 =	rddreg [dreg:$0x0];
	s2 =	stileid.u32  }
0x6f: {  	s1 =	rddreg [dreg:$0x1];
	p0 =	sne.s32 s2, $0x0  }
0x70: {  	s3 =	rddreg [dreg:$0x2];
	[bflag:$0x3] =	sbarrier.arrive $0xFFFF;
	s2 =	simm.s32 @!p0 $0x1C03  }
0x71: {  	[timem:s3], [sflag:s2] =	dma.local @!p0 [hbm:s0], s1  }
0x72: {  	s0 =	simm.s32 @!p0 $0x3  }
0x73: {  	_ =	swait.ge @!p0 [sflag:s0], s1  }
0x74: {  	s1 =	ssub.s32 @!p0 $0x0, s1;
	[sflag:s0] =	ssyncset.done @!p0 $0x0  }
0x75: {  	[sflag:s0] =	ssyncadd.s32 @!p0 s1  }
0x76: {  	[bflag:$0x3] =	sbarrier.arrive $0xFFFF  }
0x77: {  	_ =	shalt  }

// kernel: kernel.9.cloned.1.call-start
scs
__scs_entry_jumppad:
0x0: {  	(pc) =	sbr.rel $0x88, $3  }
0x1: {  	(tag) =	ssettag $0x0;
	lr =	simm.s32 $0x1  }
0x2: {  	[smem:$0x3F93] =	sst lr;
	_ =	strace $0xD0000000  }
0x3: {  	_ = 	snop  }
0x4: {  	_ = 	snop  }
0x5: {  	_ = 	snop  }
0x6: {  	_ = 	snop  }
0x7: {  	_ = 	snop  }
__scs_overlays_trampoline_lowered:
0x8: {  	[smem:$0x3FA2] =	sst s0  }
0x9: {  	[smem:$0x3FA3] =	sst s1  }
0xa: {  	[smem:$0x3FA4] =	sst s2  }
0xb: {  	[smem:$0x3FA5] =	sst s3  }
0xc: {  	[smem:$0x3FA6] =	sst s4  }
0xd: {  	[smem:$0x3FA7] =	sst s5  }
0xe: {  	[smem:$0x3FA8] =	sst s6  }
0xf: {  	[smem:$0x3FA9] =	sst s7  }
0x10: {  	[smem:$0x3FAA] =	sst s8  }
0x11: {  	[smem:$0x3FAB] =	sst s9;
	s0 =	simm.s32 @!p0 $0x0  }
0x12: {  	s1 =	sld [smem:$0x3F91];
	s0 =	simm.s32 @p0 $0x1  }
0x13: {  	[smem:$0x3FAC] =	sst s0;
	s0 =	simm.s32 @!p1 $0x0  }
0x14: {  	s2 =	sld [smem:$0x3F90];
	s0 =	simm.s32 @p1 $0x1  }
0x15: {  	[smem:$0x3FAD] =	sst s0;
	s0 =	simm.s32 @!p2 $0x0  }
0x16: {  	s3 =	sld [smem:$0x3FDB];
	s0 =	simm.s32 @p2 $0x1  }
0x17: {  	s4 =	simm.s32 $0x1BF5;
	[smem:$0x3FAF] =	sst s0  }
0x18: {  	s0 =	sld [smem:$0x3F92];
	_ =	swait.ge [sflag:s4], $0x0  }
0x19: {  	s7 =	sld [smem:$0x3F93]  }
0x1a: {  	s8 =	sadd.s32 $0xFFFFE003, lr  }
0x1b: {  	s9 =	sadd.s32 $0xFFFFFEF7, lr;
	s5 =	simm.s32 $0xFFFFFFFF;
	p2 =	slt.u32 s8, $0xFFFFF086  }
0x1c: {  	p1 =	slt.u32 s9, $0xF7A;
	s5 =	simm.s32 @!p2 $0x0  }
0x1d: {  	s5 =	simm.s32 @p1 $0x1;
	p0 =	seq.s32 s7, s2  }
0x1e: {  	s7 =	smul.u32 @!p0 $0xF7A, s2;
	p2 =	seq.s32 @!p0 s5, $0x0  }
0x1f: {  	s9 =	smul.u32 $0xF7A, s1;
	s8 =	simm.s32 @!p0 $0x1BF5;
	p2 =	por !p2, p0  }
0x20: {  	[sflag:s8] =	ssyncset.s32 @!p0 $0xFFFFF086;
	s6 =	sadd.s32 @!p0 s3, s7;
	s7 =	simm.s32 @!p0 $0x108  }
0x21: {  	s3 =	sadd.s32 s3, s9;
	s6 =	sadd.s32 @!p0 $0x88, s6;
	s7 =	simm.s32 @p2 $0x1082  }
0x22: {  	[simem:s7], [sflag:s8] =	dma.local @!p0 [hbm:s6], $0xF7A  }
0x23: {  	s9 =	sor.u32 $0xD0000000, s2;
	s6 =	simm.s32 $0x108;
	_ =	swait.ge @!p0 [sflag:s8], $0x0  }
0x24: {  	s3 =	sadd.s32 $0x88, s3;
	s6 =	simm.s32 @!p1 $0x1082;
	[sflag:s4] =	ssyncset.s32 $0xFFFFF086  }
0x25: {  	[simem:s6], [sflag:s4] =	dma.local [hbm:s3], $0xF7A  }
0x26: {  	[smem:$0x3F93] =	sst s1;
	(tag) =	ssettag s2;
	_ =	strace s9  }
0x27: {  	s1 =	sld [smem:$0x3FA3]  }
0x28: {  	s2 =	sld [smem:$0x3FA4]  }
0x29: {  	s4 =	sld [smem:$0x3FA6]  }
0x2a: {  	p0 =	seq.s32 s5, $0x0;
	s5 =	sld [smem:$0x3FA7]  }
0x2b: {  	s6 =	sld [smem:$0x3FA8]  }
0x2c: {  	s7 =	sld [smem:$0x3FA9]  }
0x2d: {  	s3 =	simm.s32 $0x108;
	s8 =	sld [smem:$0x3FAA]  }
0x2e: {  	s3 =	simm.s32 @!p0 $0x1082;
	s9 =	sld [smem:$0x3FAB]  }
0x2f: {  	lr =	sadd.s32 s0, s3;
	s0 =	sld [smem:$0x3FA2]  }
0x30: {  	s3 =	sld [smem:$0x3FA5]  }
0x31: {  	[smem:$0x3FAE] =	sst s10  }
0x32: {  	s10 =	sld [smem:$0x3FAC];
	_ =	sdelay $0x3  }
0x33: {  	p0 =	seq.s32 s10, $0x1;
	s10 =	sld [smem:$0x3FAE];
	_ =	sdelay $0x3  }
0x34: {  	[smem:$0x3FAE] =	sst s10  }
0x35: {  	s10 =	sld [smem:$0x3FAD];
	_ =	sdelay $0x3  }
0x36: {  	p1 =	seq.s32 s10, $0x1;
	s10 =	sld [smem:$0x3FAE];
	_ =	sdelay $0x3  }
0x37: {  	[smem:$0x3FAE] =	sst s10  }
0x38: {  	s10 =	sld [smem:$0x3FAF]  }
0x39: {  	_ = 	snop;
	(pc) =	sbr.ind lr, $3  }
0x3a: {  	_ = 	snop  }
0x3b: {  	_ = 	snop  }
0x3c: {  	p2 =	seq.s32 s10, $0x1;
	s10 =	sld [smem:$0x3FAE]  }
0x3d: {  	_ =	shalt  }
0x3e: {  	_ =	shalt  }
0x3f: {  	_ =	shalt  }
0x40: {  	_ =	shalt  }
0x41: {  	_ =	shalt  }
0x42: {  	_ =	shalt  }
0x43: {  	_ =	shalt  }
0x44: {  	_ =	shalt  }
0x45: {  	_ =	shalt  }
0x46: {  	_ =	shalt  }
0x47: {  	_ =	shalt  }
0x48: {  	_ =	shalt  }
0x49: {  	_ =	shalt  }
0x4a: {  	_ =	shalt  }
0x4b: {  	_ =	shalt  }
0x4c: {  	_ =	shalt  }
0x4d: {  	_ =	shalt  }
0x4e: {  	_ =	shalt  }
0x4f: {  	_ =	shalt  }
0x50: {  	_ =	shalt  }
0x51: {  	_ =	shalt  }
0x52: {  	_ =	shalt  }
0x53: {  	_ =	shalt  }
0x54: {  	_ =	shalt  }
0x55: {  	_ =	shalt  }
0x56: {  	_ =	shalt  }
0x57: {  	_ =	shalt  }
0x58: {  	_ =	shalt  }
0x59: {  	_ =	shalt  }
0x5a: {  	_ =	shalt  }
0x5b: {  	_ =	shalt  }
0x5c: {  	_ =	shalt  }
0x5d: {  	_ =	shalt  }
0x5e: {  	_ =	shalt  }
0x5f: {  	_ =	shalt  }
0x60: {  	_ =	shalt  }
0x61: {  	_ =	shalt  }
0x62: {  	_ =	shalt  }
0x63: {  	_ =	shalt  }
0x64: {  	_ =	shalt  }
0x65: {  	_ =	shalt  }
0x66: {  	_ =	shalt  }
0x67: {  	_ =	shalt  }
0x68: {  	_ =	shalt  }
0x69: {  	_ =	shalt  }
0x6a: {  	_ =	shalt  }
0x6b: {  	_ =	shalt  }
0x6c: {  	_ =	shalt  }
0x6d: {  	_ =	shalt  }
0x6e: {  	_ =	shalt  }
0x6f: {  	_ =	shalt  }
0x70: {  	_ =	shalt  }
0x71: {  	_ =	shalt  }
0x72: {  	_ =	shalt  }
0x73: {  	_ =	shalt  }
0x74: {  	_ =	shalt  }
0x75: {  	_ =	shalt  }
0x76: {  	_ =	shalt  }
0x77: {  	_ =	shalt  }
0x78: {  	_ =	shalt  }
0x79: {  	_ =	shalt  }
0x7a: {  	_ =	shalt  }
0x7b: {  	_ =	shalt  }
0x7c: {  	_ =	shalt  }
0x7d: {  	_ =	shalt  }
0x7e: {  	_ =	shalt  }
0x7f: {  	_ =	shalt  }
0x80: {  	_ =	shalt  }
0x81: {  	_ =	shalt  }
0x82: {  	_ =	shalt  }
0x83: {  	_ =	shalt  }
0x84: {  	_ =	shalt  }
0x85: {  	_ =	shalt  }
0x86: {  	_ =	shalt  }
0x87: {  	_ =	shalt  }
.Lfunc_end0:
.L_simem_size_0:
called_computation.1_lowered:
.L_overlay_start_0:
0x88: {  	s2 =	sld [smem:$0x3FD9]  }
0x89: {  	s3 =	sld [smem:$0x3FFE];
	_ =	sdelay $0x1  }
0x8a: {  	s1 =	srdreg.scid  }
0x8b: {  	s0 =	sand.u32 $0x1, s1  }
0x8c: {  	s17 =	sshll.u32 s0, $0xA;
	s2 =	sadd.s32 s3, s2  }
0x8d: {  	s2 =	sadd.s32 s2, s17  }
0x8e: {  	[smem:$0x3FBA] =	sst s2  }
0x8f: {  	_ = 	snop  }
0x90: {  	s2 =	sld [smem:$0x3FD0];
	(tm) =	ssettm $0x1  }
0x91: {  	s18 =	sld [smem:$0x3FFB];
	_ =	sdelay $0x3  }
0x92: {  	_ =	strace s18  }
0x93: {  	s3 =	sld [smem:$0x3FFC];
	_ =	sdelay $0x3  }
0x94: {  	_ =	strace s3  }
0x95: {  	s3 =	sld [smem:$0x3FFD];
	_ =	sdelay $0x3  }
0x96: {  	_ =	strace s3  }
0x97: {  	_ =	strace $0x8FFFFFFF  }
0x98: {  	s19 =	sld [smem:$0x3FDB];
	_ =	sdelay $0x1  }
0x99: {  	s4 =	simm.s32 $_scs_section_size  }
0x9a: {  	s5 =	simm.s32 $_size__tile_overlayer_lowered;
	s6 =	simm.s32 $_tile_overlayer_lowered  }
0x9b: {  	s22 =	simm.s32 $0x1BFF;
	s21 =	sshll.u32 s6, $0x1;
	s3 =	sadd.s32 s4, s19  }
0x9c: {  	s7 =	simm.s32 $0x0;
	s20 =	sshll.u32 s5, $0x1;
	s5 =	sadd.s32 s21, s3  }
0x9d: {  	[timem:s7], [sflag:s22] =	dma.local [hbm:s5], s20  }
0x9e: {  	_ =	swait.ge [sflag:s22], s20  }
0x9f: {  	s4 =	ssub.s32 $0x0, s20;
	[sflag:s22] =	ssyncset.done $0x0  }
0xa0: {  	[sflag:s22] =	ssyncadd.s32 s4;
	_ =	sdelay $0x1  }
0xa1: {  	s23 =	simm.s32 $0x1B8B  }
0xa2: {  	_ =	swait.ge [sflag:s23], $0x1  }
0xa3: {  	[sflag:s23] =	ssyncset.done $0x0  }
0xa4: {  	s25 =	simm.s32 $0x1B8E;
	s24 =	sld [smem:$0x3FFE];
	[sflag:s23] =	ssyncadd.s32 $0xFFFFFFFF  }
0xa5: {  	s26 =	simm.s32 $execute0_lowered;
	[smem:$0x3FD2] =	sst s25  }
0xa6: {  	s5 =	sshll.u32 s26, $0x1;
	_ =	strace $0x80000049;
	[dreg:$0x1] =	wrdreg $0xFFFFFFFF  }
0xa7: {  	s28 =	simm.s32 $_size_execute0_lowered;
	s3 =	sadd.s32 s3, s5;
	[dreg:$0x0] =	wrdreg $0x0  }
0xa8: {  	s5 =	sshll.u32 s28, $0x1;
	[dreg:$0x2] =	wrdreg s3  }
0xa9: {  	[dreg:$0x3] =	wrdreg s5  }
0xaa: {  	[dreg:$0x4] =	wrdreg $0xC0  }
0xab: {  	_ =	task [dreg:s7], $0x5FFFF  }
0xac: {  	[dreg:$0x1] =	wrdreg $0xFFFFFFFF  }
0xad: {  	[dreg:$0x0] =	wrdreg $0x60  }
0xae: {  	[dreg:$0x2] =	wrdreg s24  }
0xaf: {  	[dreg:$0x3] =	wrdreg s2  }
0xb0: {  	[dreg:$0x4] =	wrdreg $0x0  }
0xb1: {  	[dreg:$0x5] =	wrdreg $0x140000  }
0xb2: {  	[dreg:$0x6] =	wrdreg $0x9  }
0xb3: {  	_ =	task.clear_ibuf [dreg:s7], $0x7FFFF;
	_ =	strace $0x90000049  }
0xb4: {  	s29 =	simm.s32 $0x9;
	_ =	strace $0x8000004B  }
0xb5: {  	_ =	swait.ge [sflag:s29], $0x1  }
0xb6: {  	[sflag:s29] =	ssyncadd.s32 $0xFFFFFFFF  }
0xb7: {  	_ =	strace $0x9000004B  }
0xb8: {  	_ =	sfence  }
0xb9: {  	s30 =	sld [smem:$0x0];
	_ =	sdelay $0x2  }
0xba: {  	s31 =	sshll.u32 s1, $0xD;
	s1 =	sshrl.u32 s1, $0x2  }
0xbb: {  	s3 =	sand.u32 $0x4000, s31;
	s1 =	sadd.s32 s1, s30  }
0xbc: {  	s0 =	sor.u32 s3, s0;
	s1 =	sshll.u32 s1, $0x11  }
0xbd: {  	s0 =	sor.u32 s1, s0  }
0xbe: {  	s0 =	sadd.s32 $0x8F2B, s0  }
0xbf: {  	[sflag:s0] =	ssyncadd.remote.s32 $0x1  }
0xc0: {  	_ =	sfence.sel $0xFFFF  }
0xc1: {  	[dreg:$0x0] =	wrdreg $0xFFFFFFFF;
	(pc) =	sbr.abs _section_cstart, $3  }
0xc2: {  	[dreg:$0x1] =	wrdreg $0xFFFFFFFF  }
0xc3: {  	_ =	task.clear_ibuf [dreg:s7], $0x2FFFF;
	_ =	strace $0x9FFFFFFF  }
0xc4: {  	(tm) =	ssettm $0x7FFFFFFF  }
0xc5: {  	_ =	shalt  }
tec
execute0_lowered:
.L_overlay_start_1:
0x0: {  	(tag) =	ssettag $0x1  }
0x1: {  	s0 =	rddreg [dreg:$0x0]  }
0x2: {  	s14 =	rddreg [dreg:$0x1]  }
0x3: {  	s2 =	rddreg [dreg:$0x2];
	s15 =	stileid.u32  }
0x4: {  	s3 =	rddreg [dreg:$0x3];
	s1 =	simm.s32 $0x0;
	s4 =	smul.u32 $0x500, s15  }
0x5: {  	s25 =	srdreg.scid;
	s28 =	simm.s32 $0x15280;
	s26 =	smul.u32 $0x280, s15  }
0x6: {  	s31 =	simm.s32 $0x14F80;
	s29 =	simm.s32 $0x15180;
	s9 =	smul.u32 $0x50000, s15  }
0x7: {  	[smem:$0x7FF] =	sst s1;
	s1 =	sand.u32 $0x1, s25;
	s13 =	smul.u32 $0x5000, s15  }
0x8: {  	s6 =	sadd.s32 $0x1A00, s0;
	s16 =	sadd.s32 $0x52A00, s0;
	s22 =	smul.u32 $0x14000, s15  }
0x9: {  	s7 =	sadd.s32 $0x66A00, s0;
	_ =	strace $0x8000004A;
	s20 =	smul.u32 $0x50000, s1  }
0xa: {  	s5 =	sshll.u32 s1, $0x7;
	s8 =	ssub.s32 $0x2, s1;
	s1 =	smul.u32 $0x140000, s1  }
0xb: {  	[dreg:$0x5] =	wrdreg s16;
	s4 =	sor.u32 s5, s4;
	s17 =	sshrl.u32 s8, $0x1  }
0xc: {  	s10 =	sshll.u32 s26, $0x7;
	s18 =	sshrl.u32 s9, $0x2;
	s5 =	sadd.s32 s26, s3  }
0xd: {  	s4 =	sshrl.u32 s4, $0x3;
	s19 =	sadd.s32 $0x4000, s10;
	s24 =	sadd.s32 s18, s2  }
0xe: {  	s11 =	sadd.s32 $0x8000, s10;
	s12 =	sadd.s32 $0xC000, s10;
	s10 =	sadd.s32 $0x10000, s10  }
0xf: {  	[dreg:$0xb] =	wrdreg s5;
	s0 =	sadd.s32 s4, s0;
	s4 =	ssub.s32 s8, s17  }
0x10: {  	s30 =	sadd.s32 s19, s2;
	s17 =	sadd.s32 s11, s2;
	s21 =	sadd.s32 s12, s2  }
0x11: {  	s8 =	sadd.s32 s13, s20;
	s23 =	sadd.s32 s10, s2;
	[dreg:$0x6] =	wrdreg s24  }
0x12: {  	s13 =	sadd.s32 s22, s1;
	s9 =	sadd.s32 s1, s19;
	[dreg:$0x8] =	wrdreg s17  }
0x13: {  	s11 =	sadd.s32 s1, s11;
	s12 =	sadd.s32 s1, s12;
	[dreg:$0x9] =	wrdreg s21  }
0x14: {  	s1 =	sadd.s32 s1, s10;
	[dreg:$0xa] =	wrdreg s23;
	s25 =	sshrl.u32 s8, $0x3  }
0x15: {  	s17 =	sshrl.u32 s13, $0x3;
	s9 =	sshrl.u32 s9, $0x3;
	s18 =	sshrl.u32 s11, $0x3  }
0x16: {  	s19 =	sshrl.u32 s12, $0x3;
	s1 =	sshrl.u32 s1, $0x3;
	s0 =	sadd.s32 $0x51A00, s0  }
0x17: {  	s23 =	smax.u32 s4, $0x1;
	s11 =	simm.s32 $0x7;
	[dreg:$0x7] =	wrdreg s30  }
0x18: {  	s13 =	simm.s32 $0x14680;
	s4 =	simm.s32 $0x80;
	[dreg:$0x15] =	wrdreg s0  }
0x19: {  	s12 =	simm.s32 $0x15000;
	s26 =	sadd.s32 s16, s25;
	[dreg:$0x16] =	wrdreg s23  }
0x1a: {  	s15 =	sadd.s32 s14, s25;
	s5 =	sor.u32 $0x80, s25;
	[dreg:$0xc] =	wrdreg s26  }
0x1b: {  	s10 =	sadd.s32 s7, s17;
	s9 =	sadd.s32 s7, s9;
	[dreg:$0xd] =	wrdreg s15  }
0x1c: {  	s20 =	sadd.s32 s7, s19;
	s1 =	sadd.s32 s7, s1;
	[dreg:$0xe] =	wrdreg s10  }
0x1d: {  	s25 =	sor.u32 $0xC00, s8;
	s17 =	simm.s32 $0x1D500;
	[dreg:$0xf] =	wrdreg s9  }
0x1e: {  	s19 =	simm.s32 $0x5;
	s23 =	simm.s32 $0x14A80;
	[dreg:$0x11] =	wrdreg s20  }
0x1f: {  	s9 =	sadd.s32 s7, s18;
	[dreg:$0x12] =	wrdreg s1;
	s21 =	sadd.s32 s16, s5  }
0x20: {  	s22 =	sadd.s32 s14, s5;
	s26 =	sor.u32 $0x800, s8;
	s25 =	sshrl.u32 s25, $0x3  }
0x21: {  	s14 =	simm.s32 $0x14E80;
	s15 =	simm.s32 $0x1;
	s16 =	simm.s32 $0x19280  }
.Ltmp0:
0x22: {  	s18 =	simm.s32 $0x2;
	s7 =	simm.s32 $0x3;
	(pc) =	sbr.rel .LBB2_1-.Ltmp0, $4  }
0x23: {  	s20 =	simm.s32 $0x4;
	s10 =	simm.s32 $0x14F00;
	[dreg:$0x10] =	wrdreg s9  }
0x24: {  	s8 =	simm.s32 $0x15080;
	s5 =	simm.s32 $0x15100;
	[dreg:$0x13] =	wrdreg s21  }
0x25: {  	s1 =	simm.s32 $0x15200;
	[dreg:$0x14] =	wrdreg s22;
	s26 =	sshrl.u32 s26, $0x3  }
0x26: {  	v0 =	vimm.f32 $0.0e+00;
	v1 =	vimm.f32 $1.000000000e+00;
	s9 =	simm.s32 $0x1D280;
	s22 =	simm.s32 $0x6;
	s21 =	simm.s32 $0x0  }
.LBB2_6:
0x27: {  	[bflag:$0x0] =	sbarrier.arrive $0xFFFF  }
0x28: {  	s11 =	simm.s32 $0x7;
	s24 =	rddreg [dreg:$0x6]  }
0x29: {  	[tilespmem:s28], [sflag:$0x7] =	stream.linear.gather [spmem:s24], $0x4000, $0x38;
	[tilespmem:$0x1D580] =	vst v63  }
0x2a: {  	_ =	swait.ge [sflag:s11], $0x4000  }
0x2b: {  	[sflag:s11] =	ssyncset.done $0x0  }
0x2c: {  	s0 =	simm.s32 $0x0;
	s9 =	rddreg [dreg:$0xe];
	[sflag:s11] =	ssyncadd.s32 $0xFFFFC000  }
0x2d: {  	[hbm4b:s9+s0] =	stream.linear.scatter [tilespmem:s28], [sflag:$0x7], $0x4000, $0x38;
	[tilespmem:$0x1D580] =	vst v63  }
0x2e: {  	_ =	swait.ge [sflag:s11], $0x4000  }
0x2f: {  	[sflag:s11] =	ssyncset.done $0x0  }
0x30: {  	s30 =	rddreg [dreg:$0x7];
	[sflag:s11] =	ssyncadd.s32 $0xFFFFC000  }
0x31: {  	[tilespmem:s28], [sflag:$0x7] =	stream.linear.gather [spmem:s30], $0x4000, $0x38;
	[tilespmem:$0x1D580] =	vst v63  }
0x32: {  	_ =	swait.ge [sflag:s11], $0x4000  }
0x33: {  	[sflag:s11] =	ssyncset.done $0x0  }
0x34: {  	s21 =	rddreg [dreg:$0xf];
	[sflag:s11] =	ssyncadd.s32 $0xFFFFC000  }
0x35: {  	[hbm4b:s21+s0] =	stream.linear.scatter [tilespmem:s28], [sflag:$0x7], $0x4000, $0x38;
	[tilespmem:$0x1D580] =	vst v63  }
0x36: {  	_ =	swait.ge [sflag:s11], $0x4000  }
0x37: {  	[sflag:s11] =	ssyncset.done $0x0  }
0x38: {  	s21 =	rddreg [dreg:$0x8];
	[sflag:s11] =	ssyncadd.s32 $0xFFFFC000  }
0x39: {  	[tilespmem:s28], [sflag:$0x7] =	stream.linear.gather [spmem:s21], $0x4000, $0x38;
	[tilespmem:$0x1D580] =	vst v63  }
0x3a: {  	_ =	swait.ge [sflag:s11], $0x4000  }
0x3b: {  	[sflag:s11] =	ssyncset.done $0x0  }
0x3c: {  	s21 =	rddreg [dreg:$0x10];
	[sflag:s11] =	ssyncadd.s32 $0xFFFFC000  }
0x3d: {  	[hbm4b:s21+s0] =	stream.linear.scatter [tilespmem:s28], [sflag:$0x7], $0x4000, $0x38;
	[tilespmem:$0x1D580] =	vst v63  }
0x3e: {  	_ =	swait.ge [sflag:s11], $0x4000  }
0x3f: {  	[sflag:s11] =	ssyncset.done $0x0  }
0x40: {  	s21 =	rddreg [dreg:$0x9];
	[sflag:s11] =	ssyncadd.s32 $0xFFFFC000  }
0x41: {  	[tilespmem:s28], [sflag:$0x7] =	stream.linear.gather [spmem:s21], $0x4000, $0x38;
	[tilespmem:$0x1D580] =	vst v63  }
0x42: {  	_ =	swait.ge [sflag:s11], $0x4000  }
0x43: {  	[sflag:s11] =	ssyncset.done $0x0  }
0x44: {  	s21 =	rddreg [dreg:$0x11];
	[sflag:s11] =	ssyncadd.s32 $0xFFFFC000  }
0x45: {  	[hbm4b:s21+s0] =	stream.linear.scatter [tilespmem:s28], [sflag:$0x7], $0x4000, $0x38;
	[tilespmem:$0x1D580] =	vst v63  }
0x46: {  	_ =	swait.ge [sflag:s11], $0x4000  }
0x47: {  	[sflag:s11] =	ssyncset.done $0x0  }
0x48: {  	s21 =	rddreg [dreg:$0xa];
	[sflag:s11] =	ssyncadd.s32 $0xFFFFC000  }
0x49: {  	[tilespmem:s28], [sflag:$0x7] =	stream.linear.gather [spmem:s21], $0x4000, $0x38;
	[tilespmem:$0x1D580] =	vst v63  }
0x4a: {  	_ =	swait.ge [sflag:s11], $0x4000  }
0x4b: {  	[sflag:s11] =	ssyncset.done $0x0  }
0x4c: {  	s21 =	rddreg [dreg:$0x12];
	[sflag:s11] =	ssyncadd.s32 $0xFFFFC000  }
0x4d: {  	[hbm4b:s21+s0] =	stream.linear.scatter [tilespmem:s28], [sflag:$0x7], $0x4000, $0x38;
	[tilespmem:$0x1D580] =	vst v63  }
0x4e: {  	_ =	swait.ge [sflag:s11], $0x4000  }
0x4f: {  	[sflag:s11] =	ssyncset.done $0x0  }
0x50: {  	s9 =	simm.s32 $0x1D280;
	s21 =	rddreg [dreg:$0xb];
	[sflag:s11] =	ssyncadd.s32 $0xFFFFC000  }
0x51: {  	[tilespmem:s9], [sflag:$0x7] =	stream.linear.gather [spmem:s21], $0x280, $0x38;
	[tilespmem:$0x1D580] =	vst v63  }
0x52: {  	_ =	swait.ge [sflag:s11], $0x280  }
0x53: {  	[sflag:s11] =	ssyncset.done $0x0  }
0x54: {  	s21 =	simm.s32 $0x100;
	s0 =	rddreg [dreg:$0x15];
	[sflag:s11] =	ssyncadd.s32 $0xFFFFFD80  }
0x55: {  	[hbm4b:s0+s4] =	stream.strided.scatter [tilespmem:s9], [sflag:$0x7], $0x280, s21, s4, $0x38;
	[tilespmem:$0x1D580] =	vst v63  }
0x56: {  	_ =	swait.ge [sflag:s11], $0x280  }
0x57: {  	s0 =	rddreg [dreg:$0x17]  }
0x58: {  	s21 =	sadd.s32 $0x1, s0;
	s0 =	rddreg [dreg:$0x16]  }
0x59: {  	p0 =	sne.s32 s21, s0  }
.Ltmp1:
0x5a: {  	_ = 	snop;
	(pc) =	sbr.rel @!p0 .LBB2_7-.Ltmp1, $3  }
0x5b: {  	_ =	sdelay $0x1  }
0x5c: {  	[sflag:s11] =	ssyncset.done $0x0  }
0x5d: {  	[sflag:s11] =	ssyncadd.s32 $0xFFFFFD80  }
.LBB2_1:
0x5e: {  	[dreg:$0x17] =	wrdreg s21;
	s0 =	simm.s32 $0x0;
	s21 =	simm.s32 $0x200  }
.LBB2_2:
0x5f: {  	p0 =	sne.s32 s21, $0xFE00;
	[tilespmem:s0+$0x152F0] =	vst v0  }
0x60: {  	[tilespmem:s0+$0x15280] =	vst v0  }
0x61: {  	[tilespmem:s0+$0x15290] =	vst v0  }
.Ltmp2:
0x62: {  	[tilespmem:s0+$0x152A0] =	vst v0;
	(pc) =	sbr.rel @p0 .LBB2_2-.Ltmp2, $4  }
0x63: {  	[tilespmem:s0+$0x152B0] =	vst v0  }
0x64: {  	[tilespmem:s0+$0x152C0] =	vst v0  }
0x65: {  	[tilespmem:s0+$0x152D0] =	vst v0  }
0x66: {  	[tilespmem:s0+$0x152E0] =	vst v0;
	s0 =	sshra.s32 s21, $0x2;
	s21 =	sadd.s32 $0x200, s21  }
0x67: {  	[tilespmem:s0+$0x152F0] =	vst v0  }
0x68: {  	[tilespmem:s0+$0x15280] =	vst v0  }
0x69: {  	[tilespmem:s0+$0x15290] =	vst v0  }
0x6a: {  	[tilespmem:s0+$0x152A0] =	vst v0  }
0x6b: {  	[tilespmem:s0+$0x152B0] =	vst v0  }
0x6c: {  	[tilespmem:s0+$0x152C0] =	vst v0  }
0x6d: {  	[tilespmem:s0+$0x152D0] =	vst v0  }
0x6e: {  	[tilespmem:s0+$0x152E0] =	vst v0  }
0x6f: {  	[tilespmem:$0x1D280] =	vst v0  }
0x70: {  	[tilespmem:$0x1D290] =	vst v0  }
0x71: {  	[tilespmem:$0x1D2A0] =	vst v0  }
0x72: {  	[tilespmem:$0x1D2B0] =	vst v0  }
0x73: {  	[tilespmem:$0x1D2C0] =	vst v0  }
0x74: {  	[tilespmem:$0x1D2D0] =	vst v0  }
0x75: {  	[tilespmem:$0x1D2E0] =	vst v0  }
0x76: {  	[tilespmem:$0x1D2F0] =	vst v0  }
0x77: {  	[tilespmem:$0x1D300] =	vst v0  }
0x78: {  	[tilespmem:$0x1D310] =	vst v0  }
0x79: {  	[tilespmem:$0x1D320] =	vst v0  }
0x7a: {  	[tilespmem:$0x1D330] =	vst v0  }
0x7b: {  	[tilespmem:$0x1D340] =	vst v0  }
0x7c: {  	[tilespmem:$0x1D350] =	vst v0  }
0x7d: {  	[tilespmem:$0x1D360] =	vst v0  }
0x7e: {  	[tilespmem:$0x1D370] =	vst v0  }
0x7f: {  	[tilespmem:$0x1D380] =	vst v0  }
0x80: {  	[tilespmem:$0x1D390] =	vst v0  }
0x81: {  	[tilespmem:$0x1D3A0] =	vst v0  }
0x82: {  	[tilespmem:$0x1D3B0] =	vst v0  }
0x83: {  	[tilespmem:$0x1D3C0] =	vst v0  }
0x84: {  	[tilespmem:$0x1D3D0] =	vst v0  }
0x85: {  	[tilespmem:$0x1D3E0] =	vst v0  }
0x86: {  	[tilespmem:$0x1D3F0] =	vst v0  }
0x87: {  	[tilespmem:$0x1D400] =	vst v0  }
0x88: {  	[tilespmem:$0x1D410] =	vst v0  }
0x89: {  	[tilespmem:$0x1D420] =	vst v0  }
0x8a: {  	[tilespmem:$0x1D430] =	vst v0  }
0x8b: {  	[tilespmem:$0x1D440] =	vst v0  }
0x8c: {  	[tilespmem:$0x1D450] =	vst v0  }
0x8d: {  	[tilespmem:$0x1D460] =	vst v0  }
0x8e: {  	[tilespmem:$0x1D470] =	vst v0  }
0x8f: {  	[tilespmem:$0x1D480] =	vst v0  }
0x90: {  	[tilespmem:$0x1D490] =	vst v0  }
0x91: {  	[tilespmem:$0x1D4A0] =	vst v0  }
0x92: {  	[tilespmem:$0x1D4B0] =	vst v0  }
0x93: {  	[tilespmem:$0x1D4C0] =	vst v0  }
0x94: {  	[tilespmem:$0x1D4D0] =	vst v0  }
0x95: {  	[tilespmem:$0x1D4E0] =	vst v0  }
0x96: {  	[tilespmem:$0x1D4F0] =	vst v0  }
0x97: {  	[tilespmem:$0x1D500] =	vst v1  }
0x98: {  	[tilespmem:$0x1D510] =	vst v1  }
0x99: {  	[tilespmem:$0x1D520] =	vst v1  }
0x9a: {  	[tilespmem:$0x1D530] =	vst v1  }
0x9b: {  	[tilespmem:$0x1D540] =	vst v1  }
0x9c: {  	[tilespmem:$0x1D550] =	vst v1  }
0x9d: {  	[tilespmem:$0x1D560] =	vst v1  }
0x9e: {  	[tilespmem:$0x1D570] =	vst v1  }
0x9f: {  	[spmem:s24] =	stream.linear.scatter [tilespmem:s28], [sflag:$0x7], $0x4000, $0x38;
	[tilespmem:$0x1D580] =	vst v63  }
0xa0: {  	_ =	swait.ge [sflag:s11], $0x4000  }
0xa1: {  	[sflag:s11] =	ssyncset.done $0x0  }
0xa2: {  	[sflag:s11] =	ssyncadd.s32 $0xFFFFC000  }
0xa3: {  	[spmem:s30] =	stream.linear.scatter [tilespmem:s28], [sflag:$0x7], $0x4000, $0x38;
	[tilespmem:$0x1D580] =	vst v63  }
0xa4: {  	_ =	swait.ge [sflag:s11], $0x4000  }
0xa5: {  	[sflag:s11] =	ssyncset.done $0x0  }
0xa6: {  	s21 =	rddreg [dreg:$0x8];
	[sflag:s11] =	ssyncadd.s32 $0xFFFFC000  }
0xa7: {  	[spmem:s21] =	stream.linear.scatter [tilespmem:s28], [sflag:$0x7], $0x4000, $0x38;
	[tilespmem:$0x1D580] =	vst v63  }
0xa8: {  	_ =	swait.ge [sflag:s11], $0x4000  }
0xa9: {  	[sflag:s11] =	ssyncset.done $0x0  }
0xaa: {  	s24 =	rddreg [dreg:$0x9];
	[sflag:s11] =	ssyncadd.s32 $0xFFFFC000  }
0xab: {  	[spmem:s24] =	stream.linear.scatter [tilespmem:s28], [sflag:$0x7], $0x4000, $0x38;
	[tilespmem:$0x1D580] =	vst v63  }
0xac: {  	_ =	swait.ge [sflag:s11], $0x4000  }
0xad: {  	[sflag:s11] =	ssyncset.done $0x0  }
0xae: {  	s30 =	rddreg [dreg:$0xa];
	[sflag:s11] =	ssyncadd.s32 $0xFFFFC000  }
0xaf: {  	[spmem:s30] =	stream.linear.scatter [tilespmem:s28], [sflag:$0x7], $0x4000, $0x38;
	[tilespmem:$0x1D580] =	vst v63  }
0xb0: {  	_ =	swait.ge [sflag:s11], $0x4000  }
0xb1: {  	[sflag:s11] =	ssyncset.done $0x0  }
0xb2: {  	s21 =	rddreg [dreg:$0xb];
	[sflag:s11] =	ssyncadd.s32 $0xFFFFC000  }
0xb3: {  	[spmem:s21] =	stream.linear.scatter [tilespmem:s9], [sflag:$0x7], $0x280, $0x38;
	[tilespmem:$0x1D580] =	vst v63  }
0xb4: {  	_ =	swait.ge [sflag:s11], $0x280  }
0xb5: {  	[sflag:s11] =	ssyncset.done $0x0  }
0xb6: {  	[sflag:s11] =	ssyncadd.s32 $0xFFFFFD80  }
0xb7: {  	[bflag:$0x0] =	sbarrier.arrive $0xFFFF  }
0xb8: {  	s0 =	simm.s32 $0x0;
	s21 =	simm.s32 $0x14280;
	s24 =	rddreg [dreg:$0xc]  }
0xb9: {  	[tilespmem:s21], [sflag:$0x7] =	stream.linear.gather [hbm4b:s24+s0], $0x400, $0x38;
	[tilespmem:$0x1D580] =	vst v63  }
0xba: {  	_ =	swait.ge [sflag:s11], $0x400  }
0xbb: {  	[sflag:s11] =	ssyncset.done $0x0  }
0xbc: {  	s30 =	rddreg [dreg:$0xd];
	[sflag:s11] =	ssyncadd.s32 $0xFFFFFC00  }
0xbd: {  	[tilespmem:s13], [sflag:$0x7] =	stream.linear.gather [hbm4b:s30+s0], $0x400, $0x38;
	[tilespmem:$0x1D580] =	vst v63  }
0xbe: {  	_ =	swait.ge [sflag:s11], $0x400  }
0xbf: {  	[sflag:s11] =	ssyncset.done $0x0;
	s24 =	rddreg [dreg:$0x13]  }
0xc0: {  	s30 =	rddreg [dreg:$0x14];
	[sflag:s11] =	ssyncadd.s32 $0xFFFFFC00  }
0xc1: {  	[tilespmem:s28], [sflag:$0x1] =	stream.indirect.gather [hbm4b:s6+s4], $0x80, s21, s4, $0xb8;
	[tilespmem:$0x1D580] =	vst v63  }
0xc2: {  	s11 =	simm.s32 $0x14A80;
	s21 =	rddreg [dreg:$0x5]  }
0xc3: {  	[tilespmem:s11], [sflag:$0x3] =	stream.linear.gather [hbm4b:s24+s0], $0x400, $0x38;
	[tilespmem:$0x1D580] =	vst v63  }
0xc4: {  	s24 =	rddreg [dreg:$0x1]  }
0xc5: {  	[tilespmem:s14], [sflag:$0x4] =	stream.linear.gather [hbm4b:s30+s0], $0x400, $0x38;
	[tilespmem:$0x1D580] =	vst v63  }
.LBB2_4:
0xc6: {  	_ =	swait.ge [sflag:s15], $0x4000  }
0xc7: {  	[sflag:s15] =	ssyncset.done $0x0  }
0xc8: {  	s9 =	simm.s32 $0x14300;
	[sflag:s15] =	ssyncadd.s32 $0xFFFFC000  }
0xc9: {  	[tilespmem:s16], [sflag:$0x2] =	stream.indirect.gather [hbm4b:s6+s4], $0x80, s9, s4, $0xb8;
	[tilespmem:$0x1D580] =	vst v63  }
0xca: {  	s30 =	simm.s32 $0x14680  }
0xcb: {  	[spmem:s2] =	stream.indirect.scatter.add.f32 [tilespmem:s28], [sflag:$0x5], $0x80, s30, s4, $0xb8;
	[tilespmem:$0x1D580] =	vst v63  }
0xcc: {  	_ = 	snop  }
0xcd: {  	[spmem:s3] =	stream.indirect.scatter.add.f32 [tilespmem:s17], [sflag:$0x5], $0x1, s30, s4, $0xb8;
	[tilespmem:$0x1D580] =	vst v63  }
0xce: {  	_ =	swait.ge [sflag:s18], $0x4000  }
0xcf: {  	[sflag:s18] =	ssyncset.done $0x0  }
0xd0: {  	[sflag:s18] =	ssyncadd.s32 $0xFFFFC000  }
0xd1: {  	_ =	swait.ge [sflag:s19], $0x4000  }
0xd2: {  	[sflag:s19] =	ssyncset.done $0x0  }
0xd3: {  	[sflag:s19] =	ssyncadd.s32 $0xFFFFC000  }
0xd4: {  	_ =	swait.ge [sflag:s19], $0x80  }
0xd5: {  	[sflag:s19] =	ssyncset.done $0x0  }
0xd6: {  	s30 =	simm.s32 $0x14380;
	[sflag:s19] =	ssyncadd.s32 $0xFFFFFF80  }
0xd7: {  	[tilespmem:s28], [sflag:$0x1] =	stream.indirect.gather [hbm4b:s6+s4], $0x80, s30, s4, $0xb8;
	[tilespmem:$0x1D580] =	vst v63  }
0xd8: {  	s30 =	simm.s32 $0x14700  }
0xd9: {  	[spmem:s2] =	stream.indirect.scatter.add.f32 [tilespmem:s16], [sflag:$0x6], $0x80, s30, s4, $0xb8;
	[tilespmem:$0x1D580] =	vst v63  }
0xda: {  	_ = 	snop  }
0xdb: {  	[spmem:s3] =	stream.indirect.scatter.add.f32 [tilespmem:s17], [sflag:$0x6], $0x1, s30, s4, $0xb8;
	[tilespmem:$0x1D580] =	vst v63  }
0xdc: {  	_ =	swait.ge [sflag:s15], $0x4000  }
0xdd: {  	[sflag:s15] =	ssyncset.done $0x0  }
0xde: {  	[sflag:s15] =	ssyncadd.s32 $0xFFFFC000  }
0xdf: {  	_ =	swait.ge [sflag:s22], $0x4000  }
0xe0: {  	[sflag:s22] =	ssyncset.done $0x0  }
0xe1: {  	[sflag:s22] =	ssyncadd.s32 $0xFFFFC000  }
0xe2: {  	_ =	swait.ge [sflag:s22], $0x80  }
0xe3: {  	[sflag:s22] =	ssyncset.done $0x0  }
0xe4: {  	s30 =	simm.s32 $0x14400;
	[sflag:s22] =	ssyncadd.s32 $0xFFFFFF80  }
0xe5: {  	[tilespmem:s16], [sflag:$0x2] =	stream.indirect.gather [hbm4b:s6+s4], $0x80, s30, s4, $0xb8;
	[tilespmem:$0x1D580] =	vst v63  }
0xe6: {  	s30 =	simm.s32 $0x14780  }
0xe7: {  	[spmem:s2] =	stream.indirect.scatter.add.f32 [tilespmem:s28], [sflag:$0x5], $0x80, s30, s4, $0xb8;
	[tilespmem:$0x1D580] =	vst v63  }
0xe8: {  	_ = 	snop  }
0xe9: {  	[spmem:s3] =	stream.indirect.scatter.add.f32 [tilespmem:s17], [sflag:$0x5], $0x1, s30, s4, $0xb8;
	[tilespmem:$0x1D580] =	vst v63  }
0xea: {  	_ =	swait.ge [sflag:s18], $0x4000  }
0xeb: {  	[sflag:s18] =	ssyncset.done $0x0  }
0xec: {  	[sflag:s18] =	ssyncadd.s32 $0xFFFFC000  }
0xed: {  	_ =	swait.ge [sflag:s19], $0x4000  }
0xee: {  	[sflag:s19] =	ssyncset.done $0x0  }
0xef: {  	[sflag:s19] =	ssyncadd.s32 $0xFFFFC000  }
0xf0: {  	_ =	swait.ge [sflag:s19], $0x80  }
0xf1: {  	[sflag:s19] =	ssyncset.done $0x0  }
0xf2: {  	s30 =	simm.s32 $0x14480;
	[sflag:s19] =	ssyncadd.s32 $0xFFFFFF80  }
0xf3: {  	[tilespmem:s28], [sflag:$0x1] =	stream.indirect.gather [hbm4b:s6+s4], $0x80, s30, s4, $0xb8;
	[tilespmem:$0x1D580] =	vst v63  }
0xf4: {  	s30 =	simm.s32 $0x14800  }
0xf5: {  	[spmem:s2] =	stream.indirect.scatter.add.f32 [tilespmem:s16], [sflag:$0x6], $0x80, s30, s4, $0xb8;
	[tilespmem:$0x1D580] =	vst v63  }
0xf6: {  	_ = 	snop  }
0xf7: {  	[spmem:s3] =	stream.indirect.scatter.add.f32 [tilespmem:s17], [sflag:$0x6], $0x1, s30, s4, $0xb8;
	[tilespmem:$0x1D580] =	vst v63  }
0xf8: {  	_ =	swait.ge [sflag:s15], $0x4000  }
0xf9: {  	[sflag:s15] =	ssyncset.done $0x0  }
0xfa: {  	[sflag:s15] =	ssyncadd.s32 $0xFFFFC000  }
0xfb: {  	_ =	swait.ge [sflag:s22], $0x4000  }
0xfc: {  	[sflag:s22] =	ssyncset.done $0x0  }
0xfd: {  	[sflag:s22] =	ssyncadd.s32 $0xFFFFC000  }
0xfe: {  	_ =	swait.ge [sflag:s22], $0x80  }
0xff: {  	[sflag:s22] =	ssyncset.done $0x0  }
0x100: {  	s30 =	simm.s32 $0x14500;
	[sflag:s22] =	ssyncadd.s32 $0xFFFFFF80  }
0x101: {  	[tilespmem:s16], [sflag:$0x2] =	stream.indirect.gather [hbm4b:s6+s4], $0x80, s30, s4, $0xb8;
	[tilespmem:$0x1D580] =	vst v63  }
0x102: {  	s30 =	simm.s32 $0x14880  }
0x103: {  	[spmem:s2] =	stream.indirect.scatter.add.f32 [tilespmem:s28], [sflag:$0x5], $0x80, s30, s4, $0xb8;
	[tilespmem:$0x1D580] =	vst v63  }
0x104: {  	_ = 	snop  }
0x105: {  	[spmem:s3] =	stream.indirect.scatter.add.f32 [tilespmem:s17], [sflag:$0x5], $0x1, s30, s4, $0xb8;
	[tilespmem:$0x1D580] =	vst v63  }
0x106: {  	_ =	swait.ge [sflag:s18], $0x4000  }
0x107: {  	[sflag:s18] =	ssyncset.done $0x0  }
0x108: {  	[sflag:s18] =	ssyncadd.s32 $0xFFFFC000  }
0x109: {  	_ =	swait.ge [sflag:s19], $0x4000  }
0x10a: {  	[sflag:s19] =	ssyncset.done $0x0  }
0x10b: {  	[sflag:s19] =	ssyncadd.s32 $0xFFFFC000  }
0x10c: {  	_ =	swait.ge [sflag:s19], $0x80  }
0x10d: {  	[sflag:s19] =	ssyncset.done $0x0  }
0x10e: {  	s30 =	simm.s32 $0x14580;
	[sflag:s19] =	ssyncadd.s32 $0xFFFFFF80  }
0x10f: {  	[tilespmem:s28], [sflag:$0x1] =	stream.indirect.gather [hbm4b:s6+s4], $0x80, s30, s4, $0xb8;
	[tilespmem:$0x1D580] =	vst v63  }
0x110: {  	s30 =	simm.s32 $0x14900  }
0x111: {  	[spmem:s2] =	stream.indirect.scatter.add.f32 [tilespmem:s16], [sflag:$0x6], $0x80, s30, s4, $0xb8;
	[tilespmem:$0x1D580] =	vst v63  }
0x112: {  	_ = 	snop  }
0x113: {  	[spmem:s3] =	stream.indirect.scatter.add.f32 [tilespmem:s17], [sflag:$0x6], $0x1, s30, s4, $0xb8;
	[tilespmem:$0x1D580] =	vst v63  }
0x114: {  	_ =	swait.ge [sflag:s15], $0x4000  }
0x115: {  	[sflag:s15] =	ssyncset.done $0x0  }
0x116: {  	[sflag:s15] =	ssyncadd.s32 $0xFFFFC000  }
0x117: {  	_ =	swait.ge [sflag:s22], $0x4000  }
0x118: {  	[sflag:s22] =	ssyncset.done $0x0  }
0x119: {  	[sflag:s22] =	ssyncadd.s32 $0xFFFFC000  }
0x11a: {  	_ =	swait.ge [sflag:s22], $0x80  }
0x11b: {  	[sflag:s22] =	ssyncset.done $0x0  }
0x11c: {  	s30 =	simm.s32 $0x14600;
	[sflag:s22] =	ssyncadd.s32 $0xFFFFFF80  }
0x11d: {  	[tilespmem:s16], [sflag:$0x2] =	stream.indirect.gather [hbm4b:s6+s4], $0x80, s30, s4, $0xb8;
	[tilespmem:$0x1D580] =	vst v63  }
0x11e: {  	s30 =	simm.s32 $0x14980  }
0x11f: {  	[spmem:s2] =	stream.indirect.scatter.add.f32 [tilespmem:s28], [sflag:$0x5], $0x80, s30, s4, $0xb8;
	[tilespmem:$0x1D580] =	vst v63  }
0x120: {  	_ = 	snop  }
0x121: {  	[spmem:s3] =	stream.indirect.scatter.add.f32 [tilespmem:s17], [sflag:$0x5], $0x1, s30, s4, $0xb8;
	[tilespmem:$0x1D580] =	vst v63  }
0x122: {  	_ =	swait.ge [sflag:s18], $0x4000  }
0x123: {  	[sflag:s18] =	ssyncset.done $0x0  }
0x124: {  	[sflag:s18] =	ssyncadd.s32 $0xFFFFC000  }
0x125: {  	_ =	swait.ge [sflag:s19], $0x4000  }
0x126: {  	[sflag:s19] =	ssyncset.done $0x0  }
0x127: {  	[sflag:s19] =	ssyncadd.s32 $0xFFFFC000  }
0x128: {  	_ =	swait.ge [sflag:s19], $0x80  }
0x129: {  	[sflag:s19] =	ssyncset.done $0x0  }
0x12a: {  	[sflag:s19] =	ssyncadd.s32 $0xFFFFFF80  }
0x12b: {  	_ =	swait.ge [sflag:s7], $0x400  }
0x12c: {  	[sflag:s7] =	ssyncset.done $0x0  }
0x12d: {  	[sflag:s7] =	ssyncadd.s32 $0xFFFFFC00  }
0x12e: {  	_ =	swait.ge [sflag:s20], $0x400  }
0x12f: {  	[sflag:s20] =	ssyncset.done $0x0  }
0x130: {  	[sflag:s20] =	ssyncadd.s32 $0xFFFFFC00  }
0x131: {  	[tilespmem:s28], [sflag:$0x1] =	stream.indirect.gather [hbm4b:s6+s4], $0x80, s11, s4, $0xb8;
	[tilespmem:$0x1D580] =	vst v63  }
0x132: {  	s11 =	simm.s32 $0x14A00  }
0x133: {  	[spmem:s2] =	stream.indirect.scatter.add.f32 [tilespmem:s16], [sflag:$0x6], $0x80, s11, s4, $0xb8;
	[tilespmem:$0x1D580] =	vst v63  }
0x134: {  	_ = 	snop  }
0x135: {  	[spmem:s3] =	stream.indirect.scatter.add.f32 [tilespmem:s17], [sflag:$0x6], $0x1, s11, s4, $0xb8;
	[tilespmem:$0x1D580] =	vst v63  }
0x136: {  	_ =	swait.ge [sflag:s22], $0x4000  }
0x137: {  	[sflag:s22] =	ssyncset.done $0x0  }
0x138: {  	[sflag:s22] =	ssyncadd.s32 $0xFFFFC000  }
0x139: {  	p0 =	seq.s32 s0, $0x9;
	_ =	swait.ge [sflag:s22], $0x80  }
0x13a: {  	s9 =	simm.s32 @!p0 $0x0;
	[sflag:s22] =	ssyncset.done $0x0  }
0x13b: {  	s30 =	sadd.s32 @!p0 s21, s26;
	s11 =	simm.s32 @!p0 $0x14280;
	[sflag:s22] =	ssyncadd.s32 $0xFFFFFF80  }
0x13c: {  	[tilespmem:s11], [sflag:$0x3] =	stream.linear.gather @!p0 [hbm4b:s30+s9], $0x400, $0x38;
	[tilespmem:$0x1D580] =	vst v63  }
0x13d: {  	s11 =	sadd.s32 @!p0 s24, s26;
	s30 =	simm.s32 @!p0 $0x14680  }
0x13e: {  	[tilespmem:s30], [sflag:$0x4] =	stream.linear.gather @!p0 [hbm4b:s11+s9], $0x400, $0x38;
	[tilespmem:$0x1D580] =	vst v63  }
0x13f: {  	_ =	swait.ge [sflag:s15], $0x4000  }
0x140: {  	[sflag:s15] =	ssyncset.done $0x0  }
0x141: {  	s30 =	simm.s32 $0x14B00;
	[sflag:s15] =	ssyncadd.s32 $0xFFFFC000  }
0x142: {  	[tilespmem:s16], [sflag:$0x2] =	stream.indirect.gather [hbm4b:s6+s4], $0x80, s30, s4, $0xb8;
	[tilespmem:$0x1D580] =	vst v63  }
0x143: {  	_ = 	snop  }
0x144: {  	[spmem:s2] =	stream.indirect.scatter.add.f32 [tilespmem:s28], [sflag:$0x5], $0x80, s14, s4, $0xb8;
	[tilespmem:$0x1D580] =	vst v63  }
0x145: {  	_ = 	snop  }
0x146: {  	[spmem:s3] =	stream.indirect.scatter.add.f32 [tilespmem:s17], [sflag:$0x5], $0x1, s14, s4, $0xb8;
	[tilespmem:$0x1D580] =	vst v63  }
0x147: {  	_ =	swait.ge [sflag:s18], $0x4000  }
0x148: {  	[sflag:s18] =	ssyncset.done $0x0  }
0x149: {  	[sflag:s18] =	ssyncadd.s32 $0xFFFFC000  }
0x14a: {  	_ =	swait.ge [sflag:s19], $0x4000  }
0x14b: {  	[sflag:s19] =	ssyncset.done $0x0  }
0x14c: {  	[sflag:s19] =	ssyncadd.s32 $0xFFFFC000  }
0x14d: {  	_ =	swait.ge [sflag:s19], $0x80  }
0x14e: {  	[sflag:s19] =	ssyncset.done $0x0  }
0x14f: {  	s11 =	simm.s32 $0x14B80;
	[sflag:s19] =	ssyncadd.s32 $0xFFFFFF80  }
0x150: {  	[tilespmem:s28], [sflag:$0x1] =	stream.indirect.gather [hbm4b:s6+s4], $0x80, s11, s4, $0xb8;
	[tilespmem:$0x1D580] =	vst v63  }
0x151: {  	_ = 	snop  }
0x152: {  	[spmem:s2] =	stream.indirect.scatter.add.f32 [tilespmem:s16], [sflag:$0x6], $0x80, s10, s4, $0xb8;
	[tilespmem:$0x1D580] =	vst v63  }
0x153: {  	_ = 	snop  }
0x154: {  	[spmem:s3] =	stream.indirect.scatter.add.f32 [tilespmem:s17], [sflag:$0x6], $0x1, s10, s4, $0xb8;
	[tilespmem:$0x1D580] =	vst v63  }
0x155: {  	_ =	swait.ge [sflag:s15], $0x4000  }
0x156: {  	[sflag:s15] =	ssyncset.done $0x0  }
0x157: {  	[sflag:s15] =	ssyncadd.s32 $0xFFFFC000  }
0x158: {  	_ =	swait.ge [sflag:s22], $0x4000  }
0x159: {  	[sflag:s22] =	ssyncset.done $0x0  }
0x15a: {  	[sflag:s22] =	ssyncadd.s32 $0xFFFFC000  }
0x15b: {  	_ =	swait.ge [sflag:s22], $0x80  }
0x15c: {  	[sflag:s22] =	ssyncset.done $0x0  }
0x15d: {  	s30 =	simm.s32 $0x14C00;
	[sflag:s22] =	ssyncadd.s32 $0xFFFFFF80  }
0x15e: {  	[tilespmem:s16], [sflag:$0x2] =	stream.indirect.gather [hbm4b:s6+s4], $0x80, s30, s4, $0xb8;
	[tilespmem:$0x1D580] =	vst v63  }
0x15f: {  	_ = 	snop  }
0x160: {  	[spmem:s2] =	stream.indirect.scatter.add.f32 [tilespmem:s28], [sflag:$0x5], $0x80, s31, s4, $0xb8;
	[tilespmem:$0x1D580] =	vst v63  }
0x161: {  	_ = 	snop  }
0x162: {  	[spmem:s3] =	stream.indirect.scatter.add.f32 [tilespmem:s17], [sflag:$0x5], $0x1, s31, s4, $0xb8;
	[tilespmem:$0x1D580] =	vst v63  }
0x163: {  	_ =	swait.ge [sflag:s18], $0x4000  }
0x164: {  	[sflag:s18] =	ssyncset.done $0x0  }
0x165: {  	[sflag:s18] =	ssyncadd.s32 $0xFFFFC000  }
0x166: {  	_ =	swait.ge [sflag:s19], $0x4000  }
0x167: {  	[sflag:s19] =	ssyncset.done $0x0  }
0x168: {  	[sflag:s19] =	ssyncadd.s32 $0xFFFFC000  }
0x169: {  	_ =	swait.ge [sflag:s19], $0x80  }
0x16a: {  	[sflag:s19] =	ssyncset.done $0x0  }
0x16b: {  	s11 =	simm.s32 $0x14C80;
	[sflag:s19] =	ssyncadd.s32 $0xFFFFFF80  }
0x16c: {  	[tilespmem:s28], [sflag:$0x1] =	stream.indirect.gather [hbm4b:s6+s4], $0x80, s11, s4, $0xb8;
	[tilespmem:$0x1D580] =	vst v63  }
0x16d: {  	_ = 	snop  }
0x16e: {  	[spmem:s2] =	stream.indirect.scatter.add.f32 [tilespmem:s16], [sflag:$0x6], $0x80, s12, s4, $0xb8;
	[tilespmem:$0x1D580] =	vst v63  }
0x16f: {  	_ = 	snop  }
0x170: {  	[spmem:s3] =	stream.indirect.scatter.add.f32 [tilespmem:s17], [sflag:$0x6], $0x1, s12, s4, $0xb8;
	[tilespmem:$0x1D580] =	vst v63  }
0x171: {  	_ =	swait.ge [sflag:s15], $0x4000  }
0x172: {  	[sflag:s15] =	ssyncset.done $0x0  }
0x173: {  	[sflag:s15] =	ssyncadd.s32 $0xFFFFC000  }
0x174: {  	_ =	swait.ge [sflag:s22], $0x4000  }
0x175: {  	[sflag:s22] =	ssyncset.done $0x0  }
0x176: {  	[sflag:s22] =	ssyncadd.s32 $0xFFFFC000  }
0x177: {  	_ =	swait.ge [sflag:s22], $0x80  }
0x178: {  	[sflag:s22] =	ssyncset.done $0x0  }
0x179: {  	s30 =	simm.s32 $0x14D00;
	[sflag:s22] =	ssyncadd.s32 $0xFFFFFF80  }
0x17a: {  	[tilespmem:s16], [sflag:$0x2] =	stream.indirect.gather [hbm4b:s6+s4], $0x80, s30, s4, $0xb8;
	[tilespmem:$0x1D580] =	vst v63  }
0x17b: {  	_ = 	snop  }
0x17c: {  	[spmem:s2] =	stream.indirect.scatter.add.f32 [tilespmem:s28], [sflag:$0x5], $0x80, s8, s4, $0xb8;
	[tilespmem:$0x1D580] =	vst v63  }
0x17d: {  	_ = 	snop  }
0x17e: {  	[spmem:s3] =	stream.indirect.scatter.add.f32 [tilespmem:s17], [sflag:$0x5], $0x1, s8, s4, $0xb8;
	[tilespmem:$0x1D580] =	vst v63  }
0x17f: {  	_ =	swait.ge [sflag:s18], $0x4000  }
0x180: {  	[sflag:s18] =	ssyncset.done $0x0  }
0x181: {  	[sflag:s18] =	ssyncadd.s32 $0xFFFFC000  }
0x182: {  	_ =	swait.ge [sflag:s19], $0x4000  }
0x183: {  	[sflag:s19] =	ssyncset.done $0x0  }
0x184: {  	[sflag:s19] =	ssyncadd.s32 $0xFFFFC000  }
0x185: {  	_ =	swait.ge [sflag:s19], $0x80  }
0x186: {  	[sflag:s19] =	ssyncset.done $0x0  }
0x187: {  	s11 =	simm.s32 $0x14D80;
	[sflag:s19] =	ssyncadd.s32 $0xFFFFFF80  }
0x188: {  	[tilespmem:s28], [sflag:$0x1] =	stream.indirect.gather [hbm4b:s6+s4], $0x80, s11, s4, $0xb8;
	[tilespmem:$0x1D580] =	vst v63  }
0x189: {  	_ = 	snop  }
0x18a: {  	[spmem:s2] =	stream.indirect.scatter.add.f32 [tilespmem:s16], [sflag:$0x6], $0x80, s5, s4, $0xb8;
	[tilespmem:$0x1D580] =	vst v63  }
0x18b: {  	_ = 	snop  }
0x18c: {  	[spmem:s3] =	stream.indirect.scatter.add.f32 [tilespmem:s17], [sflag:$0x6], $0x1, s5, s4, $0xb8;
	[tilespmem:$0x1D580] =	vst v63  }
0x18d: {  	_ =	swait.ge [sflag:s15], $0x4000  }
0x18e: {  	[sflag:s15] =	ssyncset.done $0x0  }
0x18f: {  	[sflag:s15] =	ssyncadd.s32 $0xFFFFC000  }
0x190: {  	_ =	swait.ge [sflag:s22], $0x4000  }
0x191: {  	[sflag:s22] =	ssyncset.done $0x0  }
0x192: {  	[sflag:s22] =	ssyncadd.s32 $0xFFFFC000  }
0x193: {  	_ =	swait.ge [sflag:s22], $0x80  }
0x194: {  	[sflag:s22] =	ssyncset.done $0x0  }
0x195: {  	s30 =	simm.s32 $0x14E00;
	[sflag:s22] =	ssyncadd.s32 $0xFFFFFF80  }
0x196: {  	[tilespmem:s16], [sflag:$0x2] =	stream.indirect.gather [hbm4b:s6+s4], $0x80, s30, s4, $0xb8;
	[tilespmem:$0x1D580] =	vst v63  }
0x197: {  	_ = 	snop  }
0x198: {  	[spmem:s2] =	stream.indirect.scatter.add.f32 [tilespmem:s28], [sflag:$0x5], $0x80, s29, s4, $0xb8;
	[tilespmem:$0x1D580] =	vst v63  }
0x199: {  	_ = 	snop  }
0x19a: {  	[spmem:s3] =	stream.indirect.scatter.add.f32 [tilespmem:s17], [sflag:$0x5], $0x1, s29, s4, $0xb8;
	[tilespmem:$0x1D580] =	vst v63  }
0x19b: {  	_ =	swait.ge [sflag:s18], $0x4000  }
0x19c: {  	[sflag:s18] =	ssyncset.done $0x0  }
0x19d: {  	[sflag:s18] =	ssyncadd.s32 $0xFFFFC000  }
0x19e: {  	_ =	swait.ge [sflag:s19], $0x4000  }
0x19f: {  	[sflag:s19] =	ssyncset.done $0x0  }
0x1a0: {  	[sflag:s19] =	ssyncadd.s32 $0xFFFFC000  }
0x1a1: {  	_ =	swait.ge [sflag:s19], $0x80  }
0x1a2: {  	p1 =	sgt.u32 s0, $0x8;
	[sflag:s19] =	ssyncset.done $0x0  }
0x1a3: {  	s9 =	simm.s32 @!p1 $0x3;
	[sflag:s19] =	ssyncadd.s32 $0xFFFFFF80  }
0x1a4: {  	_ =	swait.ge @!p1 [sflag:s9], $0x400  }
0x1a5: {  	[sflag:s9] =	ssyncset.done @!p1 $0x0  }
0x1a6: {  	[sflag:s9] =	ssyncadd.s32 @!p1 $0xFFFFFC00;
	s9 =	simm.s32 @!p1 $0x4  }
0x1a7: {  	_ =	swait.ge @!p1 [sflag:s9], $0x400  }
0x1a8: {  	s11 =	simm.s32 @!p1 $0x14280;
	[sflag:s9] =	ssyncset.done @!p1 $0x0  }
0x1a9: {  	s30 =	simm.s32 @!p1 $0x15280;
	[sflag:s9] =	ssyncadd.s32 @!p1 $0xFFFFFC00;
	s9 =	simm.s32 @!p1 $0x80  }
0x1aa: {  	[tilespmem:s30], [sflag:$0x1] =	stream.indirect.gather @!p1 [hbm4b:s6+s9], $0x80, s11, s9, $0xb8;
	[tilespmem:$0x1D580] =	vst v63  }
0x1ab: {  	_ = 	snop  }
0x1ac: {  	[spmem:s2] =	stream.indirect.scatter.add.f32 [tilespmem:s16], [sflag:$0x6], $0x80, s1, s4, $0xb8;
	[tilespmem:$0x1D580] =	vst v63  }
0x1ad: {  	_ = 	snop  }
0x1ae: {  	[spmem:s3] =	stream.indirect.scatter.add.f32 [tilespmem:s17], [sflag:$0x6], $0x1, s1, s4, $0xb8;
	[tilespmem:$0x1D580] =	vst v63  }
0x1af: {  	_ =	swait.ge [sflag:s22], $0x4000  }
.Ltmp3:
0x1b0: {  	[sflag:s22] =	ssyncset.done $0x0;
	(pc) =	sbr.rel @p0 .LBB2_6-.Ltmp3, $4  }
0x1b1: {  	[sflag:s22] =	ssyncadd.s32 $0xFFFFC000  }
0x1b2: {  	_ =	swait.ge [sflag:s22], $0x80  }
0x1b3: {  	[sflag:s22] =	ssyncset.done $0x0  }
0x1b4: {  	s13 =	simm.s32 $0x14680;
	[sflag:s22] =	ssyncadd.s32 $0xFFFFFF80  }
.Ltmp4:
0x1b5: {  	s9 =	sadd.s32 s21, s25;
	s11 =	simm.s32 $0x0;
	(pc) =	sbr.rel .LBB2_4-.Ltmp4, $4  }
0x1b6: {  	[tilespmem:s23], [sflag:$0x3] =	stream.linear.gather [hbm4b:s9+s11], $0x400, $0x38;
	[tilespmem:$0x1D580] =	vst v63  }
0x1b7: {  	s30 =	sadd.s32 s24, s25;
	s0 =	sadd.s32 $0x1, s0  }
0x1b8: {  	[tilespmem:s14], [sflag:$0x4] =	stream.linear.gather [hbm4b:s30+s11], $0x400, $0x38;
	[tilespmem:$0x1D580] =	vst v63  }
0x1b9: {  	s24 =	sadd.s32 $0x100, s24;
	s21 =	sadd.s32 $0x100, s21;
	s11 =	simm.s32 $0x14A80  }
.LBB2_7:
0x1ba: {  	_ =	sfence.sel $0x180000  }
0x1bb: {  	[bflag:$0x0] =	sbarrier.arrive $0xFFFF  }
0x1bc: {  	_ =	strace $0x9000004A  }
0x1bd: {  	s0 =	stileid.u32;
	[bflag:$0x2] =	sbarrier.arrive $0xFFFF  }
0x1be: {  	p0 =	sne.s32 s0, $0x0;
	s0 =	rddreg [dreg:$0x4]  }
0x1bf: {  	s0 =	sadd.s32 @!p0 $0x100000, s0  }
0x1c0: {  	[sflag:s0] =	ssyncadd.tile.s32 @!p0 $0x1;
	_ =	shalt  }
.Lfunc_end2:
_tile_overlayer_lowered:
.L_overlay_start_2:
0x1c1: {  	(tag) =	ssettag $0x2  }
0x1c2: {  	s0 =	rddreg [dreg:$0x0];
	s2 =	stileid.u32  }
0x1c3: {  	s1 =	rddreg [dreg:$0x1];
	p0 =	sne.s32 s2, $0x0  }
0x1c4: {  	s3 =	rddreg [dreg:$0x2];
	[bflag:$0x3] =	sbarrier.arrive $0xFFFF;
	s2 =	simm.s32 @!p0 $0x1C07  }
0x1c5: {  	[timem:s3], [sflag:s2] =	dma.local @!p0 [hbm:s0], s1  }
0x1c6: {  	s0 =	simm.s32 @!p0 $0x7  }
0x1c7: {  	_ =	swait.ge @!p0 [sflag:s0], s1  }
0x1c8: {  	s1 =	ssub.s32 @!p0 $0x0, s1;
	[sflag:s0] =	ssyncset.done @!p0 $0x0  }
0x1c9: {  	[sflag:s0] =	ssyncadd.s32 @!p0 s1  }
0x1ca: {  	[bflag:$0x3] =	sbarrier.arrive $0xFFFF  }
0x1cb: {  	_ =	shalt  }

</sc_bundles>
